<compile_context>
chip_gen: v7x
topology: tpu7x:2x2x1
jax: 0.10.2.dev20260603
libtpu: 0.0.44.dev20260713+nightly
codegen_flags: <defaults>
</compile_context>

<pallas_src>
import functools

import jax
import jax.numpy as jnp
from jax import lax
from jax.experimental import pallas as pl
from jax.experimental.pallas import tpu as pltpu
from jax.experimental.pallas import tpu_sc as plsc

_N = 100000
_D = 128
_T_ROWS = 457
_NC = 2
_NS = 16
_NW = _NC * _NS
_OCT = _N // 8 // _NW
_OCT_EXTRA = _N // 8 - _OCT * _NW
_CHUNK = 32
_NPAIRS = 49
_XROWS = 3136
_WDIMS = (5, 12, 12, 10, 6, 6, 2, 2)
_WOFF = []
_acc = 0
for _d in _WDIMS:
  _WOFF.append(_acc * _D)
  _acc += _d
_WSIZE = _acc * _D

_BCAST_DN = lax.GatherDimensionNumbers(
    offset_dims=(), collapsed_slice_dims=(0,), start_index_map=(0,))


def _bcast(vec, r):
  return lax.gather(vec, jnp.full((16, 1), r, jnp.int32), _BCAST_DN, (1,),
                    mode=lax.GatherScatterMode.PROMISE_IN_BOUNDS)


@functools.partial(
    pl.kernel,
    out_type=jax.ShapeDtypeStruct((_N * _D,), jnp.float32),
    mesh=plsc.VectorSubcoreMesh(core_axis_name="c", subcore_axis_name="s"),
    compiler_params=pltpu.CompilerParams(needs_layout_passes=False),
    scratch_types=[
        pltpu.VMEM((_T_ROWS * _D,), jnp.float32),
        pltpu.VMEM((_WSIZE,), jnp.float32),
        pltpu.VMEM((_XROWS * 9,), jnp.int32),
        pltpu.VMEM((_CHUNK * _D,), jnp.float32),
        pltpu.VMEM((_CHUNK * _D,), jnp.float32),
        pltpu.SemaphoreType.DMA,
        pltpu.SemaphoreType.DMA,
    ],
)
def _sc_lookup(x_hbm, w0_hbm, w1_hbm, w2_hbm, w3_hbm, w4_hbm, w5_hbm,
               w6_hbm, w7_hbm, w8_hbm, out_hbm, t_v, w_v, x_v, o_a, o_b,
               sem_a, sem_b):
  wid = lax.axis_index("s") * _NC + lax.axis_index("c")
  w = wid.astype(jnp.int32)
  start8 = w * _OCT + jnp.minimum(w, _OCT_EXTRA)
  n8 = _OCT + (w < _OCT_EXTRA).astype(jnp.int32)
  wstart = start8 * 8
  wlast = wstart + n8 * 8 - _CHUNK
  xbase = jnp.minimum(wstart, _N - _XROWS)

  pltpu.sync_copy(x_hbm.at[pl.ds(xbase * 9, _XROWS * 9)], x_v)
  pltpu.sync_copy(w0_hbm, t_v.at[pl.ds(0, 119 * _D)])
  for i, wh in enumerate((w1_hbm, w2_hbm, w3_hbm, w4_hbm,
                          w5_hbm, w6_hbm, w7_hbm, w8_hbm)):
    pltpu.sync_copy(wh, w_v.at[pl.ds(_WOFF[i], _WDIMS[i] * _D)])

  lane = lax.iota(jnp.int32, 16)
  lane9 = lane * 9
  coffs = [lane + 16 * c8 for c8 in range(_D // 16)]

  def g1_row(r, carry):
    p = r // 10
    q = r % 10
    s1 = _WOFF[0] + p * _D
    s4 = _WOFF[3] + q * _D
    dst = (119 + r) * _D
    for c in range(0, _D, 16):
      t_v[pl.ds(dst + c, 16)] = (
          w_v[pl.ds(s1 + c, 16)] + w_v[pl.ds(s4 + c, 16)])
    return carry

  def g2_row(r, carry):
    p = r // 12
    q = r % 12
    s2 = _WOFF[1] + p * _D
    s3 = _WOFF[2] + q * _D
    dst = (169 + r) * _D
    for c in range(0, _D, 16):
      t_v[pl.ds(dst + c, 16)] = (
          w_v[pl.ds(s2 + c, 16)] + w_v[pl.ds(s3 + c, 16)])
    return carry

  def g3_row(r, carry):
    a = r // 24
    e = r % 24
    b = e // 4
    e2 = e % 4
    c_ = e2 // 2
    d = e2 % 2
    s5 = _WOFF[4] + a * _D
    s6 = _WOFF[5] + b * _D
    s7 = _WOFF[6] + c_ * _D
    s8 = _WOFF[7] + d * _D
    dst = (313 + r) * _D
    for c in range(0, _D, 16):
      t_v[pl.ds(dst + c, 16)] = (
          (w_v[pl.ds(s5 + c, 16)] + w_v[pl.ds(s6 + c, 16)]) +
          (w_v[pl.ds(s7 + c, 16)] + w_v[pl.ds(s8 + c, 16)]))
    return carry

  lax.fori_loop(0, 50, g1_row, 0)
  lax.fori_loop(0, 144, g2_row, 0)
  lax.fori_loop(0, 144, g3_row, 0)

  def do_subchunk(base, r0, o_ref):
    xoff = (base + r0 - xbase) * 9
    xv = [plsc.load_gather(x_v, [xoff + lane9 + j]) for j in range(9)]
    i0 = xv[0]
    i1 = 119 + xv[1] * 10 + xv[4]
    i2 = 169 + xv[2] * 12 + xv[3]
    i3 = 313 + xv[5] * 24 + xv[6] * 4 + xv[7] * 2 + xv[8]
    a0 = i0 * _D
    a1 = i1 * _D
    a2 = i2 * _D
    a3 = i3 * _D
    def row_body(r, carry):
      ridx = jnp.full((16, 1), r, jnp.int32)
      b0 = lax.gather(a0, ridx, _BCAST_DN, (1,),
                      mode=lax.GatherScatterMode.PROMISE_IN_BOUNDS)
      b1 = lax.gather(a1, ridx, _BCAST_DN, (1,),
                      mode=lax.GatherScatterMode.PROMISE_IN_BOUNDS)
      b2 = lax.gather(a2, ridx, _BCAST_DN, (1,),
                      mode=lax.GatherScatterMode.PROMISE_IN_BOUNDS)
      b3 = lax.gather(a3, ridx, _BCAST_DN, (1,),
                      mode=lax.GatherScatterMode.PROMISE_IN_BOUNDS)
      quads = []
      for co in coffs:
        quads.append((plsc.load_gather(t_v, [b0 + co]),
                      plsc.load_gather(t_v, [b1 + co]),
                      plsc.load_gather(t_v, [b2 + co]),
                      plsc.load_gather(t_v, [b3 + co])))
      off = (r0 + r) * _D
      for c8 in range(_D // 16):
        q = quads[c8]
        o_ref[pl.ds(off + c8 * 16, 16)] = (q[0] + q[1]) + (q[2] + q[3])
      return carry

    lax.fori_loop(0, 16, row_body, 0)

  def do_chunk(i, o_ref):
    base = jnp.minimum(wstart + i * _CHUNK, wlast)
    for r0 in range(0, _CHUNK, 16):
      do_subchunk(base, r0, o_ref)
    return base

  def body(k2, carry):
    @pl.when(k2 > 0)
    def _():
      pltpu.make_async_copy(
          o_a, out_hbm.at[pl.ds(0, _CHUNK * _D)], sem_a).wait()
    base_a = do_chunk(k2 * 2, o_a)
    pltpu.async_copy(o_a, out_hbm.at[pl.ds(base_a * _D, _CHUNK * _D)], sem_a)

    @pl.when(k2 > 0)
    def _():
      pltpu.make_async_copy(
          o_b, out_hbm.at[pl.ds(0, _CHUNK * _D)], sem_b).wait()
    base_b = do_chunk(k2 * 2 + 1, o_b)
    pltpu.async_copy(o_b, out_hbm.at[pl.ds(base_b * _D, _CHUNK * _D)], sem_b)
    return carry

  lax.fori_loop(0, _NPAIRS, body, 0)
  pltpu.make_async_copy(o_a, out_hbm.at[pl.ds(0, _CHUNK * _D)], sem_a).wait()
  pltpu.make_async_copy(o_b, out_hbm.at[pl.ds(0, _CHUNK * _D)], sem_b).wait()


def kernel(x, W0, W1, W2, W3, W4, W5, W6, W7, W8):
  x32 = x.astype(jnp.int32).reshape(-1)
  out = _sc_lookup(x32, W0.reshape(-1), W1.reshape(-1), W2.reshape(-1),
                   W3.reshape(-1), W4.reshape(-1), W5.reshape(-1),
                   W6.reshape(-1), W7.reshape(-1), W8.reshape(-1))
  return out.reshape(_N, _D)

# --- scband reference (transcript-rebuilt; emitter-appended) ---
"""Pipeline reference for scband-node-encoder-22076131901655 (READ-ONLY COPY).

The authoritative reference and input builder live on the scoring server;
editing this copy changes nothing except your own understanding.
"""

import jax, jax.numpy as jnp
import numpy as np

NODE_FEATURE_DIMS = [119, 5, 12, 12, 10, 6, 6, 2, 2]
EMB_DIM = 128
N = 100000

def _xavier_uniform(key, shape):
    fan_in, fan_out = shape[0], shape[1]
    a = jnp.sqrt(6.0 / (fan_in + fan_out))
    return jax.random.uniform(key, shape, dtype=jnp.float32, minval=-a, maxval=a)

def setup_inputs(seed: int = 0) -> dict:
    key = jax.random.key(seed)
    kx, key = jax.random.split(key)
    # fill_max=2 keeps indices in-range for every table (min table size is 2)
    x = jax.random.randint(kx, (N, 9), 0, 2, dtype=jnp.int64)
    inp = {"x": x}
    for i, dim in enumerate(NODE_FEATURE_DIMS):
        kw, key = jax.random.split(key)
        inp[f"W{i}"] = _xavier_uniform(kw, (dim, EMB_DIM))
    return inp

def reference(x, W0, W1, W2, W3, W4, W5, W6, W7, W8):
    tables = [W0, W1, W2, W3, W4, W5, W6, W7, W8]
    x_embedding = jnp.zeros((x.shape[0], EMB_DIM), dtype=jnp.float32)
    for i in range(x.shape[1]):
        x_embedding = x_embedding + jnp.take(tables[i], x[:, i], axis=0)
    return x_embedding

if __name__ == "__main__":
    import jax
    _d = setup_inputs()
    print(jax.jit(kernel)(*tuple(_d.values())))

</pallas_src>

<mosaic_0001>
#map = affine_map<(d0, d1) -> (0)>
module attributes {stable_mosaic.version = 14 : i64} {
  func.func @_sc_lookup(%arg0: i32, %arg1: i32, %arg2: memref<900000xi32, #tpu.memory_space<hbm>>, %arg3: memref<15232xf32, #tpu.memory_space<hbm>>, %arg4: memref<640xf32, #tpu.memory_space<hbm>>, %arg5: memref<1536xf32, #tpu.memory_space<hbm>>, %arg6: memref<1536xf32, #tpu.memory_space<hbm>>, %arg7: memref<1280xf32, #tpu.memory_space<hbm>>, %arg8: memref<768xf32, #tpu.memory_space<hbm>>, %arg9: memref<768xf32, #tpu.memory_space<hbm>>, %arg10: memref<256xf32, #tpu.memory_space<hbm>>, %arg11: memref<256xf32, #tpu.memory_space<hbm>>, %arg12: memref<12800000xf32, #tpu.memory_space<hbm>>, %arg13: memref<58496xf32, #tpu.memory_space<vmem>>, %arg14: memref<7040xf32, #tpu.memory_space<vmem>>, %arg15: memref<28224xi32, #tpu.memory_space<vmem>>, %arg16: memref<4096xf32, #tpu.memory_space<vmem>>, %arg17: memref<4096xf32, #tpu.memory_space<vmem>>, %arg18: memref<!tpu.dma_semaphore, #tpu.memory_space<semaphore_mem>>, %arg19: memref<!tpu.dma_semaphore, #tpu.memory_space<semaphore_mem>>) attributes {dimension_semantics = [#tpu.dimension_semantics<core_parallel>, #tpu.dimension_semantics<subcore_parallel>], iteration_bounds = array<i64: 2, 16>, scalar_prefetch = 0 : i64, scratch_operands = 7 : i64, tpu.core_type = #tpu.core_type<sc_vector_subcore>, window_params = [{transform_indices = #map}, {transform_indices = #map}, {transform_indices = #map}, {transform_indices = #map}, {transform_indices = #map}, {transform_indices = #map}, {transform_indices = #map}, {transform_indices = #map}, {transform_indices = #map}, {transform_indices = #map}, {transform_indices = #map}]} {
    %mul3A = arith.constant 2 : i32
    %mul3A_0 = arith.muli %arg1, %mul3A : i32
    %add3A = arith.addi %mul3A_0, %arg0 : i32
    %mul3A_1 = arith.constant 390 : i32
    %mul3A_2 = arith.muli %add3A, %mul3A_1 : i32
    %min3A = arith.constant 20 : i32
    %min3A_3 = arith.minsi %add3A, %min3A : i32
    %add3A_4 = arith.addi %mul3A_2, %min3A_3 : i32
    %lt3A = arith.constant 20 : i32
    %lt3A_5 = arith.cmpi slt, %add3A, %lt3A : i32
    %convert_element_type3A = arith.extui %lt3A_5 : i1 to i32
    %add3A_6 = arith.constant 390 : i32
    %add3A_7 = arith.addi %add3A_6, %convert_element_type3A : i32
    %mul3A_8 = arith.constant 8 : i32
    %mul3A_9 = arith.muli %add3A_4, %mul3A_8 : i32
    %mul3A_10 = arith.constant 8 : i32
    %mul3A_11 = arith.muli %add3A_7, %mul3A_10 : i32
    %add3A_12 = arith.addi %mul3A_9, %mul3A_11 : i32
    %sub3A = arith.constant 32 : i32
    %sub3A_13 = arith.subi %add3A_12, %sub3A : i32
    %min3A_14 = arith.constant 96864 : i32
    %min3A_15 = arith.minsi %mul3A_9, %min3A_14 : i32
    %mul3A_16 = arith.constant 9 : i32
    %mul3A_17 = arith.muli %min3A_15, %mul3A_16 : i32
    "tpu.region"() ({
      %run_scoped3A = tpu.sem_alloc : memref<!tpu.dma_semaphore, #tpu.memory_space<semaphore_mem>>
      %dma_start3A = tpu.memref_slice %arg2[%mul3A_17] : memref<900000xi32, #tpu.memory_space<hbm>> -> memref<28224xi32, #tpu.memory_space<hbm>>
      %dma_start3A_75 = tpu.memref_slice %arg2[%mul3A_17] : memref<900000xi32, #tpu.memory_space<hbm>> -> memref<28224xi32, #tpu.memory_space<hbm>>
      tpu.enqueue_dma source(%dma_start3A_75 : memref<28224xi32, #tpu.memory_space<hbm>>) target(%arg15 : memref<28224xi32, #tpu.memory_space<vmem>>) target_semaphore(%run_scoped3A : memref<!tpu.dma_semaphore, #tpu.memory_space<semaphore_mem>>)
      %dma_wait3A_76 = tpu.memref_slice %arg2[%mul3A_17] : memref<900000xi32, #tpu.memory_space<hbm>> -> memref<28224xi32, #tpu.memory_space<hbm>>
      %dma_wait3A_77 = tpu.memref_slice %arg2[%mul3A_17] : memref<900000xi32, #tpu.memory_space<hbm>> -> memref<28224xi32, #tpu.memory_space<hbm>>
      tpu.wait_dma2 semaphore(%run_scoped3A : memref<!tpu.dma_semaphore, #tpu.memory_space<semaphore_mem>>) src(%dma_wait3A_77 : memref<28224xi32, #tpu.memory_space<hbm>>) dst(%arg15 : memref<28224xi32, #tpu.memory_space<vmem>>)
      tpu.yield
    }) : () -> ()
    "tpu.region"() ({
      %run_scoped3A = tpu.sem_alloc : memref<!tpu.dma_semaphore, #tpu.memory_space<semaphore_mem>>
      %dma_start3A = arith.constant 0 : i32
      %dma_start3A_75 = tpu.memref_slice %arg13[%dma_start3A] : memref<58496xf32, #tpu.memory_space<vmem>> -> memref<15232xf32, #tpu.memory_space<vmem>>
      %dma_start3A_76 = arith.constant 0 : i32
      %dma_start3A_77 = tpu.memref_slice %arg13[%dma_start3A_76] : memref<58496xf32, #tpu.memory_space<vmem>> -> memref<15232xf32, #tpu.memory_space<vmem>>
      tpu.enqueue_dma source(%arg3 : memref<15232xf32, #tpu.memory_space<hbm>>) target(%dma_start3A_77 : memref<15232xf32, #tpu.memory_space<vmem>>) target_semaphore(%run_scoped3A : memref<!tpu.dma_semaphore, #tpu.memory_space<semaphore_mem>>)
      %dma_wait3A_78 = arith.constant 0 : i32
      %dma_wait3A_79 = tpu.memref_slice %arg13[%dma_wait3A_78] : memref<58496xf32, #tpu.memory_space<vmem>> -> memref<15232xf32, #tpu.memory_space<vmem>>
      %dma_wait3A_80 = arith.constant 0 : i32
      %dma_wait3A_81 = tpu.memref_slice %arg13[%dma_wait3A_80] : memref<58496xf32, #tpu.memory_space<vmem>> -> memref<15232xf32, #tpu.memory_space<vmem>>
      tpu.wait_dma2 semaphore(%run_scoped3A : memref<!tpu.dma_semaphore, #tpu.memory_space<semaphore_mem>>) src(%arg3 : memref<15232xf32, #tpu.memory_space<hbm>>) dst(%dma_wait3A_81 : memref<15232xf32, #tpu.memory_space<vmem>>)
      tpu.yield
    }) : () -> ()
    "tpu.region"() ({
      %run_scoped3A = tpu.sem_alloc : memref<!tpu.dma_semaphore, #tpu.memory_space<semaphore_mem>>
      %dma_start3A = arith.constant 0 : i32
      %dma_start3A_75 = tpu.memref_slice %arg14[%dma_start3A] : memref<7040xf32, #tpu.memory_space<vmem>> -> memref<640xf32, #tpu.memory_space<vmem>>
      %dma_start3A_76 = arith.constant 0 : i32
      %dma_start3A_77 = tpu.memref_slice %arg14[%dma_start3A_76] : memref<7040xf32, #tpu.memory_space<vmem>> -> memref<640xf32, #tpu.memory_space<vmem>>
      tpu.enqueue_dma source(%arg4 : memref<640xf32, #tpu.memory_space<hbm>>) target(%dma_start3A_77 : memref<640xf32, #tpu.memory_space<vmem>>) target_semaphore(%run_scoped3A : memref<!tpu.dma_semaphore, #tpu.memory_space<semaphore_mem>>)
      %dma_wait3A_78 = arith.constant 0 : i32
      %dma_wait3A_79 = tpu.memref_slice %arg14[%dma_wait3A_78] : memref<7040xf32, #tpu.memory_space<vmem>> -> memref<640xf32, #tpu.memory_space<vmem>>
      %dma_wait3A_80 = arith.constant 0 : i32
      %dma_wait3A_81 = tpu.memref_slice %arg14[%dma_wait3A_80] : memref<7040xf32, #tpu.memory_space<vmem>> -> memref<640xf32, #tpu.memory_space<vmem>>
      tpu.wait_dma2 semaphore(%run_scoped3A : memref<!tpu.dma_semaphore, #tpu.memory_space<semaphore_mem>>) src(%arg4 : memref<640xf32, #tpu.memory_space<hbm>>) dst(%dma_wait3A_81 : memref<640xf32, #tpu.memory_space<vmem>>)
      tpu.yield
    }) : () -> ()
    "tpu.region"() ({
      %run_scoped3A = tpu.sem_alloc : memref<!tpu.dma_semaphore, #tpu.memory_space<semaphore_mem>>
      %dma_start3A = arith.constant 640 : i32
      %dma_start3A_75 = tpu.memref_slice %arg14[%dma_start3A] : memref<7040xf32, #tpu.memory_space<vmem>> -> memref<1536xf32, #tpu.memory_space<vmem>>
      %dma_start3A_76 = arith.constant 640 : i32
      %dma_start3A_77 = tpu.memref_slice %arg14[%dma_start3A_76] : memref<7040xf32, #tpu.memory_space<vmem>> -> memref<1536xf32, #tpu.memory_space<vmem>>
      tpu.enqueue_dma source(%arg5 : memref<1536xf32, #tpu.memory_space<hbm>>) target(%dma_start3A_77 : memref<1536xf32, #tpu.memory_space<vmem>>) target_semaphore(%run_scoped3A : memref<!tpu.dma_semaphore, #tpu.memory_space<semaphore_mem>>)
      %dma_wait3A_78 = arith.constant 640 : i32
      %dma_wait3A_79 = tpu.memref_slice %arg14[%dma_wait3A_78] : memref<7040xf32, #tpu.memory_space<vmem>> -> memref<1536xf32, #tpu.memory_space<vmem>>
      %dma_wait3A_80 = arith.constant 640 : i32
      %dma_wait3A_81 = tpu.memref_slice %arg14[%dma_wait3A_80] : memref<7040xf32, #tpu.memory_space<vmem>> -> memref<1536xf32, #tpu.memory_space<vmem>>
      tpu.wait_dma2 semaphore(%run_scoped3A : memref<!tpu.dma_semaphore, #tpu.memory_space<semaphore_mem>>) src(%arg5 : memref<1536xf32, #tpu.memory_space<hbm>>) dst(%dma_wait3A_81 : memref<1536xf32, #tpu.memory_space<vmem>>)
      tpu.yield
    }) : () -> ()
    "tpu.region"() ({
      %run_scoped3A = tpu.sem_alloc : memref<!tpu.dma_semaphore, #tpu.memory_space<semaphore_mem>>
      %dma_start3A = arith.constant 2176 : i32
      %dma_start3A_75 = tpu.memref_slice %arg14[%dma_start3A] : memref<7040xf32, #tpu.memory_space<vmem>> -> memref<1536xf32, #tpu.memory_space<vmem>>
      %dma_start3A_76 = arith.constant 2176 : i32
      %dma_start3A_77 = tpu.memref_slice %arg14[%dma_start3A_76] : memref<7040xf32, #tpu.memory_space<vmem>> -> memref<1536xf32, #tpu.memory_space<vmem>>
      tpu.enqueue_dma source(%arg6 : memref<1536xf32, #tpu.memory_space<hbm>>) target(%dma_start3A_77 : memref<1536xf32, #tpu.memory_space<vmem>>) target_semaphore(%run_scoped3A : memref<!tpu.dma_semaphore, #tpu.memory_space<semaphore_mem>>)
      %dma_wait3A_78 = arith.constant 2176 : i32
      %dma_wait3A_79 = tpu.memref_slice %arg14[%dma_wait3A_78] : memref<7040xf32, #tpu.memory_space<vmem>> -> memref<1536xf32, #tpu.memory_space<vmem>>
      %dma_wait3A_80 = arith.constant 2176 : i32
      %dma_wait3A_81 = tpu.memref_slice %arg14[%dma_wait3A_80] : memref<7040xf32, #tpu.memory_space<vmem>> -> memref<1536xf32, #tpu.memory_space<vmem>>
      tpu.wait_dma2 semaphore(%run_scoped3A : memref<!tpu.dma_semaphore, #tpu.memory_space<semaphore_mem>>) src(%arg6 : memref<1536xf32, #tpu.memory_space<hbm>>) dst(%dma_wait3A_81 : memref<1536xf32, #tpu.memory_space<vmem>>)
      tpu.yield
    }) : () -> ()
    "tpu.region"() ({
      %run_scoped3A = tpu.sem_alloc : memref<!tpu.dma_semaphore, #tpu.memory_space<semaphore_mem>>
      %dma_start3A = arith.constant 3712 : i32
      %dma_start3A_75 = tpu.memref_slice %arg14[%dma_start3A] : memref<7040xf32, #tpu.memory_space<vmem>> -> memref<1280xf32, #tpu.memory_space<vmem>>
      %dma_start3A_76 = arith.constant 3712 : i32
      %dma_start3A_77 = tpu.memref_slice %arg14[%dma_start3A_76] : memref<7040xf32, #tpu.memory_space<vmem>> -> memref<1280xf32, #tpu.memory_space<vmem>>
      tpu.enqueue_dma source(%arg7 : memref<1280xf32, #tpu.memory_space<hbm>>) target(%dma_start3A_77 : memref<1280xf32, #tpu.memory_space<vmem>>) target_semaphore(%run_scoped3A : memref<!tpu.dma_semaphore, #tpu.memory_space<semaphore_mem>>)
      %dma_wait3A_78 = arith.constant 3712 : i32
      %dma_wait3A_79 = tpu.memref_slice %arg14[%dma_wait3A_78] : memref<7040xf32, #tpu.memory_space<vmem>> -> memref<1280xf32, #tpu.memory_space<vmem>>
      %dma_wait3A_80 = arith.constant 3712 : i32
      %dma_wait3A_81 = tpu.memref_slice %arg14[%dma_wait3A_80] : memref<7040xf32, #tpu.memory_space<vmem>> -> memref<1280xf32, #tpu.memory_space<vmem>>
      tpu.wait_dma2 semaphore(%run_scoped3A : memref<!tpu.dma_semaphore, #tpu.memory_space<semaphore_mem>>) src(%arg7 : memref<1280xf32, #tpu.memory_space<hbm>>) dst(%dma_wait3A_81 : memref<1280xf32, #tpu.memory_space<vmem>>)
      tpu.yield
    }) : () -> ()
    "tpu.region"() ({
      %run_scoped3A = tpu.sem_alloc : memref<!tpu.dma_semaphore, #tpu.memory_space<semaphore_mem>>
      %dma_start3A = arith.constant 4992 : i32
      %dma_start3A_75 = tpu.memref_slice %arg14[%dma_start3A] : memref<7040xf32, #tpu.memory_space<vmem>> -> memref<768xf32, #tpu.memory_space<vmem>>
      %dma_start3A_76 = arith.constant 4992 : i32
      %dma_start3A_77 = tpu.memref_slice %arg14[%dma_start3A_76] : memref<7040xf32, #tpu.memory_space<vmem>> -> memref<768xf32, #tpu.memory_space<vmem>>
      tpu.enqueue_dma source(%arg8 : memref<768xf32, #tpu.memory_space<hbm>>) target(%dma_start3A_77 : memref<768xf32, #tpu.memory_space<vmem>>) target_semaphore(%run_scoped3A : memref<!tpu.dma_semaphore, #tpu.memory_space<semaphore_mem>>)
      %dma_wait3A_78 = arith.constant 4992 : i32
      %dma_wait3A_79 = tpu.memref_slice %arg14[%dma_wait3A_78] : memref<7040xf32, #tpu.memory_space<vmem>> -> memref<768xf32, #tpu.memory_space<vmem>>
      %dma_wait3A_80 = arith.constant 4992 : i32
      %dma_wait3A_81 = tpu.memref_slice %arg14[%dma_wait3A_80] : memref<7040xf32, #tpu.memory_space<vmem>> -> memref<768xf32, #tpu.memory_space<vmem>>
      tpu.wait_dma2 semaphore(%run_scoped3A : memref<!tpu.dma_semaphore, #tpu.memory_space<semaphore_mem>>) src(%arg8 : memref<768xf32, #tpu.memory_space<hbm>>) dst(%dma_wait3A_81 : memref<768xf32, #tpu.memory_space<vmem>>)
      tpu.yield
    }) : () -> ()
    "tpu.region"() ({
      %run_scoped3A = tpu.sem_alloc : memref<!tpu.dma_semaphore, #tpu.memory_space<semaphore_mem>>
      %dma_start3A = arith.constant 5760 : i32
      %dma_start3A_75 = tpu.memref_slice %arg14[%dma_start3A] : memref<7040xf32, #tpu.memory_space<vmem>> -> memref<768xf32, #tpu.memory_space<vmem>>
      %dma_start3A_76 = arith.constant 5760 : i32
      %dma_start3A_77 = tpu.memref_slice %arg14[%dma_start3A_76] : memref<7040xf32, #tpu.memory_space<vmem>> -> memref<768xf32, #tpu.memory_space<vmem>>
      tpu.enqueue_dma source(%arg9 : memref<768xf32, #tpu.memory_space<hbm>>) target(%dma_start3A_77 : memref<768xf32, #tpu.memory_space<vmem>>) target_semaphore(%run_scoped3A : memref<!tpu.dma_semaphore, #tpu.memory_space<semaphore_mem>>)
      %dma_wait3A_78 = arith.constant 5760 : i32
      %dma_wait3A_79 = tpu.memref_slice %arg14[%dma_wait3A_78] : memref<7040xf32, #tpu.memory_space<vmem>> -> memref<768xf32, #tpu.memory_space<vmem>>
      %dma_wait3A_80 = arith.constant 5760 : i32
      %dma_wait3A_81 = tpu.memref_slice %arg14[%dma_wait3A_80] : memref<7040xf32, #tpu.memory_space<vmem>> -> memref<768xf32, #tpu.memory_space<vmem>>
      tpu.wait_dma2 semaphore(%run_scoped3A : memref<!tpu.dma_semaphore, #tpu.memory_space<semaphore_mem>>) src(%arg9 : memref<768xf32, #tpu.memory_space<hbm>>) dst(%dma_wait3A_81 : memref<768xf32, #tpu.memory_space<vmem>>)
      tpu.yield
    }) : () -> ()
    "tpu.region"() ({
      %run_scoped3A = tpu.sem_alloc : memref<!tpu.dma_semaphore, #tpu.memory_space<semaphore_mem>>
      %dma_start3A = arith.constant 6528 : i32
      %dma_start3A_75 = tpu.memref_slice %arg14[%dma_start3A] : memref<7040xf32, #tpu.memory_space<vmem>> -> memref<256xf32, #tpu.memory_space<vmem>>
      %dma_start3A_76 = arith.constant 6528 : i32
      %dma_start3A_77 = tpu.memref_slice %arg14[%dma_start3A_76] : memref<7040xf32, #tpu.memory_space<vmem>> -> memref<256xf32, #tpu.memory_space<vmem>>
      tpu.enqueue_dma source(%arg10 : memref<256xf32, #tpu.memory_space<hbm>>) target(%dma_start3A_77 : memref<256xf32, #tpu.memory_space<vmem>>) target_semaphore(%run_scoped3A : memref<!tpu.dma_semaphore, #tpu.memory_space<semaphore_mem>>)
      %dma_wait3A_78 = arith.constant 6528 : i32
      %dma_wait3A_79 = tpu.memref_slice %arg14[%dma_wait3A_78] : memref<7040xf32, #tpu.memory_space<vmem>> -> memref<256xf32, #tpu.memory_space<vmem>>
      %dma_wait3A_80 = arith.constant 6528 : i32
      %dma_wait3A_81 = tpu.memref_slice %arg14[%dma_wait3A_80] : memref<7040xf32, #tpu.memory_space<vmem>> -> memref<256xf32, #tpu.memory_space<vmem>>
      tpu.wait_dma2 semaphore(%run_scoped3A : memref<!tpu.dma_semaphore, #tpu.memory_space<semaphore_mem>>) src(%arg10 : memref<256xf32, #tpu.memory_space<hbm>>) dst(%dma_wait3A_81 : memref<256xf32, #tpu.memory_space<vmem>>)
      tpu.yield
    }) : () -> ()
    "tpu.region"() ({
      %run_scoped3A = tpu.sem_alloc : memref<!tpu.dma_semaphore, #tpu.memory_space<semaphore_mem>>
      %dma_start3A = arith.constant 6784 : i32
      %dma_start3A_75 = tpu.memref_slice %arg14[%dma_start3A] : memref<7040xf32, #tpu.memory_space<vmem>> -> memref<256xf32, #tpu.memory_space<vmem>>
      %dma_start3A_76 = arith.constant 6784 : i32
      %dma_start3A_77 = tpu.memref_slice %arg14[%dma_start3A_76] : memref<7040xf32, #tpu.memory_space<vmem>> -> memref<256xf32, #tpu.memory_space<vmem>>
      tpu.enqueue_dma source(%arg11 : memref<256xf32, #tpu.memory_space<hbm>>) target(%dma_start3A_77 : memref<256xf32, #tpu.memory_space<vmem>>) target_semaphore(%run_scoped3A : memref<!tpu.dma_semaphore, #tpu.memory_space<semaphore_mem>>)
      %dma_wait3A_78 = arith.constant 6784 : i32
      %dma_wait3A_79 = tpu.memref_slice %arg14[%dma_wait3A_78] : memref<7040xf32, #tpu.memory_space<vmem>> -> memref<256xf32, #tpu.memory_space<vmem>>
      %dma_wait3A_80 = arith.constant 6784 : i32
      %dma_wait3A_81 = tpu.memref_slice %arg14[%dma_wait3A_80] : memref<7040xf32, #tpu.memory_space<vmem>> -> memref<256xf32, #tpu.memory_space<vmem>>
      tpu.wait_dma2 semaphore(%run_scoped3A : memref<!tpu.dma_semaphore, #tpu.memory_space<semaphore_mem>>) src(%arg11 : memref<256xf32, #tpu.memory_space<hbm>>) dst(%dma_wait3A_81 : memref<256xf32, #tpu.memory_space<vmem>>)
      tpu.yield
    }) : () -> ()
    %iota3A = tpu.iota {dimensions = array<i32: 0>} : vector<16xi32>
    %mul3A_18 = arith.constant 9 : i32
    %mul3A_19 = vector.broadcast %mul3A_18 : i32 to vector<16xi32>
    %mul3A_20 = arith.muli %iota3A, %mul3A_19 : vector<16xi32>
    %add3A_21 = arith.constant 0 : i32
    %add3A_22 = vector.broadcast %add3A_21 : i32 to vector<16xi32>
    %add3A_23 = arith.addi %iota3A, %add3A_22 : vector<16xi32>
    %add3A_24 = arith.constant 16 : i32
    %add3A_25 = vector.broadcast %add3A_24 : i32 to vector<16xi32>
    %add3A_26 = arith.addi %iota3A, %add3A_25 : vector<16xi32>
    %add3A_27 = arith.constant 32 : i32
    %add3A_28 = vector.broadcast %add3A_27 : i32 to vector<16xi32>
    %add3A_29 = arith.addi %iota3A, %add3A_28 : vector<16xi32>
    %add3A_30 = arith.constant 48 : i32
    %add3A_31 = vector.broadcast %add3A_30 : i32 to vector<16xi32>
    %add3A_32 = arith.addi %iota3A, %add3A_31 : vector<16xi32>
    %add3A_33 = arith.constant 64 : i32
    %add3A_34 = vector.broadcast %add3A_33 : i32 to vector<16xi32>
    %add3A_35 = arith.addi %iota3A, %add3A_34 : vector<16xi32>
    %add3A_36 = arith.constant 80 : i32
    %add3A_37 = vector.broadcast %add3A_36 : i32 to vector<16xi32>
    %add3A_38 = arith.addi %iota3A, %add3A_37 : vector<16xi32>
    %add3A_39 = arith.constant 96 : i32
    %add3A_40 = vector.broadcast %add3A_39 : i32 to vector<16xi32>
    %add3A_41 = arith.addi %iota3A, %add3A_40 : vector<16xi32>
    %add3A_42 = arith.constant 112 : i32
    %add3A_43 = vector.broadcast %add3A_42 : i32 to vector<16xi32>
    %add3A_44 = arith.addi %iota3A, %add3A_43 : vector<16xi32>
    %scan3A = arith.constant 0 : i32
    %scan3A_45 = arith.constant 0 : i32
    %scan3A_46 = arith.constant 50 : i32
    %scan3A_47 = arith.addi %scan3A_45, %scan3A_46 : i32
    %scan3A_48 = arith.constant 1 : i32
    scf.for %scan3A_75 = %scan3A_45 to %scan3A_47 step %scan3A_48  : i32 {
      %jit3A = arith.constant 10 : i32
      %div3A = arith.divsi %scan3A_75, %jit3A : i32
      %sign3A = arith.constant 0 : i32
      %sign3A_76 = arith.cmpi sgt, %scan3A_75, %sign3A : i32
      %sign3A_77 = arith.extui %sign3A_76 : i1 to i32
      %sign3A_78 = arith.constant 0 : i32
      %sign3A_79 = arith.cmpi slt, %scan3A_75, %sign3A_78 : i32
      %sign3A_80 = arith.extui %sign3A_79 : i1 to i32
      %sign3A_81 = arith.subi %sign3A_77, %sign3A_80 : i32
      %sign3A_82 = arith.constant 0 : i32
      %sign3A_83 = arith.cmpi sgt, %jit3A, %sign3A_82 : i32
      %sign3A_84 = arith.extui %sign3A_83 : i1 to i32
      %sign3A_85 = arith.constant 0 : i32
      %sign3A_86 = arith.cmpi slt, %jit3A, %sign3A_85 : i32
      %sign3A_87 = arith.extui %sign3A_86 : i1 to i32
      %sign3A_88 = arith.subi %sign3A_84, %sign3A_87 : i32
      %ne3A = arith.cmpi ne, %sign3A_81, %sign3A_88 : i32
      %rem3A = arith.remsi %scan3A_75, %jit3A : i32
      %ne3A_89 = arith.constant 0 : i32
      %ne3A_90 = arith.cmpi ne, %rem3A, %ne3A_89 : i32
      %and3A = arith.andi %ne3A, %ne3A_90 : i1
      %sub3A_91 = arith.constant 1 : i32
      %sub3A_92 = arith.subi %div3A, %sub3A_91 : i32
      %select_n3A = arith.select %and3A, %sub3A_92, %div3A : i32
      %jit3A_93 = arith.constant 10 : i32
      %eq3A = arith.constant 0 : i32
      %eq3A_94 = arith.cmpi eq, %jit3A_93, %eq3A : i32
      %jit3A_95 = arith.constant 1 : i32
      %select_n3A_96 = arith.select %eq3A_94, %jit3A_95, %jit3A_93 : i32
      %rem3A_97 = arith.remsi %scan3A_75, %select_n3A_96 : i32
      %ne3A_98 = arith.constant 0 : i32
      %ne3A_99 = arith.cmpi ne, %rem3A_97, %ne3A_98 : i32
      %lt3A_100 = arith.constant 0 : i32
      %lt3A_101 = arith.cmpi slt, %rem3A_97, %lt3A_100 : i32
      %lt3A_102 = arith.constant 0 : i32
      %lt3A_103 = arith.cmpi slt, %select_n3A_96, %lt3A_102 : i32
      %ne3A_104 = arith.xori %lt3A_101, %lt3A_103 : i1
      %and3A_105 = arith.andi %ne3A_104, %ne3A_99 : i1
      %add3A_106 = arith.addi %rem3A_97, %select_n3A_96 : i32
      %select_n3A_107 = arith.select %and3A_105, %add3A_106, %rem3A_97 : i32
      %mul3A_108 = arith.constant 128 : i32
      %mul3A_109 = arith.muli %select_n3A, %mul3A_108 : i32
      %add3A_110 = arith.constant 0 : i32
      %add3A_111 = arith.addi %add3A_110, %mul3A_109 : i32
      %mul3A_112 = arith.constant 128 : i32
      %mul3A_113 = arith.muli %select_n3A_107, %mul3A_112 : i32
      %add3A_114 = arith.constant 3712 : i32
      %add3A_115 = arith.addi %add3A_114, %mul3A_113 : i32
      %add3A_116 = arith.constant 119 : i32
      %add3A_117 = arith.addi %add3A_116, %scan3A_75 : i32
      %mul3A_118 = arith.constant 128 : i32
      %mul3A_119 = arith.muli %add3A_117, %mul3A_118 : i32
      %add3A_120 = arith.constant 0 : i32
      %add3A_121 = arith.addi %add3A_111, %add3A_120 : i32
      %get3A = arith.index_cast %add3A_121 : i32 to index
      %get3A_122 = tpu.vector_load %arg14[%get3A] {strides = array<i32>} : memref<7040xf32, #tpu.memory_space<vmem>>, vector<16xf32>,
      %add3A_123 = arith.constant 0 : i32
      %add3A_124 = arith.addi %add3A_115, %add3A_123 : i32
      %get3A_125 = arith.index_cast %add3A_124 : i32 to index
      %get3A_126 = tpu.vector_load %arg14[%get3A_125] {strides = array<i32>} : memref<7040xf32, #tpu.memory_space<vmem>>, vector<16xf32>,
      %add3A_127 = arith.addf %get3A_122, %get3A_126 : vector<16xf32>
      %add3A_128 = arith.constant 0 : i32
      %add3A_129 = arith.addi %mul3A_119, %add3A_128 : i32
      %swap3A = arith.index_cast %add3A_129 : i32 to index
      %swap3A_130 = tpu.vector_load %arg13[%swap3A] {strides = array<i32>} : memref<58496xf32, #tpu.memory_space<vmem>>, vector<16xf32>,
      tpu.vector_store %arg13[%swap3A], %add3A_127 {strides = array<i32>} : memref<58496xf32, #tpu.memory_space<vmem>>, vector<16xf32>,
      %add3A_131 = arith.constant 16 : i32
      %add3A_132 = arith.addi %add3A_111, %add3A_131 : i32
      %get3A_133 = arith.index_cast %add3A_132 : i32 to index
      %get3A_134 = tpu.vector_load %arg14[%get3A_133] {strides = array<i32>} : memref<7040xf32, #tpu.memory_space<vmem>>, vector<16xf32>,
      %add3A_135 = arith.constant 16 : i32
      %add3A_136 = arith.addi %add3A_115, %add3A_135 : i32
      %get3A_137 = arith.index_cast %add3A_136 : i32 to index
      %get3A_138 = tpu.vector_load %arg14[%get3A_137] {strides = array<i32>} : memref<7040xf32, #tpu.memory_space<vmem>>, vector<16xf32>,
      %add3A_139 = arith.addf %get3A_134, %get3A_138 : vector<16xf32>
      %add3A_140 = arith.constant 16 : i32
      %add3A_141 = arith.addi %mul3A_119, %add3A_140 : i32
      %swap3A_142 = arith.index_cast %add3A_141 : i32 to index
      %swap3A_143 = tpu.vector_load %arg13[%swap3A_142] {strides = array<i32>} : memref<58496xf32, #tpu.memory_space<vmem>>, vector<16xf32>,
      tpu.vector_store %arg13[%swap3A_142], %add3A_139 {strides = array<i32>} : memref<58496xf32, #tpu.memory_space<vmem>>, vector<16xf32>,
      %add3A_144 = arith.constant 32 : i32
      %add3A_145 = arith.addi %add3A_111, %add3A_144 : i32
      %get3A_146 = arith.index_cast %add3A_145 : i32 to index
      %get3A_147 = tpu.vector_load %arg14[%get3A_146] {strides = array<i32>} : memref<7040xf32, #tpu.memory_space<vmem>>, vector<16xf32>,
      %add3A_148 = arith.constant 32 : i32
      %add3A_149 = arith.addi %add3A_115, %add3A_148 : i32
      %get3A_150 = arith.index_cast %add3A_149 : i32 to index
      %get3A_151 = tpu.vector_load %arg14[%get3A_150] {strides = array<i32>} : memref<7040xf32, #tpu.memory_space<vmem>>, vector<16xf32>,
      %add3A_152 = arith.addf %get3A_147, %get3A_151 : vector<16xf32>
      %add3A_153 = arith.constant 32 : i32
      %add3A_154 = arith.addi %mul3A_119, %add3A_153 : i32
      %swap3A_155 = arith.index_cast %add3A_154 : i32 to index
      %swap3A_156 = tpu.vector_load %arg13[%swap3A_155] {strides = array<i32>} : memref<58496xf32, #tpu.memory_space<vmem>>, vector<16xf32>,
      tpu.vector_store %arg13[%swap3A_155], %add3A_152 {strides = array<i32>} : memref<58496xf32, #tpu.memory_space<vmem>>, vector<16xf32>,
      %add3A_157 = arith.constant 48 : i32
      %add3A_158 = arith.addi %add3A_111, %add3A_157 : i32
      %get3A_159 = arith.index_cast %add3A_158 : i32 to index
      %get3A_160 = tpu.vector_load %arg14[%get3A_159] {strides = array<i32>} : memref<7040xf32, #tpu.memory_space<vmem>>, vector<16xf32>,
      %add3A_161 = arith.constant 48 : i32
      %add3A_162 = arith.addi %add3A_115, %add3A_161 : i32
      %get3A_163 = arith.index_cast %add3A_162 : i32 to index
      %get3A_164 = tpu.vector_load %arg14[%get3A_163] {strides = array<i32>} : memref<7040xf32, #tpu.memory_space<vmem>>, vector<16xf32>,
      %add3A_165 = arith.addf %get3A_160, %get3A_164 : vector<16xf32>
      %add3A_166 = arith.constant 48 : i32
      %add3A_167 = arith.addi %mul3A_119, %add3A_166 : i32
      %swap3A_168 = arith.index_cast %add3A_167 : i32 to index
      %swap3A_169 = tpu.vector_load %arg13[%swap3A_168] {strides = array<i32>} : memref<58496xf32, #tpu.memory_space<vmem>>, vector<16xf32>,
      tpu.vector_store %arg13[%swap3A_168], %add3A_165 {strides = array<i32>} : memref<58496xf32, #tpu.memory_space<vmem>>, vector<16xf32>,
      %add3A_170 = arith.constant 64 : i32
      %add3A_171 = arith.addi %add3A_111, %add3A_170 : i32
      %get3A_172 = arith.index_cast %add3A_171 : i32 to index
      %get3A_173 = tpu.vector_load %arg14[%get3A_172] {strides = array<i32>} : memref<7040xf32, #tpu.memory_space<vmem>>, vector<16xf32>,
      %add3A_174 = arith.constant 64 : i32
      %add3A_175 = arith.addi %add3A_115, %add3A_174 : i32
      %get3A_176 = arith.index_cast %add3A_175 : i32 to index
      %get3A_177 = tpu.vector_load %arg14[%get3A_176] {strides = array<i32>} : memref<7040xf32, #tpu.memory_space<vmem>>, vector<16xf32>,
      %add3A_178 = arith.addf %get3A_173, %get3A_177 : vector<16xf32>
      %add3A_179 = arith.constant 64 : i32
      %add3A_180 = arith.addi %mul3A_119, %add3A_179 : i32
      %swap3A_181 = arith.index_cast %add3A_180 : i32 to index
      %swap3A_182 = tpu.vector_load %arg13[%swap3A_181] {strides = array<i32>} : memref<58496xf32, #tpu.memory_space<vmem>>, vector<16xf32>,
      tpu.vector_store %arg13[%swap3A_181], %add3A_178 {strides = array<i32>} : memref<58496xf32, #tpu.memory_space<vmem>>, vector<16xf32>,
      %add3A_183 = arith.constant 80 : i32
      %add3A_184 = arith.addi %add3A_111, %add3A_183 : i32
      %get3A_185 = arith.index_cast %add3A_184 : i32 to index
      %get3A_186 = tpu.vector_load %arg14[%get3A_185] {strides = array<i32>} : memref<7040xf32, #tpu.memory_space<vmem>>, vector<16xf32>,
      %add3A_187 = arith.constant 80 : i32
      %add3A_188 = arith.addi %add3A_115, %add3A_187 : i32
      %get3A_189 = arith.index_cast %add3A_188 : i32 to index
      %get3A_190 = tpu.vector_load %arg14[%get3A_189] {strides = array<i32>} : memref<7040xf32, #tpu.memory_space<vmem>>, vector<16xf32>,
      %add3A_191 = arith.addf %get3A_186, %get3A_190 : vector<16xf32>
      %add3A_192 = arith.constant 80 : i32
      %add3A_193 = arith.addi %mul3A_119, %add3A_192 : i32
      %swap3A_194 = arith.index_cast %add3A_193 : i32 to index
      %swap3A_195 = tpu.vector_load %arg13[%swap3A_194] {strides = array<i32>} : memref<58496xf32, #tpu.memory_space<vmem>>, vector<16xf32>,
      tpu.vector_store %arg13[%swap3A_194], %add3A_191 {strides = array<i32>} : memref<58496xf32, #tpu.memory_space<vmem>>, vector<16xf32>,
      %add3A_196 = arith.constant 96 : i32
      %add3A_197 = arith.addi %add3A_111, %add3A_196 : i32
      %get3A_198 = arith.index_cast %add3A_197 : i32 to index
      %get3A_199 = tpu.vector_load %arg14[%get3A_198] {strides = array<i32>} : memref<7040xf32, #tpu.memory_space<vmem>>, vector<16xf32>,
      %add3A_200 = arith.constant 96 : i32
      %add3A_201 = arith.addi %add3A_115, %add3A_200 : i32
      %get3A_202 = arith.index_cast %add3A_201 : i32 to index
      %get3A_203 = tpu.vector_load %arg14[%get3A_202] {strides = array<i32>} : memref<7040xf32, #tpu.memory_space<vmem>>, vector<16xf32>,
      %add3A_204 = arith.addf %get3A_199, %get3A_203 : vector<16xf32>
      %add3A_205 = arith.constant 96 : i32
      %add3A_206 = arith.addi %mul3A_119, %add3A_205 : i32
      %swap3A_207 = arith.index_cast %add3A_206 : i32 to index
      %swap3A_208 = tpu.vector_load %arg13[%swap3A_207] {strides = array<i32>} : memref<58496xf32, #tpu.memory_space<vmem>>, vector<16xf32>,
      tpu.vector_store %arg13[%swap3A_207], %add3A_204 {strides = array<i32>} : memref<58496xf32, #tpu.memory_space<vmem>>, vector<16xf32>,
      %add3A_209 = arith.constant 112 : i32
      %add3A_210 = arith.addi %add3A_111, %add3A_209 : i32
      %get3A_211 = arith.index_cast %add3A_210 : i32 to index
      %get3A_212 = tpu.vector_load %arg14[%get3A_211] {strides = array<i32>} : memref<7040xf32, #tpu.memory_space<vmem>>, vector<16xf32>,
      %add3A_213 = arith.constant 112 : i32
      %add3A_214 = arith.addi %add3A_115, %add3A_213 : i32
      %get3A_215 = arith.index_cast %add3A_214 : i32 to index
      %get3A_216 = tpu.vector_load %arg14[%get3A_215] {strides = array<i32>} : memref<7040xf32, #tpu.memory_space<vmem>>, vector<16xf32>,
      %add3A_217 = arith.addf %get3A_212, %get3A_216 : vector<16xf32>
      %add3A_218 = arith.constant 112 : i32
      %add3A_219 = arith.addi %mul3A_119, %add3A_218 : i32
      %swap3A_220 = arith.index_cast %add3A_219 : i32 to index
      %swap3A_221 = tpu.vector_load %arg13[%swap3A_220] {strides = array<i32>} : memref<58496xf32, #tpu.memory_space<vmem>>, vector<16xf32>,
      tpu.vector_store %arg13[%swap3A_220], %add3A_217 {strides = array<i32>} : memref<58496xf32, #tpu.memory_space<vmem>>, vector<16xf32>,
    }
    %scan3A_49 = arith.constant 50 : i32
    %scan3A_50 = arith.constant 0 : i32
    %scan3A_51 = arith.constant 0 : i32
    %scan3A_52 = arith.constant 144 : i32
    %scan3A_53 = arith.addi %scan3A_51, %scan3A_52 : i32
    %scan3A_54 = arith.constant 1 : i32
    scf.for %scan3A_75 = %scan3A_51 to %scan3A_53 step %scan3A_54  : i32 {
      %jit3A = arith.constant 12 : i32
      %div3A = arith.divsi %scan3A_75, %jit3A : i32
      %sign3A = arith.constant 0 : i32
      %sign3A_76 = arith.cmpi sgt, %scan3A_75, %sign3A : i32
      %sign3A_77 = arith.extui %sign3A_76 : i1 to i32
      %sign3A_78 = arith.constant 0 : i32
      %sign3A_79 = arith.cmpi slt, %scan3A_75, %sign3A_78 : i32
      %sign3A_80 = arith.extui %sign3A_79 : i1 to i32
      %sign3A_81 = arith.subi %sign3A_77, %sign3A_80 : i32
      %sign3A_82 = arith.constant 0 : i32
      %sign3A_83 = arith.cmpi sgt, %jit3A, %sign3A_82 : i32
      %sign3A_84 = arith.extui %sign3A_83 : i1 to i32
      %sign3A_85 = arith.constant 0 : i32
      %sign3A_86 = arith.cmpi slt, %jit3A, %sign3A_85 : i32
      %sign3A_87 = arith.extui %sign3A_86 : i1 to i32
      %sign3A_88 = arith.subi %sign3A_84, %sign3A_87 : i32
      %ne3A = arith.cmpi ne, %sign3A_81, %sign3A_88 : i32
      %rem3A = arith.remsi %scan3A_75, %jit3A : i32
      %ne3A_89 = arith.constant 0 : i32
      %ne3A_90 = arith.cmpi ne, %rem3A, %ne3A_89 : i32
      %and3A = arith.andi %ne3A, %ne3A_90 : i1
      %sub3A_91 = arith.constant 1 : i32
      %sub3A_92 = arith.subi %div3A, %sub3A_91 : i32
      %select_n3A = arith.select %and3A, %sub3A_92, %div3A : i32
      %jit3A_93 = arith.constant 12 : i32
      %eq3A = arith.constant 0 : i32
      %eq3A_94 = arith.cmpi eq, %jit3A_93, %eq3A : i32
      %jit3A_95 = arith.constant 1 : i32
      %select_n3A_96 = arith.select %eq3A_94, %jit3A_95, %jit3A_93 : i32
      %rem3A_97 = arith.remsi %scan3A_75, %select_n3A_96 : i32
      %ne3A_98 = arith.constant 0 : i32
      %ne3A_99 = arith.cmpi ne, %rem3A_97, %ne3A_98 : i32
      %lt3A_100 = arith.constant 0 : i32
      %lt3A_101 = arith.cmpi slt, %rem3A_97, %lt3A_100 : i32
      %lt3A_102 = arith.constant 0 : i32
      %lt3A_103 = arith.cmpi slt, %select_n3A_96, %lt3A_102 : i32
      %ne3A_104 = arith.xori %lt3A_101, %lt3A_103 : i1
      %and3A_105 = arith.andi %ne3A_104, %ne3A_99 : i1
      %add3A_106 = arith.addi %rem3A_97, %select_n3A_96 : i32
      %select_n3A_107 = arith.select %and3A_105, %add3A_106, %rem3A_97 : i32
      %mul3A_108 = arith.constant 128 : i32
      %mul3A_109 = arith.muli %select_n3A, %mul3A_108 : i32
      %add3A_110 = arith.constant 640 : i32
      %add3A_111 = arith.addi %add3A_110, %mul3A_109 : i32
      %mul3A_112 = arith.constant 128 : i32
      %mul3A_113 = arith.muli %select_n3A_107, %mul3A_112 : i32
      %add3A_114 = arith.constant 2176 : i32
      %add3A_115 = arith.addi %add3A_114, %mul3A_113 : i32
      %add3A_116 = arith.constant 169 : i32
      %add3A_117 = arith.addi %add3A_116, %scan3A_75 : i32
      %mul3A_118 = arith.constant 128 : i32
      %mul3A_119 = arith.muli %add3A_117, %mul3A_118 : i32
      %add3A_120 = arith.constant 0 : i32
      %add3A_121 = arith.addi %add3A_111, %add3A_120 : i32
      %get3A = arith.index_cast %add3A_121 : i32 to index
      %get3A_122 = tpu.vector_load %arg14[%get3A] {strides = array<i32>} : memref<7040xf32, #tpu.memory_space<vmem>>, vector<16xf32>,
      %add3A_123 = arith.constant 0 : i32
      %add3A_124 = arith.addi %add3A_115, %add3A_123 : i32
      %get3A_125 = arith.index_cast %add3A_124 : i32 to index
      %get3A_126 = tpu.vector_load %arg14[%get3A_125] {strides = array<i32>} : memref<7040xf32, #tpu.memory_space<vmem>>, vector<16xf32>,
      %add3A_127 = arith.addf %get3A_122, %get3A_126 : vector<16xf32>
      %add3A_128 = arith.constant 0 : i32
      %add3A_129 = arith.addi %mul3A_119, %add3A_128 : i32
      %swap3A = arith.index_cast %add3A_129 : i32 to index
      %swap3A_130 = tpu.vector_load %arg13[%swap3A] {strides = array<i32>} : memref<58496xf32, #tpu.memory_space<vmem>>, vector<16xf32>,
      tpu.vector_store %arg13[%swap3A], %add3A_127 {strides = array<i32>} : memref<58496xf32, #tpu.memory_space<vmem>>, vector<16xf32>,
      %add3A_131 = arith.constant 16 : i32
      %add3A_132 = arith.addi %add3A_111, %add3A_131 : i32
      %get3A_133 = arith.index_cast %add3A_132 : i32 to index
      %get3A_134 = tpu.vector_load %arg14[%get3A_133] {strides = array<i32>} : memref<7040xf32, #tpu.memory_space<vmem>>, vector<16xf32>,
      %add3A_135 = arith.constant 16 : i32
      %add3A_136 = arith.addi %add3A_115, %add3A_135 : i32
      %get3A_137 = arith.index_cast %add3A_136 : i32 to index
      %get3A_138 = tpu.vector_load %arg14[%get3A_137] {strides = array<i32>} : memref<7040xf32, #tpu.memory_space<vmem>>, vector<16xf32>,
      %add3A_139 = arith.addf %get3A_134, %get3A_138 : vector<16xf32>
      %add3A_140 = arith.constant 16 : i32
      %add3A_141 = arith.addi %mul3A_119, %add3A_140 : i32
      %swap3A_142 = arith.index_cast %add3A_141 : i32 to index
      %swap3A_143 = tpu.vector_load %arg13[%swap3A_142] {strides = array<i32>} : memref<58496xf32, #tpu.memory_space<vmem>>, vector<16xf32>,
      tpu.vector_store %arg13[%swap3A_142], %add3A_139 {strides = array<i32>} : memref<58496xf32, #tpu.memory_space<vmem>>, vector<16xf32>,
      %add3A_144 = arith.constant 32 : i32
      %add3A_145 = arith.addi %add3A_111, %add3A_144 : i32
      %get3A_146 = arith.index_cast %add3A_145 : i32 to index
      %get3A_147 = tpu.vector_load %arg14[%get3A_146] {strides = array<i32>} : memref<7040xf32, #tpu.memory_space<vmem>>, vector<16xf32>,
      %add3A_148 = arith.constant 32 : i32
      %add3A_149 = arith.addi %add3A_115, %add3A_148 : i32
      %get3A_150 = arith.index_cast %add3A_149 : i32 to index
      %get3A_151 = tpu.vector_load %arg14[%get3A_150] {strides = array<i32>} : memref<7040xf32, #tpu.memory_space<vmem>>, vector<16xf32>,
      %add3A_152 = arith.addf %get3A_147, %get3A_151 : vector<16xf32>
      %add3A_153 = arith.constant 32 : i32
      %add3A_154 = arith.addi %mul3A_119, %add3A_153 : i32
      %swap3A_155 = arith.index_cast %add3A_154 : i32 to index
      %swap3A_156 = tpu.vector_load %arg13[%swap3A_155] {strides = array<i32>} : memref<58496xf32, #tpu.memory_space<vmem>>, vector<16xf32>,
      tpu.vector_store %arg13[%swap3A_155], %add3A_152 {strides = array<i32>} : memref<58496xf32, #tpu.memory_space<vmem>>, vector<16xf32>,
      %add3A_157 = arith.constant 48 : i32
      %add3A_158 = arith.addi %add3A_111, %add3A_157 : i32
      %get3A_159 = arith.index_cast %add3A_158 : i32 to index
      %get3A_160 = tpu.vector_load %arg14[%get3A_159] {strides = array<i32>} : memref<7040xf32, #tpu.memory_space<vmem>>, vector<16xf32>,
      %add3A_161 = arith.constant 48 : i32
      %add3A_162 = arith.addi %add3A_115, %add3A_161 : i32
      %get3A_163 = arith.index_cast %add3A_162 : i32 to index
      %get3A_164 = tpu.vector_load %arg14[%get3A_163] {strides = array<i32>} : memref<7040xf32, #tpu.memory_space<vmem>>, vector<16xf32>,
      %add3A_165 = arith.addf %get3A_160, %get3A_164 : vector<16xf32>
      %add3A_166 = arith.constant 48 : i32
      %add3A_167 = arith.addi %mul3A_119, %add3A_166 : i32
      %swap3A_168 = arith.index_cast %add3A_167 : i32 to index
      %swap3A_169 = tpu.vector_load %arg13[%swap3A_168] {strides = array<i32>} : memref<58496xf32, #tpu.memory_space<vmem>>, vector<16xf32>,
      tpu.vector_store %arg13[%swap3A_168], %add3A_165 {strides = array<i32>} : memref<58496xf32, #tpu.memory_space<vmem>>, vector<16xf32>,
      %add3A_170 = arith.constant 64 : i32
      %add3A_171 = arith.addi %add3A_111, %add3A_170 : i32
      %get3A_172 = arith.index_cast %add3A_171 : i32 to index
      %get3A_173 = tpu.vector_load %arg14[%get3A_172] {strides = array<i32>} : memref<7040xf32, #tpu.memory_space<vmem>>, vector<16xf32>,
      %add3A_174 = arith.constant 64 : i32
      %add3A_175 = arith.addi %add3A_115, %add3A_174 : i32
      %get3A_176 = arith.index_cast %add3A_175 : i32 to index
      %get3A_177 = tpu.vector_load %arg14[%get3A_176] {strides = array<i32>} : memref<7040xf32, #tpu.memory_space<vmem>>, vector<16xf32>,
      %add3A_178 = arith.addf %get3A_173, %get3A_177 : vector<16xf32>
      %add3A_179 = arith.constant 64 : i32
      %add3A_180 = arith.addi %mul3A_119, %add3A_179 : i32
      %swap3A_181 = arith.index_cast %add3A_180 : i32 to index
      %swap3A_182 = tpu.vector_load %arg13[%swap3A_181] {strides = array<i32>} : memref<58496xf32, #tpu.memory_space<vmem>>, vector<16xf32>,
      tpu.vector_store %arg13[%swap3A_181], %add3A_178 {strides = array<i32>} : memref<58496xf32, #tpu.memory_space<vmem>>, vector<16xf32>,
      %add3A_183 = arith.constant 80 : i32
      %add3A_184 = arith.addi %add3A_111, %add3A_183 : i32
      %get3A_185 = arith.index_cast %add3A_184 : i32 to index
      %get3A_186 = tpu.vector_load %arg14[%get3A_185] {strides = array<i32>} : memref<7040xf32, #tpu.memory_space<vmem>>, vector<16xf32>,
      %add3A_187 = arith.constant 80 : i32
      %add3A_188 = arith.addi %add3A_115, %add3A_187 : i32
      %get3A_189 = arith.index_cast %add3A_188 : i32 to index
      %get3A_190 = tpu.vector_load %arg14[%get3A_189] {strides = array<i32>} : memref<7040xf32, #tpu.memory_space<vmem>>, vector<16xf32>,
      %add3A_191 = arith.addf %get3A_186, %get3A_190 : vector<16xf32>
      %add3A_192 = arith.constant 80 : i32
      %add3A_193 = arith.addi %mul3A_119, %add3A_192 : i32
      %swap3A_194 = arith.index_cast %add3A_193 : i32 to index
      %swap3A_195 = tpu.vector_load %arg13[%swap3A_194] {strides = array<i32>} : memref<58496xf32, #tpu.memory_space<vmem>>, vector<16xf32>,
      tpu.vector_store %arg13[%swap3A_194], %add3A_191 {strides = array<i32>} : memref<58496xf32, #tpu.memory_space<vmem>>, vector<16xf32>,
      %add3A_196 = arith.constant 96 : i32
      %add3A_197 = arith.addi %add3A_111, %add3A_196 : i32
      %get3A_198 = arith.index_cast %add3A_197 : i32 to index
      %get3A_199 = tpu.vector_load %arg14[%get3A_198] {strides = array<i32>} : memref<7040xf32, #tpu.memory_space<vmem>>, vector<16xf32>,
      %add3A_200 = arith.constant 96 : i32
      %add3A_201 = arith.addi %add3A_115, %add3A_200 : i32
      %get3A_202 = arith.index_cast %add3A_201 : i32 to index
      %get3A_203 = tpu.vector_load %arg14[%get3A_202] {strides = array<i32>} : memref<7040xf32, #tpu.memory_space<vmem>>, vector<16xf32>,
      %add3A_204 = arith.addf %get3A_199, %get3A_203 : vector<16xf32>
      %add3A_205 = arith.constant 96 : i32
      %add3A_206 = arith.addi %mul3A_119, %add3A_205 : i32
      %swap3A_207 = arith.index_cast %add3A_206 : i32 to index
      %swap3A_208 = tpu.vector_load %arg13[%swap3A_207] {strides = array<i32>} : memref<58496xf32, #tpu.memory_space<vmem>>, vector<16xf32>,
      tpu.vector_store %arg13[%swap3A_207], %add3A_204 {strides = array<i32>} : memref<58496xf32, #tpu.memory_space<vmem>>, vector<16xf32>,
      %add3A_209 = arith.constant 112 : i32
      %add3A_210 = arith.addi %add3A_111, %add3A_209 : i32
      %get3A_211 = arith.index_cast %add3A_210 : i32 to index
      %get3A_212 = tpu.vector_load %arg14[%get3A_211] {strides = array<i32>} : memref<7040xf32, #tpu.memory_space<vmem>>, vector<16xf32>,
      %add3A_213 = arith.constant 112 : i32
      %add3A_214 = arith.addi %add3A_115, %add3A_213 : i32
      %get3A_215 = arith.index_cast %add3A_214 : i32 to index
      %get3A_216 = tpu.vector_load %arg14[%get3A_215] {strides = array<i32>} : memref<7040xf32, #tpu.memory_space<vmem>>, vector<16xf32>,
      %add3A_217 = arith.addf %get3A_212, %get3A_216 : vector<16xf32>
      %add3A_218 = arith.constant 112 : i32
      %add3A_219 = arith.addi %mul3A_119, %add3A_218 : i32
      %swap3A_220 = arith.index_cast %add3A_219 : i32 to index
      %swap3A_221 = tpu.vector_load %arg13[%swap3A_220] {strides = array<i32>} : memref<58496xf32, #tpu.memory_space<vmem>>, vector<16xf32>,
      tpu.vector_store %arg13[%swap3A_220], %add3A_217 {strides = array<i32>} : memref<58496xf32, #tpu.memory_space<vmem>>, vector<16xf32>,
    }
    %scan3A_55 = arith.constant 144 : i32
    %scan3A_56 = arith.constant 0 : i32
    %scan3A_57 = arith.constant 0 : i32
    %scan3A_58 = arith.constant 144 : i32
    %scan3A_59 = arith.addi %scan3A_57, %scan3A_58 : i32
    %scan3A_60 = arith.constant 1 : i32
    scf.for %scan3A_75 = %scan3A_57 to %scan3A_59 step %scan3A_60  : i32 {
      %jit3A = arith.constant 24 : i32
      %div3A = arith.divsi %scan3A_75, %jit3A : i32
      %sign3A = arith.constant 0 : i32
      %sign3A_76 = arith.cmpi sgt, %scan3A_75, %sign3A : i32
      %sign3A_77 = arith.extui %sign3A_76 : i1 to i32
      %sign3A_78 = arith.constant 0 : i32
      %sign3A_79 = arith.cmpi slt, %scan3A_75, %sign3A_78 : i32
      %sign3A_80 = arith.extui %sign3A_79 : i1 to i32
      %sign3A_81 = arith.subi %sign3A_77, %sign3A_80 : i32
      %sign3A_82 = arith.constant 0 : i32
      %sign3A_83 = arith.cmpi sgt, %jit3A, %sign3A_82 : i32
      %sign3A_84 = arith.extui %sign3A_83 : i1 to i32
      %sign3A_85 = arith.constant 0 : i32
      %sign3A_86 = arith.cmpi slt, %jit3A, %sign3A_85 : i32
      %sign3A_87 = arith.extui %sign3A_86 : i1 to i32
      %sign3A_88 = arith.subi %sign3A_84, %sign3A_87 : i32
      %ne3A = arith.cmpi ne, %sign3A_81, %sign3A_88 : i32
      %rem3A = arith.remsi %scan3A_75, %jit3A : i32
      %ne3A_89 = arith.constant 0 : i32
      %ne3A_90 = arith.cmpi ne, %rem3A, %ne3A_89 : i32
      %and3A = arith.andi %ne3A, %ne3A_90 : i1
      %sub3A_91 = arith.constant 1 : i32
      %sub3A_92 = arith.subi %div3A, %sub3A_91 : i32
      %select_n3A = arith.select %and3A, %sub3A_92, %div3A : i32
      %jit3A_93 = arith.constant 24 : i32
      %eq3A = arith.constant 0 : i32
      %eq3A_94 = arith.cmpi eq, %jit3A_93, %eq3A : i32
      %jit3A_95 = arith.constant 1 : i32
      %select_n3A_96 = arith.select %eq3A_94, %jit3A_95, %jit3A_93 : i32
      %rem3A_97 = arith.remsi %scan3A_75, %select_n3A_96 : i32
      %ne3A_98 = arith.constant 0 : i32
      %ne3A_99 = arith.cmpi ne, %rem3A_97, %ne3A_98 : i32
      %lt3A_100 = arith.constant 0 : i32
      %lt3A_101 = arith.cmpi slt, %rem3A_97, %lt3A_100 : i32
      %lt3A_102 = arith.constant 0 : i32
      %lt3A_103 = arith.cmpi slt, %select_n3A_96, %lt3A_102 : i32
      %ne3A_104 = arith.xori %lt3A_101, %lt3A_103 : i1
      %and3A_105 = arith.andi %ne3A_104, %ne3A_99 : i1
      %add3A_106 = arith.addi %rem3A_97, %select_n3A_96 : i32
      %select_n3A_107 = arith.select %and3A_105, %add3A_106, %rem3A_97 : i32
      %jit3A_108 = arith.constant 4 : i32
      %div3A_109 = arith.divsi %select_n3A_107, %jit3A_108 : i32
      %sign3A_110 = arith.constant 0 : i32
      %sign3A_111 = arith.cmpi sgt, %select_n3A_107, %sign3A_110 : i32
      %sign3A_112 = arith.extui %sign3A_111 : i1 to i32
      %sign3A_113 = arith.constant 0 : i32
      %sign3A_114 = arith.cmpi slt, %select_n3A_107, %sign3A_113 : i32
      %sign3A_115 = arith.extui %sign3A_114 : i1 to i32
      %sign3A_116 = arith.subi %sign3A_112, %sign3A_115 : i32
      %sign3A_117 = arith.constant 0 : i32
      %sign3A_118 = arith.cmpi sgt, %jit3A_108, %sign3A_117 : i32
      %sign3A_119 = arith.extui %sign3A_118 : i1 to i32
      %sign3A_120 = arith.constant 0 : i32
      %sign3A_121 = arith.cmpi slt, %jit3A_108, %sign3A_120 : i32
      %sign3A_122 = arith.extui %sign3A_121 : i1 to i32
      %sign3A_123 = arith.subi %sign3A_119, %sign3A_122 : i32
      %ne3A_124 = arith.cmpi ne, %sign3A_116, %sign3A_123 : i32
      %rem3A_125 = arith.remsi %select_n3A_107, %jit3A_108 : i32
      %ne3A_126 = arith.constant 0 : i32
      %ne3A_127 = arith.cmpi ne, %rem3A_125, %ne3A_126 : i32
      %and3A_128 = arith.andi %ne3A_124, %ne3A_127 : i1
      %sub3A_129 = arith.constant 1 : i32
      %sub3A_130 = arith.subi %div3A_109, %sub3A_129 : i32
      %select_n3A_131 = arith.select %and3A_128, %sub3A_130, %div3A_109 : i32
      %jit3A_132 = arith.constant 4 : i32
      %eq3A_133 = arith.constant 0 : i32
      %eq3A_134 = arith.cmpi eq, %jit3A_132, %eq3A_133 : i32
      %jit3A_135 = arith.constant 1 : i32
      %select_n3A_136 = arith.select %eq3A_134, %jit3A_135, %jit3A_132 : i32
      %rem3A_137 = arith.remsi %select_n3A_107, %select_n3A_136 : i32
      %ne3A_138 = arith.constant 0 : i32
      %ne3A_139 = arith.cmpi ne, %rem3A_137, %ne3A_138 : i32
      %lt3A_140 = arith.constant 0 : i32
      %lt3A_141 = arith.cmpi slt, %rem3A_137, %lt3A_140 : i32
      %lt3A_142 = arith.constant 0 : i32
      %lt3A_143 = arith.cmpi slt, %select_n3A_136, %lt3A_142 : i32
      %ne3A_144 = arith.xori %lt3A_141, %lt3A_143 : i1
      %and3A_145 = arith.andi %ne3A_144, %ne3A_139 : i1
      %add3A_146 = arith.addi %rem3A_137, %select_n3A_136 : i32
      %select_n3A_147 = arith.select %and3A_145, %add3A_146, %rem3A_137 : i32
      %jit3A_148 = arith.constant 2 : i32
      %div3A_149 = arith.divsi %select_n3A_147, %jit3A_148 : i32
      %sign3A_150 = arith.constant 0 : i32
      %sign3A_151 = arith.cmpi sgt, %select_n3A_147, %sign3A_150 : i32
      %sign3A_152 = arith.extui %sign3A_151 : i1 to i32
      %sign3A_153 = arith.constant 0 : i32
      %sign3A_154 = arith.cmpi slt, %select_n3A_147, %sign3A_153 : i32
      %sign3A_155 = arith.extui %sign3A_154 : i1 to i32
      %sign3A_156 = arith.subi %sign3A_152, %sign3A_155 : i32
      %sign3A_157 = arith.constant 0 : i32
      %sign3A_158 = arith.cmpi sgt, %jit3A_148, %sign3A_157 : i32
      %sign3A_159 = arith.extui %sign3A_158 : i1 to i32
      %sign3A_160 = arith.constant 0 : i32
      %sign3A_161 = arith.cmpi slt, %jit3A_148, %sign3A_160 : i32
      %sign3A_162 = arith.extui %sign3A_161 : i1 to i32
      %sign3A_163 = arith.subi %sign3A_159, %sign3A_162 : i32
      %ne3A_164 = arith.cmpi ne, %sign3A_156, %sign3A_163 : i32
      %rem3A_165 = arith.remsi %select_n3A_147, %jit3A_148 : i32
      %ne3A_166 = arith.constant 0 : i32
      %ne3A_167 = arith.cmpi ne, %rem3A_165, %ne3A_166 : i32
      %and3A_168 = arith.andi %ne3A_164, %ne3A_167 : i1
      %sub3A_169 = arith.constant 1 : i32
      %sub3A_170 = arith.subi %div3A_149, %sub3A_169 : i32
      %select_n3A_171 = arith.select %and3A_168, %sub3A_170, %div3A_149 : i32
      %jit3A_172 = arith.constant 2 : i32
      %eq3A_173 = arith.constant 0 : i32
      %eq3A_174 = arith.cmpi eq, %jit3A_172, %eq3A_173 : i32
      %jit3A_175 = arith.constant 1 : i32
      %select_n3A_176 = arith.select %eq3A_174, %jit3A_175, %jit3A_172 : i32
      %rem3A_177 = arith.remsi %select_n3A_147, %select_n3A_176 : i32
      %ne3A_178 = arith.constant 0 : i32
      %ne3A_179 = arith.cmpi ne, %rem3A_177, %ne3A_178 : i32
      %lt3A_180 = arith.constant 0 : i32
      %lt3A_181 = arith.cmpi slt, %rem3A_177, %lt3A_180 : i32
      %lt3A_182 = arith.constant 0 : i32
      %lt3A_183 = arith.cmpi slt, %select_n3A_176, %lt3A_182 : i32
      %ne3A_184 = arith.xori %lt3A_181, %lt3A_183 : i1
      %and3A_185 = arith.andi %ne3A_184, %ne3A_179 : i1
      %add3A_186 = arith.addi %rem3A_177, %select_n3A_176 : i32
      %select_n3A_187 = arith.select %and3A_185, %add3A_186, %rem3A_177 : i32
      %mul3A_188 = arith.constant 128 : i32
      %mul3A_189 = arith.muli %select_n3A, %mul3A_188 : i32
      %add3A_190 = arith.constant 4992 : i32
      %add3A_191 = arith.addi %add3A_190, %mul3A_189 : i32
      %mul3A_192 = arith.constant 128 : i32
      %mul3A_193 = arith.muli %select_n3A_131, %mul3A_192 : i32
      %add3A_194 = arith.constant 5760 : i32
      %add3A_195 = arith.addi %add3A_194, %mul3A_193 : i32
      %mul3A_196 = arith.constant 128 : i32
      %mul3A_197 = arith.muli %select_n3A_171, %mul3A_196 : i32
      %add3A_198 = arith.constant 6528 : i32
      %add3A_199 = arith.addi %add3A_198, %mul3A_197 : i32
      %mul3A_200 = arith.constant 128 : i32
      %mul3A_201 = arith.muli %select_n3A_187, %mul3A_200 : i32
      %add3A_202 = arith.constant 6784 : i32
      %add3A_203 = arith.addi %add3A_202, %mul3A_201 : i32
      %add3A_204 = arith.constant 313 : i32
      %add3A_205 = arith.addi %add3A_204, %scan3A_75 : i32
      %mul3A_206 = arith.constant 128 : i32
      %mul3A_207 = arith.muli %add3A_205, %mul3A_206 : i32
      %add3A_208 = arith.constant 0 : i32
      %add3A_209 = arith.addi %add3A_191, %add3A_208 : i32
      %get3A = arith.index_cast %add3A_209 : i32 to index
      %get3A_210 = tpu.vector_load %arg14[%get3A] {strides = array<i32>} : memref<7040xf32, #tpu.memory_space<vmem>>, vector<16xf32>,
      %add3A_211 = arith.constant 0 : i32
      %add3A_212 = arith.addi %add3A_195, %add3A_211 : i32
      %get3A_213 = arith.index_cast %add3A_212 : i32 to index
      %get3A_214 = tpu.vector_load %arg14[%get3A_213] {strides = array<i32>} : memref<7040xf32, #tpu.memory_space<vmem>>, vector<16xf32>,
      %add3A_215 = arith.addf %get3A_210, %get3A_214 : vector<16xf32>
      %add3A_216 = arith.constant 0 : i32
      %add3A_217 = arith.addi %add3A_199, %add3A_216 : i32
      %get3A_218 = arith.index_cast %add3A_217 : i32 to index
      %get3A_219 = tpu.vector_load %arg14[%get3A_218] {strides = array<i32>} : memref<7040xf32, #tpu.memory_space<vmem>>, vector<16xf32>,
      %add3A_220 = arith.constant 0 : i32
      %add3A_221 = arith.addi %add3A_203, %add3A_220 : i32
      %get3A_222 = arith.index_cast %add3A_221 : i32 to index
      %get3A_223 = tpu.vector_load %arg14[%get3A_222] {strides = array<i32>} : memref<7040xf32, #tpu.memory_space<vmem>>, vector<16xf32>,
      %add3A_224 = arith.addf %get3A_219, %get3A_223 : vector<16xf32>
      %add3A_225 = arith.addf %add3A_215, %add3A_224 : vector<16xf32>
      %add3A_226 = arith.constant 0 : i32
      %add3A_227 = arith.addi %mul3A_207, %add3A_226 : i32
      %swap3A = arith.index_cast %add3A_227 : i32 to index
      %swap3A_228 = tpu.vector_load %arg13[%swap3A] {strides = array<i32>} : memref<58496xf32, #tpu.memory_space<vmem>>, vector<16xf32>,
      tpu.vector_store %arg13[%swap3A], %add3A_225 {strides = array<i32>} : memref<58496xf32, #tpu.memory_space<vmem>>, vector<16xf32>,
      %add3A_229 = arith.constant 16 : i32
      %add3A_230 = arith.addi %add3A_191, %add3A_229 : i32
      %get3A_231 = arith.index_cast %add3A_230 : i32 to index
      %get3A_232 = tpu.vector_load %arg14[%get3A_231] {strides = array<i32>} : memref<7040xf32, #tpu.memory_space<vmem>>, vector<16xf32>,
      %add3A_233 = arith.constant 16 : i32
      %add3A_234 = arith.addi %add3A_195, %add3A_233 : i32
      %get3A_235 = arith.index_cast %add3A_234 : i32 to index
      %get3A_236 = tpu.vector_load %arg14[%get3A_235] {strides = array<i32>} : memref<7040xf32, #tpu.memory_space<vmem>>, vector<16xf32>,
      %add3A_237 = arith.addf %get3A_232, %get3A_236 : vector<16xf32>
      %add3A_238 = arith.constant 16 : i32
      %add3A_239 = arith.addi %add3A_199, %add3A_238 : i32
      %get3A_240 = arith.index_cast %add3A_239 : i32 to index
      %get3A_241 = tpu.vector_load %arg14[%get3A_240] {strides = array<i32>} : memref<7040xf32, #tpu.memory_space<vmem>>, vector<16xf32>,
      %add3A_242 = arith.constant 16 : i32
      %add3A_243 = arith.addi %add3A_203, %add3A_242 : i32
      %get3A_244 = arith.index_cast %add3A_243 : i32 to index
      %get3A_245 = tpu.vector_load %arg14[%get3A_244] {strides = array<i32>} : memref<7040xf32, #tpu.memory_space<vmem>>, vector<16xf32>,
      %add3A_246 = arith.addf %get3A_241, %get3A_245 : vector<16xf32>
      %add3A_247 = arith.addf %add3A_237, %add3A_246 : vector<16xf32>
      %add3A_248 = arith.constant 16 : i32
      %add3A_249 = arith.addi %mul3A_207, %add3A_248 : i32
      %swap3A_250 = arith.index_cast %add3A_249 : i32 to index
      %swap3A_251 = tpu.vector_load %arg13[%swap3A_250] {strides = array<i32>} : memref<58496xf32, #tpu.memory_space<vmem>>, vector<16xf32>,
      tpu.vector_store %arg13[%swap3A_250], %add3A_247 {strides = array<i32>} : memref<58496xf32, #tpu.memory_space<vmem>>, vector<16xf32>,
      %add3A_252 = arith.constant 32 : i32
      %add3A_253 = arith.addi %add3A_191, %add3A_252 : i32
      %get3A_254 = arith.index_cast %add3A_253 : i32 to index
      %get3A_255 = tpu.vector_load %arg14[%get3A_254] {strides = array<i32>} : memref<7040xf32, #tpu.memory_space<vmem>>, vector<16xf32>,
      %add3A_256 = arith.constant 32 : i32
      %add3A_257 = arith.addi %add3A_195, %add3A_256 : i32
      %get3A_258 = arith.index_cast %add3A_257 : i32 to index
      %get3A_259 = tpu.vector_load %arg14[%get3A_258] {strides = array<i32>} : memref<7040xf32, #tpu.memory_space<vmem>>, vector<16xf32>,
      %add3A_260 = arith.addf %get3A_255, %get3A_259 : vector<16xf32>
      %add3A_261 = arith.constant 32 : i32
      %add3A_262 = arith.addi %add3A_199, %add3A_261 : i32
      %get3A_263 = arith.index_cast %add3A_262 : i32 to index
      %get3A_264 = tpu.vector_load %arg14[%get3A_263] {strides = array<i32>} : memref<7040xf32, #tpu.memory_space<vmem>>, vector<16xf32>,
      %add3A_265 = arith.constant 32 : i32
      %add3A_266 = arith.addi %add3A_203, %add3A_265 : i32
      %get3A_267 = arith.index_cast %add3A_266 : i32 to index
      %get3A_268 = tpu.vector_load %arg14[%get3A_267] {strides = array<i32>} : memref<7040xf32, #tpu.memory_space<vmem>>, vector<16xf32>,
      %add3A_269 = arith.addf %get3A_264, %get3A_268 : vector<16xf32>
      %add3A_270 = arith.addf %add3A_260, %add3A_269 : vector<16xf32>
      %add3A_271 = arith.constant 32 : i32
      %add3A_272 = arith.addi %mul3A_207, %add3A_271 : i32
      %swap3A_273 = arith.index_cast %add3A_272 : i32 to index
      %swap3A_274 = tpu.vector_load %arg13[%swap3A_273] {strides = array<i32>} : memref<58496xf32, #tpu.memory_space<vmem>>, vector<16xf32>,
      tpu.vector_store %arg13[%swap3A_273], %add3A_270 {strides = array<i32>} : memref<58496xf32, #tpu.memory_space<vmem>>, vector<16xf32>,
      %add3A_275 = arith.constant 48 : i32
      %add3A_276 = arith.addi %add3A_191, %add3A_275 : i32
      %get3A_277 = arith.index_cast %add3A_276 : i32 to index
      %get3A_278 = tpu.vector_load %arg14[%get3A_277] {strides = array<i32>} : memref<7040xf32, #tpu.memory_space<vmem>>, vector<16xf32>,
      %add3A_279 = arith.constant 48 : i32
      %add3A_280 = arith.addi %add3A_195, %add3A_279 : i32
      %get3A_281 = arith.index_cast %add3A_280 : i32 to index
      %get3A_282 = tpu.vector_load %arg14[%get3A_281] {strides = array<i32>} : memref<7040xf32, #tpu.memory_space<vmem>>, vector<16xf32>,
      %add3A_283 = arith.addf %get3A_278, %get3A_282 : vector<16xf32>
      %add3A_284 = arith.constant 48 : i32
      %add3A_285 = arith.addi %add3A_199, %add3A_284 : i32
      %get3A_286 = arith.index_cast %add3A_285 : i32 to index
      %get3A_287 = tpu.vector_load %arg14[%get3A_286] {strides = array<i32>} : memref<7040xf32, #tpu.memory_space<vmem>>, vector<16xf32>,
      %add3A_288 = arith.constant 48 : i32
      %add3A_289 = arith.addi %add3A_203, %add3A_288 : i32
      %get3A_290 = arith.index_cast %add3A_289 : i32 to index
      %get3A_291 = tpu.vector_load %arg14[%get3A_290] {strides = array<i32>} : memref<7040xf32, #tpu.memory_space<vmem>>, vector<16xf32>,
      %add3A_292 = arith.addf %get3A_287, %get3A_291 : vector<16xf32>
      %add3A_293 = arith.addf %add3A_283, %add3A_292 : vector<16xf32>
      %add3A_294 = arith.constant 48 : i32
      %add3A_295 = arith.addi %mul3A_207, %add3A_294 : i32
      %swap3A_296 = arith.index_cast %add3A_295 : i32 to index
      %swap3A_297 = tpu.vector_load %arg13[%swap3A_296] {strides = array<i32>} : memref<58496xf32, #tpu.memory_space<vmem>>, vector<16xf32>,
      tpu.vector_store %arg13[%swap3A_296], %add3A_293 {strides = array<i32>} : memref<58496xf32, #tpu.memory_space<vmem>>, vector<16xf32>,
      %add3A_298 = arith.constant 64 : i32
      %add3A_299 = arith.addi %add3A_191, %add3A_298 : i32
      %get3A_300 = arith.index_cast %add3A_299 : i32 to index
      %get3A_301 = tpu.vector_load %arg14[%get3A_300] {strides = array<i32>} : memref<7040xf32, #tpu.memory_space<vmem>>, vector<16xf32>,
      %add3A_302 = arith.constant 64 : i32
      %add3A_303 = arith.addi %add3A_195, %add3A_302 : i32
      %get3A_304 = arith.index_cast %add3A_303 : i32 to index
      %get3A_305 = tpu.vector_load %arg14[%get3A_304] {strides = array<i32>} : memref<7040xf32, #tpu.memory_space<vmem>>, vector<16xf32>,
      %add3A_306 = arith.addf %get3A_301, %get3A_305 : vector<16xf32>
      %add3A_307 = arith.constant 64 : i32
      %add3A_308 = arith.addi %add3A_199, %add3A_307 : i32
      %get3A_309 = arith.index_cast %add3A_308 : i32 to index
      %get3A_310 = tpu.vector_load %arg14[%get3A_309] {strides = array<i32>} : memref<7040xf32, #tpu.memory_space<vmem>>, vector<16xf32>,
      %add3A_311 = arith.constant 64 : i32
      %add3A_312 = arith.addi %add3A_203, %add3A_311 : i32
      %get3A_313 = arith.index_cast %add3A_312 : i32 to index
      %get3A_314 = tpu.vector_load %arg14[%get3A_313] {strides = array<i32>} : memref<7040xf32, #tpu.memory_space<vmem>>, vector<16xf32>,
      %add3A_315 = arith.addf %get3A_310, %get3A_314 : vector<16xf32>
      %add3A_316 = arith.addf %add3A_306, %add3A_315 : vector<16xf32>
      %add3A_317 = arith.constant 64 : i32
      %add3A_318 = arith.addi %mul3A_207, %add3A_317 : i32
      %swap3A_319 = arith.index_cast %add3A_318 : i32 to index
      %swap3A_320 = tpu.vector_load %arg13[%swap3A_319] {strides = array<i32>} : memref<58496xf32, #tpu.memory_space<vmem>>, vector<16xf32>,
      tpu.vector_store %arg13[%swap3A_319], %add3A_316 {strides = array<i32>} : memref<58496xf32, #tpu.memory_space<vmem>>, vector<16xf32>,
      %add3A_321 = arith.constant 80 : i32
      %add3A_322 = arith.addi %add3A_191, %add3A_321 : i32
      %get3A_323 = arith.index_cast %add3A_322 : i32 to index
      %get3A_324 = tpu.vector_load %arg14[%get3A_323] {strides = array<i32>} : memref<7040xf32, #tpu.memory_space<vmem>>, vector<16xf32>,
      %add3A_325 = arith.constant 80 : i32
      %add3A_326 = arith.addi %add3A_195, %add3A_325 : i32
      %get3A_327 = arith.index_cast %add3A_326 : i32 to index
      %get3A_328 = tpu.vector_load %arg14[%get3A_327] {strides = array<i32>} : memref<7040xf32, #tpu.memory_space<vmem>>, vector<16xf32>,
      %add3A_329 = arith.addf %get3A_324, %get3A_328 : vector<16xf32>
      %add3A_330 = arith.constant 80 : i32
      %add3A_331 = arith.addi %add3A_199, %add3A_330 : i32
      %get3A_332 = arith.index_cast %add3A_331 : i32 to index
      %get3A_333 = tpu.vector_load %arg14[%get3A_332] {strides = array<i32>} : memref<7040xf32, #tpu.memory_space<vmem>>, vector<16xf32>,
      %add3A_334 = arith.constant 80 : i32
      %add3A_335 = arith.addi %add3A_203, %add3A_334 : i32
      %get3A_336 = arith.index_cast %add3A_335 : i32 to index
      %get3A_337 = tpu.vector_load %arg14[%get3A_336] {strides = array<i32>} : memref<7040xf32, #tpu.memory_space<vmem>>, vector<16xf32>,
      %add3A_338 = arith.addf %get3A_333, %get3A_337 : vector<16xf32>
      %add3A_339 = arith.addf %add3A_329, %add3A_338 : vector<16xf32>
      %add3A_340 = arith.constant 80 : i32
      %add3A_341 = arith.addi %mul3A_207, %add3A_340 : i32
      %swap3A_342 = arith.index_cast %add3A_341 : i32 to index
      %swap3A_343 = tpu.vector_load %arg13[%swap3A_342] {strides = array<i32>} : memref<58496xf32, #tpu.memory_space<vmem>>, vector<16xf32>,
      tpu.vector_store %arg13[%swap3A_342], %add3A_339 {strides = array<i32>} : memref<58496xf32, #tpu.memory_space<vmem>>, vector<16xf32>,
      %add3A_344 = arith.constant 96 : i32
      %add3A_345 = arith.addi %add3A_191, %add3A_344 : i32
      %get3A_346 = arith.index_cast %add3A_345 : i32 to index
      %get3A_347 = tpu.vector_load %arg14[%get3A_346] {strides = array<i32>} : memref<7040xf32, #tpu.memory_space<vmem>>, vector<16xf32>,
      %add3A_348 = arith.constant 96 : i32
      %add3A_349 = arith.addi %add3A_195, %add3A_348 : i32
      %get3A_350 = arith.index_cast %add3A_349 : i32 to index
      %get3A_351 = tpu.vector_load %arg14[%get3A_350] {strides = array<i32>} : memref<7040xf32, #tpu.memory_space<vmem>>, vector<16xf32>,
      %add3A_352 = arith.addf %get3A_347, %get3A_351 : vector<16xf32>
      %add3A_353 = arith.constant 96 : i32
      %add3A_354 = arith.addi %add3A_199, %add3A_353 : i32
      %get3A_355 = arith.index_cast %add3A_354 : i32 to index
      %get3A_356 = tpu.vector_load %arg14[%get3A_355] {strides = array<i32>} : memref<7040xf32, #tpu.memory_space<vmem>>, vector<16xf32>,
      %add3A_357 = arith.constant 96 : i32
      %add3A_358 = arith.addi %add3A_203, %add3A_357 : i32
      %get3A_359 = arith.index_cast %add3A_358 : i32 to index
      %get3A_360 = tpu.vector_load %arg14[%get3A_359] {strides = array<i32>} : memref<7040xf32, #tpu.memory_space<vmem>>, vector<16xf32>,
      %add3A_361 = arith.addf %get3A_356, %get3A_360 : vector<16xf32>
      %add3A_362 = arith.addf %add3A_352, %add3A_361 : vector<16xf32>
      %add3A_363 = arith.constant 96 : i32
      %add3A_364 = arith.addi %mul3A_207, %add3A_363 : i32
      %swap3A_365 = arith.index_cast %add3A_364 : i32 to index
      %swap3A_366 = tpu.vector_load %arg13[%swap3A_365] {strides = array<i32>} : memref<58496xf32, #tpu.memory_space<vmem>>, vector<16xf32>,
      tpu.vector_store %arg13[%swap3A_365], %add3A_362 {strides = array<i32>} : memref<58496xf32, #tpu.memory_space<vmem>>, vector<16xf32>,
      %add3A_367 = arith.constant 112 : i32
      %add3A_368 = arith.addi %add3A_191, %add3A_367 : i32
      %get3A_369 = arith.index_cast %add3A_368 : i32 to index
      %get3A_370 = tpu.vector_load %arg14[%get3A_369] {strides = array<i32>} : memref<7040xf32, #tpu.memory_space<vmem>>, vector<16xf32>,
      %add3A_371 = arith.constant 112 : i32
      %add3A_372 = arith.addi %add3A_195, %add3A_371 : i32
      %get3A_373 = arith.index_cast %add3A_372 : i32 to index
      %get3A_374 = tpu.vector_load %arg14[%get3A_373] {strides = array<i32>} : memref<7040xf32, #tpu.memory_space<vmem>>, vector<16xf32>,
      %add3A_375 = arith.addf %get3A_370, %get3A_374 : vector<16xf32>
      %add3A_376 = arith.constant 112 : i32
      %add3A_377 = arith.addi %add3A_199, %add3A_376 : i32
      %get3A_378 = arith.index_cast %add3A_377 : i32 to index
      %get3A_379 = tpu.vector_load %arg14[%get3A_378] {strides = array<i32>} : memref<7040xf32, #tpu.memory_space<vmem>>, vector<16xf32>,
      %add3A_380 = arith.constant 112 : i32
      %add3A_381 = arith.addi %add3A_203, %add3A_380 : i32
      %get3A_382 = arith.index_cast %add3A_381 : i32 to index
      %get3A_383 = tpu.vector_load %arg14[%get3A_382] {strides = array<i32>} : memref<7040xf32, #tpu.memory_space<vmem>>, vector<16xf32>,
      %add3A_384 = arith.addf %get3A_379, %get3A_383 : vector<16xf32>
      %add3A_385 = arith.addf %add3A_375, %add3A_384 : vector<16xf32>
      %add3A_386 = arith.constant 112 : i32
      %add3A_387 = arith.addi %mul3A_207, %add3A_386 : i32
      %swap3A_388 = arith.index_cast %add3A_387 : i32 to index
      %swap3A_389 = tpu.vector_load %arg13[%swap3A_388] {strides = array<i32>} : memref<58496xf32, #tpu.memory_space<vmem>>, vector<16xf32>,
      tpu.vector_store %arg13[%swap3A_388], %add3A_385 {strides = array<i32>} : memref<58496xf32, #tpu.memory_space<vmem>>, vector<16xf32>,
    }
    %scan3A_61 = arith.constant 144 : i32
    %scan3A_62 = arith.constant 0 : i32
    %scan3A_63 = arith.constant 0 : i32
    %scan3A_64 = arith.constant 49 : i32
    %scan3A_65 = arith.addi %scan3A_63, %scan3A_64 : i32
    %scan3A_66 = arith.constant 1 : i32
    scf.for %scan3A_75 = %scan3A_63 to %scan3A_65 step %scan3A_66  : i32 {
      %gt3A = arith.constant 0 : i32
      %gt3A_76 = arith.cmpi sgt, %scan3A_75, %gt3A : i32
      %convert_element_type3A_77 = arith.extui %gt3A_76 : i1 to i32
      %cond3A = arith.constant 0 : i32
      %cond3A_78 = arith.cmpi ne, %convert_element_type3A_77, %cond3A : i32
      scf.if %cond3A_78 {
        %dma_wait3A_528 = arith.constant 0 : i32
        %dma_wait3A_529 = tpu.memref_slice %arg12[%dma_wait3A_528] : memref<12800000xf32, #tpu.memory_space<hbm>> -> memref<4096xf32, #tpu.memory_space<hbm>>
        %dma_wait3A_530 = arith.constant 0 : i32
        %dma_wait3A_531 = tpu.memref_slice %arg12[%dma_wait3A_530] : memref<12800000xf32, #tpu.memory_space<hbm>> -> memref<4096xf32, #tpu.memory_space<hbm>>
        tpu.wait_dma2 semaphore(%arg18 : memref<!tpu.dma_semaphore, #tpu.memory_space<semaphore_mem>>) src(%arg16 : memref<4096xf32, #tpu.memory_space<vmem>>) dst(%dma_wait3A_531 : memref<4096xf32, #tpu.memory_space<hbm>>)
      } else {
      }
      %mul3A_79 = arith.constant 2 : i32
      %mul3A_80 = arith.muli %scan3A_75, %mul3A_79 : i32
      %mul3A_81 = arith.constant 32 : i32
      %mul3A_82 = arith.muli %mul3A_80, %mul3A_81 : i32
      %add3A_83 = arith.addi %mul3A_9, %mul3A_82 : i32
      %min3A_84 = arith.minsi %add3A_83, %sub3A_13 : i32
      %add3A_85 = arith.constant 0 : i32
      %add3A_86 = arith.addi %min3A_84, %add3A_85 : i32
      %sub3A_87 = arith.subi %add3A_86, %min3A_15 : i32
      %mul3A_88 = arith.constant 9 : i32
      %mul3A_89 = arith.muli %sub3A_87, %mul3A_88 : i32
      %add3A_90 = vector.broadcast %mul3A_89 : i32 to vector<16xi32>
      %add3A_91 = arith.addi %add3A_90, %mul3A_20 : vector<16xi32>
      %add3A_92 = arith.constant 0 : i32
      %add3A_93 = vector.broadcast %add3A_92 : i32 to vector<16xi32>
      %add3A_94 = arith.addi %add3A_91, %add3A_93 : vector<16xi32>
      %gather3A = tpu.vector_load_idx %arg15[%add3A_94] : memref<28224xi32, #tpu.memory_space<vmem>>[vector<16xi32>], vector<16xi32>,
      %add3A_95 = vector.broadcast %mul3A_89 : i32 to vector<16xi32>
      %add3A_96 = arith.addi %add3A_95, %mul3A_20 : vector<16xi32>
      %add3A_97 = arith.constant 1 : i32
      %add3A_98 = vector.broadcast %add3A_97 : i32 to vector<16xi32>
      %add3A_99 = arith.addi %add3A_96, %add3A_98 : vector<16xi32>
      %gather3A_100 = tpu.vector_load_idx %arg15[%add3A_99] : memref<28224xi32, #tpu.memory_space<vmem>>[vector<16xi32>], vector<16xi32>,
      %add3A_101 = vector.broadcast %mul3A_89 : i32 to vector<16xi32>
      %add3A_102 = arith.addi %add3A_101, %mul3A_20 : vector<16xi32>
      %add3A_103 = arith.constant 2 : i32
      %add3A_104 = vector.broadcast %add3A_103 : i32 to vector<16xi32>
      %add3A_105 = arith.addi %add3A_102, %add3A_104 : vector<16xi32>
      %gather3A_106 = tpu.vector_load_idx %arg15[%add3A_105] : memref<28224xi32, #tpu.memory_space<vmem>>[vector<16xi32>], vector<16xi32>,
      %add3A_107 = vector.broadcast %mul3A_89 : i32 to vector<16xi32>
      %add3A_108 = arith.addi %add3A_107, %mul3A_20 : vector<16xi32>
      %add3A_109 = arith.constant 3 : i32
      %add3A_110 = vector.broadcast %add3A_109 : i32 to vector<16xi32>
      %add3A_111 = arith.addi %add3A_108, %add3A_110 : vector<16xi32>
      %gather3A_112 = tpu.vector_load_idx %arg15[%add3A_111] : memref<28224xi32, #tpu.memory_space<vmem>>[vector<16xi32>], vector<16xi32>,
      %add3A_113 = vector.broadcast %mul3A_89 : i32 to vector<16xi32>
      %add3A_114 = arith.addi %add3A_113, %mul3A_20 : vector<16xi32>
      %add3A_115 = arith.constant 4 : i32
      %add3A_116 = vector.broadcast %add3A_115 : i32 to vector<16xi32>
      %add3A_117 = arith.addi %add3A_114, %add3A_116 : vector<16xi32>
      %gather3A_118 = tpu.vector_load_idx %arg15[%add3A_117] : memref<28224xi32, #tpu.memory_space<vmem>>[vector<16xi32>], vector<16xi32>,
      %add3A_119 = vector.broadcast %mul3A_89 : i32 to vector<16xi32>
      %add3A_120 = arith.addi %add3A_119, %mul3A_20 : vector<16xi32>
      %add3A_121 = arith.constant 5 : i32
      %add3A_122 = vector.broadcast %add3A_121 : i32 to vector<16xi32>
      %add3A_123 = arith.addi %add3A_120, %add3A_122 : vector<16xi32>
      %gather3A_124 = tpu.vector_load_idx %arg15[%add3A_123] : memref<28224xi32, #tpu.memory_space<vmem>>[vector<16xi32>], vector<16xi32>,
      %add3A_125 = vector.broadcast %mul3A_89 : i32 to vector<16xi32>
      %add3A_126 = arith.addi %add3A_125, %mul3A_20 : vector<16xi32>
      %add3A_127 = arith.constant 6 : i32
      %add3A_128 = vector.broadcast %add3A_127 : i32 to vector<16xi32>
      %add3A_129 = arith.addi %add3A_126, %add3A_128 : vector<16xi32>
      %gather3A_130 = tpu.vector_load_idx %arg15[%add3A_129] : memref<28224xi32, #tpu.memory_space<vmem>>[vector<16xi32>], vector<16xi32>,
      %add3A_131 = vector.broadcast %mul3A_89 : i32 to vector<16xi32>
      %add3A_132 = arith.addi %add3A_131, %mul3A_20 : vector<16xi32>
      %add3A_133 = arith.constant 7 : i32
      %add3A_134 = vector.broadcast %add3A_133 : i32 to vector<16xi32>
      %add3A_135 = arith.addi %add3A_132, %add3A_134 : vector<16xi32>
      %gather3A_136 = tpu.vector_load_idx %arg15[%add3A_135] : memref<28224xi32, #tpu.memory_space<vmem>>[vector<16xi32>], vector<16xi32>,
      %add3A_137 = vector.broadcast %mul3A_89 : i32 to vector<16xi32>
      %add3A_138 = arith.addi %add3A_137, %mul3A_20 : vector<16xi32>
      %add3A_139 = arith.constant 8 : i32
      %add3A_140 = vector.broadcast %add3A_139 : i32 to vector<16xi32>
      %add3A_141 = arith.addi %add3A_138, %add3A_140 : vector<16xi32>
      %gather3A_142 = tpu.vector_load_idx %arg15[%add3A_141] : memref<28224xi32, #tpu.memory_space<vmem>>[vector<16xi32>], vector<16xi32>,
      %mul3A_143 = arith.constant 10 : i32
      %mul3A_144 = vector.broadcast %mul3A_143 : i32 to vector<16xi32>
      %mul3A_145 = arith.muli %gather3A_100, %mul3A_144 : vector<16xi32>
      %add3A_146 = arith.constant 119 : i32
      %add3A_147 = vector.broadcast %add3A_146 : i32 to vector<16xi32>
      %add3A_148 = arith.addi %add3A_147, %mul3A_145 : vector<16xi32>
      %add3A_149 = arith.addi %add3A_148, %gather3A_118 : vector<16xi32>
      %mul3A_150 = arith.constant 12 : i32
      %mul3A_151 = vector.broadcast %mul3A_150 : i32 to vector<16xi32>
      %mul3A_152 = arith.muli %gather3A_106, %mul3A_151 : vector<16xi32>
      %add3A_153 = arith.constant 169 : i32
      %add3A_154 = vector.broadcast %add3A_153 : i32 to vector<16xi32>
      %add3A_155 = arith.addi %add3A_154, %mul3A_152 : vector<16xi32>
      %add3A_156 = arith.addi %add3A_155, %gather3A_112 : vector<16xi32>
      %mul3A_157 = arith.constant 24 : i32
      %mul3A_158 = vector.broadcast %mul3A_157 : i32 to vector<16xi32>
      %mul3A_159 = arith.muli %gather3A_124, %mul3A_158 : vector<16xi32>
      %add3A_160 = arith.constant 313 : i32
      %add3A_161 = vector.broadcast %add3A_160 : i32 to vector<16xi32>
      %add3A_162 = arith.addi %add3A_161, %mul3A_159 : vector<16xi32>
      %mul3A_163 = arith.constant 4 : i32
      %mul3A_164 = vector.broadcast %mul3A_163 : i32 to vector<16xi32>
      %mul3A_165 = arith.muli %gather3A_130, %mul3A_164 : vector<16xi32>
      %add3A_166 = arith.addi %add3A_162, %mul3A_165 : vector<16xi32>
      %mul3A_167 = arith.constant 2 : i32
      %mul3A_168 = vector.broadcast %mul3A_167 : i32 to vector<16xi32>
      %mul3A_169 = arith.muli %gather3A_136, %mul3A_168 : vector<16xi32>
      %add3A_170 = arith.addi %add3A_166, %mul3A_169 : vector<16xi32>
      %add3A_171 = arith.addi %add3A_170, %gather3A_142 : vector<16xi32>
      %mul3A_172 = arith.constant 128 : i32
      %mul3A_173 = vector.broadcast %mul3A_172 : i32 to vector<16xi32>
      %mul3A_174 = arith.muli %gather3A, %mul3A_173 : vector<16xi32>
      %mul3A_175 = arith.constant 128 : i32
      %mul3A_176 = vector.broadcast %mul3A_175 : i32 to vector<16xi32>
      %mul3A_177 = arith.muli %add3A_149, %mul3A_176 : vector<16xi32>
      %mul3A_178 = arith.constant 128 : i32
      %mul3A_179 = vector.broadcast %mul3A_178 : i32 to vector<16xi32>
      %mul3A_180 = arith.muli %add3A_156, %mul3A_179 : vector<16xi32>
      %mul3A_181 = arith.constant 128 : i32
      %mul3A_182 = vector.broadcast %mul3A_181 : i32 to vector<16xi32>
      %mul3A_183 = arith.muli %add3A_171, %mul3A_182 : vector<16xi32>
      %scan3A_184 = arith.constant 0 : i32
      %scan3A_185 = arith.constant 0 : i32
      %scan3A_186 = arith.constant 16 : i32
      %scan3A_187 = arith.addi %scan3A_185, %scan3A_186 : i32
      %scan3A_188 = arith.constant 1 : i32
      scf.for %scan3A_528 = %scan3A_185 to %scan3A_187 step %scan3A_188  : i32 {
        %broadcast_in_dim3A = vector.broadcast %scan3A_528 : i32 to vector<16x1xi32>
        %gather3A_529 = vector.shape_cast %broadcast_in_dim3A : vector<16x1xi32> to vector<16xi32>
        %gather3A_530 = tpu.dynamic_gather %mul3A_174[%gather3A_529] in [0] : vector<16xi32>, vector<16xi32> -> vector<16xi32>
        %gather3A_531 = vector.shape_cast %broadcast_in_dim3A : vector<16x1xi32> to vector<16xi32>
        %gather3A_532 = tpu.dynamic_gather %mul3A_177[%gather3A_531] in [0] : vector<16xi32>, vector<16xi32> -> vector<16xi32>
        %gather3A_533 = vector.shape_cast %broadcast_in_dim3A : vector<16x1xi32> to vector<16xi32>
        %gather3A_534 = tpu.dynamic_gather %mul3A_180[%gather3A_533] in [0] : vector<16xi32>, vector<16xi32> -> vector<16xi32>
        %gather3A_535 = vector.shape_cast %broadcast_in_dim3A : vector<16x1xi32> to vector<16xi32>
        %gather3A_536 = tpu.dynamic_gather %mul3A_183[%gather3A_535] in [0] : vector<16xi32>, vector<16xi32> -> vector<16xi32>
        %add3A_537 = arith.addi %gather3A_530, %add3A_23 : vector<16xi32>
        %gather3A_538 = tpu.vector_load_idx %arg13[%add3A_537] : memref<58496xf32, #tpu.memory_space<vmem>>[vector<16xi32>], vector<16xf32>,
        %add3A_539 = arith.addi %gather3A_532, %add3A_23 : vector<16xi32>
        %gather3A_540 = tpu.vector_load_idx %arg13[%add3A_539] : memref<58496xf32, #tpu.memory_space<vmem>>[vector<16xi32>], vector<16xf32>,
        %add3A_541 = arith.addi %gather3A_534, %add3A_23 : vector<16xi32>
        %gather3A_542 = tpu.vector_load_idx %arg13[%add3A_541] : memref<58496xf32, #tpu.memory_space<vmem>>[vector<16xi32>], vector<16xf32>,
        %add3A_543 = arith.addi %gather3A_536, %add3A_23 : vector<16xi32>
        %gather3A_544 = tpu.vector_load_idx %arg13[%add3A_543] : memref<58496xf32, #tpu.memory_space<vmem>>[vector<16xi32>], vector<16xf32>,
        %add3A_545 = arith.addi %gather3A_530, %add3A_26 : vector<16xi32>
        %gather3A_546 = tpu.vector_load_idx %arg13[%add3A_545] : memref<58496xf32, #tpu.memory_space<vmem>>[vector<16xi32>], vector<16xf32>,
        %add3A_547 = arith.addi %gather3A_532, %add3A_26 : vector<16xi32>
        %gather3A_548 = tpu.vector_load_idx %arg13[%add3A_547] : memref<58496xf32, #tpu.memory_space<vmem>>[vector<16xi32>], vector<16xf32>,
        %add3A_549 = arith.addi %gather3A_534, %add3A_26 : vector<16xi32>
        %gather3A_550 = tpu.vector_load_idx %arg13[%add3A_549] : memref<58496xf32, #tpu.memory_space<vmem>>[vector<16xi32>], vector<16xf32>,
        %add3A_551 = arith.addi %gather3A_536, %add3A_26 : vector<16xi32>
        %gather3A_552 = tpu.vector_load_idx %arg13[%add3A_551] : memref<58496xf32, #tpu.memory_space<vmem>>[vector<16xi32>], vector<16xf32>,
        %add3A_553 = arith.addi %gather3A_530, %add3A_29 : vector<16xi32>
        %gather3A_554 = tpu.vector_load_idx %arg13[%add3A_553] : memref<58496xf32, #tpu.memory_space<vmem>>[vector<16xi32>], vector<16xf32>,
        %add3A_555 = arith.addi %gather3A_532, %add3A_29 : vector<16xi32>
        %gather3A_556 = tpu.vector_load_idx %arg13[%add3A_555] : memref<58496xf32, #tpu.memory_space<vmem>>[vector<16xi32>], vector<16xf32>,
        %add3A_557 = arith.addi %gather3A_534, %add3A_29 : vector<16xi32>
        %gather3A_558 = tpu.vector_load_idx %arg13[%add3A_557] : memref<58496xf32, #tpu.memory_space<vmem>>[vector<16xi32>], vector<16xf32>,
        %add3A_559 = arith.addi %gather3A_536, %add3A_29 : vector<16xi32>
        %gather3A_560 = tpu.vector_load_idx %arg13[%add3A_559] : memref<58496xf32, #tpu.memory_space<vmem>>[vector<16xi32>], vector<16xf32>,
        %add3A_561 = arith.addi %gather3A_530, %add3A_32 : vector<16xi32>
        %gather3A_562 = tpu.vector_load_idx %arg13[%add3A_561] : memref<58496xf32, #tpu.memory_space<vmem>>[vector<16xi32>], vector<16xf32>,
        %add3A_563 = arith.addi %gather3A_532, %add3A_32 : vector<16xi32>
        %gather3A_564 = tpu.vector_load_idx %arg13[%add3A_563] : memref<58496xf32, #tpu.memory_space<vmem>>[vector<16xi32>], vector<16xf32>,
        %add3A_565 = arith.addi %gather3A_534, %add3A_32 : vector<16xi32>
        %gather3A_566 = tpu.vector_load_idx %arg13[%add3A_565] : memref<58496xf32, #tpu.memory_space<vmem>>[vector<16xi32>], vector<16xf32>,
        %add3A_567 = arith.addi %gather3A_536, %add3A_32 : vector<16xi32>
        %gather3A_568 = tpu.vector_load_idx %arg13[%add3A_567] : memref<58496xf32, #tpu.memory_space<vmem>>[vector<16xi32>], vector<16xf32>,
        %add3A_569 = arith.addi %gather3A_530, %add3A_35 : vector<16xi32>
        %gather3A_570 = tpu.vector_load_idx %arg13[%add3A_569] : memref<58496xf32, #tpu.memory_space<vmem>>[vector<16xi32>], vector<16xf32>,
        %add3A_571 = arith.addi %gather3A_532, %add3A_35 : vector<16xi32>
        %gather3A_572 = tpu.vector_load_idx %arg13[%add3A_571] : memref<58496xf32, #tpu.memory_space<vmem>>[vector<16xi32>], vector<16xf32>,
        %add3A_573 = arith.addi %gather3A_534, %add3A_35 : vector<16xi32>
        %gather3A_574 = tpu.vector_load_idx %arg13[%add3A_573] : memref<58496xf32, #tpu.memory_space<vmem>>[vector<16xi32>], vector<16xf32>,
        %add3A_575 = arith.addi %gather3A_536, %add3A_35 : vector<16xi32>
        %gather3A_576 = tpu.vector_load_idx %arg13[%add3A_575] : memref<58496xf32, #tpu.memory_space<vmem>>[vector<16xi32>], vector<16xf32>,
        %add3A_577 = arith.addi %gather3A_530, %add3A_38 : vector<16xi32>
        %gather3A_578 = tpu.vector_load_idx %arg13[%add3A_577] : memref<58496xf32, #tpu.memory_space<vmem>>[vector<16xi32>], vector<16xf32>,
        %add3A_579 = arith.addi %gather3A_532, %add3A_38 : vector<16xi32>
        %gather3A_580 = tpu.vector_load_idx %arg13[%add3A_579] : memref<58496xf32, #tpu.memory_space<vmem>>[vector<16xi32>], vector<16xf32>,
        %add3A_581 = arith.addi %gather3A_534, %add3A_38 : vector<16xi32>
        %gather3A_582 = tpu.vector_load_idx %arg13[%add3A_581] : memref<58496xf32, #tpu.memory_space<vmem>>[vector<16xi32>], vector<16xf32>,
        %add3A_583 = arith.addi %gather3A_536, %add3A_38 : vector<16xi32>
        %gather3A_584 = tpu.vector_load_idx %arg13[%add3A_583] : memref<58496xf32, #tpu.memory_space<vmem>>[vector<16xi32>], vector<16xf32>,
        %add3A_585 = arith.addi %gather3A_530, %add3A_41 : vector<16xi32>
        %gather3A_586 = tpu.vector_load_idx %arg13[%add3A_585] : memref<58496xf32, #tpu.memory_space<vmem>>[vector<16xi32>], vector<16xf32>,
        %add3A_587 = arith.addi %gather3A_532, %add3A_41 : vector<16xi32>
        %gather3A_588 = tpu.vector_load_idx %arg13[%add3A_587] : memref<58496xf32, #tpu.memory_space<vmem>>[vector<16xi32>], vector<16xf32>,
        %add3A_589 = arith.addi %gather3A_534, %add3A_41 : vector<16xi32>
        %gather3A_590 = tpu.vector_load_idx %arg13[%add3A_589] : memref<58496xf32, #tpu.memory_space<vmem>>[vector<16xi32>], vector<16xf32>,
        %add3A_591 = arith.addi %gather3A_536, %add3A_41 : vector<16xi32>
        %gather3A_592 = tpu.vector_load_idx %arg13[%add3A_591] : memref<58496xf32, #tpu.memory_space<vmem>>[vector<16xi32>], vector<16xf32>,
        %add3A_593 = arith.addi %gather3A_530, %add3A_44 : vector<16xi32>
        %gather3A_594 = tpu.vector_load_idx %arg13[%add3A_593] : memref<58496xf32, #tpu.memory_space<vmem>>[vector<16xi32>], vector<16xf32>,
        %add3A_595 = arith.addi %gather3A_532, %add3A_44 : vector<16xi32>
        %gather3A_596 = tpu.vector_load_idx %arg13[%add3A_595] : memref<58496xf32, #tpu.memory_space<vmem>>[vector<16xi32>], vector<16xf32>,
        %add3A_597 = arith.addi %gather3A_534, %add3A_44 : vector<16xi32>
        %gather3A_598 = tpu.vector_load_idx %arg13[%add3A_597] : memref<58496xf32, #tpu.memory_space<vmem>>[vector<16xi32>], vector<16xf32>,
        %add3A_599 = arith.addi %gather3A_536, %add3A_44 : vector<16xi32>
        %gather3A_600 = tpu.vector_load_idx %arg13[%add3A_599] : memref<58496xf32, #tpu.memory_space<vmem>>[vector<16xi32>], vector<16xf32>,
        %add3A_601 = arith.constant 0 : i32
        %add3A_602 = arith.addi %add3A_601, %scan3A_528 : i32
        %mul3A_603 = arith.constant 128 : i32
        %mul3A_604 = arith.muli %add3A_602, %mul3A_603 : i32
        %add3A_605 = arith.addf %gather3A_538, %gather3A_540 : vector<16xf32>
        %add3A_606 = arith.addf %gather3A_542, %gather3A_544 : vector<16xf32>
        %add3A_607 = arith.addf %add3A_605, %add3A_606 : vector<16xf32>
        %add3A_608 = arith.constant 0 : i32
        %add3A_609 = arith.addi %mul3A_604, %add3A_608 : i32
        %swap3A = arith.index_cast %add3A_609 : i32 to index
        %swap3A_610 = tpu.vector_load %arg16[%swap3A] {strides = array<i32>} : memref<4096xf32, #tpu.memory_space<vmem>>, vector<16xf32>,
        tpu.vector_store %arg16[%swap3A], %add3A_607 {strides = array<i32>} : memref<4096xf32, #tpu.memory_space<vmem>>, vector<16xf32>,
        %add3A_611 = arith.addf %gather3A_546, %gather3A_548 : vector<16xf32>
        %add3A_612 = arith.addf %gather3A_550, %gather3A_552 : vector<16xf32>
        %add3A_613 = arith.addf %add3A_611, %add3A_612 : vector<16xf32>
        %add3A_614 = arith.constant 16 : i32
        %add3A_615 = arith.addi %mul3A_604, %add3A_614 : i32
        %swap3A_616 = arith.index_cast %add3A_615 : i32 to index
        %swap3A_617 = tpu.vector_load %arg16[%swap3A_616] {strides = array<i32>} : memref<4096xf32, #tpu.memory_space<vmem>>, vector<16xf32>,
        tpu.vector_store %arg16[%swap3A_616], %add3A_613 {strides = array<i32>} : memref<4096xf32, #tpu.memory_space<vmem>>, vector<16xf32>,
        %add3A_618 = arith.addf %gather3A_554, %gather3A_556 : vector<16xf32>
        %add3A_619 = arith.addf %gather3A_558, %gather3A_560 : vector<16xf32>
        %add3A_620 = arith.addf %add3A_618, %add3A_619 : vector<16xf32>
        %add3A_621 = arith.constant 32 : i32
        %add3A_622 = arith.addi %mul3A_604, %add3A_621 : i32
        %swap3A_623 = arith.index_cast %add3A_622 : i32 to index
        %swap3A_624 = tpu.vector_load %arg16[%swap3A_623] {strides = array<i32>} : memref<4096xf32, #tpu.memory_space<vmem>>, vector<16xf32>,
        tpu.vector_store %arg16[%swap3A_623], %add3A_620 {strides = array<i32>} : memref<4096xf32, #tpu.memory_space<vmem>>, vector<16xf32>,
        %add3A_625 = arith.addf %gather3A_562, %gather3A_564 : vector<16xf32>
        %add3A_626 = arith.addf %gather3A_566, %gather3A_568 : vector<16xf32>
        %add3A_627 = arith.addf %add3A_625, %add3A_626 : vector<16xf32>
        %add3A_628 = arith.constant 48 : i32
        %add3A_629 = arith.addi %mul3A_604, %add3A_628 : i32
        %swap3A_630 = arith.index_cast %add3A_629 : i32 to index
        %swap3A_631 = tpu.vector_load %arg16[%swap3A_630] {strides = array<i32>} : memref<4096xf32, #tpu.memory_space<vmem>>, vector<16xf32>,
        tpu.vector_store %arg16[%swap3A_630], %add3A_627 {strides = array<i32>} : memref<4096xf32, #tpu.memory_space<vmem>>, vector<16xf32>,
        %add3A_632 = arith.addf %gather3A_570, %gather3A_572 : vector<16xf32>
        %add3A_633 = arith.addf %gather3A_574, %gather3A_576 : vector<16xf32>
        %add3A_634 = arith.addf %add3A_632, %add3A_633 : vector<16xf32>
        %add3A_635 = arith.constant 64 : i32
        %add3A_636 = arith.addi %mul3A_604, %add3A_635 : i32
        %swap3A_637 = arith.index_cast %add3A_636 : i32 to index
        %swap3A_638 = tpu.vector_load %arg16[%swap3A_637] {strides = array<i32>} : memref<4096xf32, #tpu.memory_space<vmem>>, vector<16xf32>,
        tpu.vector_store %arg16[%swap3A_637], %add3A_634 {strides = array<i32>} : memref<4096xf32, #tpu.memory_space<vmem>>, vector<16xf32>,
        %add3A_639 = arith.addf %gather3A_578, %gather3A_580 : vector<16xf32>
        %add3A_640 = arith.addf %gather3A_582, %gather3A_584 : vector<16xf32>
        %add3A_641 = arith.addf %add3A_639, %add3A_640 : vector<16xf32>
        %add3A_642 = arith.constant 80 : i32
        %add3A_643 = arith.addi %mul3A_604, %add3A_642 : i32
        %swap3A_644 = arith.index_cast %add3A_643 : i32 to index
        %swap3A_645 = tpu.vector_load %arg16[%swap3A_644] {strides = array<i32>} : memref<4096xf32, #tpu.memory_space<vmem>>, vector<16xf32>,
        tpu.vector_store %arg16[%swap3A_644], %add3A_641 {strides = array<i32>} : memref<4096xf32, #tpu.memory_space<vmem>>, vector<16xf32>,
        %add3A_646 = arith.addf %gather3A_586, %gather3A_588 : vector<16xf32>
        %add3A_647 = arith.addf %gather3A_590, %gather3A_592 : vector<16xf32>
        %add3A_648 = arith.addf %add3A_646, %add3A_647 : vector<16xf32>
        %add3A_649 = arith.constant 96 : i32
        %add3A_650 = arith.addi %mul3A_604, %add3A_649 : i32
        %swap3A_651 = arith.index_cast %add3A_650 : i32 to index
        %swap3A_652 = tpu.vector_load %arg16[%swap3A_651] {strides = array<i32>} : memref<4096xf32, #tpu.memory_space<vmem>>, vector<16xf32>,
        tpu.vector_store %arg16[%swap3A_651], %add3A_648 {strides = array<i32>} : memref<4096xf32, #tpu.memory_space<vmem>>, vector<16xf32>,
        %add3A_653 = arith.addf %gather3A_594, %gather3A_596 : vector<16xf32>
        %add3A_654 = arith.addf %gather3A_598, %gather3A_600 : vector<16xf32>
        %add3A_655 = arith.addf %add3A_653, %add3A_654 : vector<16xf32>
        %add3A_656 = arith.constant 112 : i32
        %add3A_657 = arith.addi %mul3A_604, %add3A_656 : i32
        %swap3A_658 = arith.index_cast %add3A_657 : i32 to index
        %swap3A_659 = tpu.vector_load %arg16[%swap3A_658] {strides = array<i32>} : memref<4096xf32, #tpu.memory_space<vmem>>, vector<16xf32>,
        tpu.vector_store %arg16[%swap3A_658], %add3A_655 {strides = array<i32>} : memref<4096xf32, #tpu.memory_space<vmem>>, vector<16xf32>,
      }
      %scan3A_189 = arith.constant 16 : i32
      %add3A_190 = arith.constant 16 : i32
      %add3A_191 = arith.addi %min3A_84, %add3A_190 : i32
      %sub3A_192 = arith.subi %add3A_191, %min3A_15 : i32
      %mul3A_193 = arith.constant 9 : i32
      %mul3A_194 = arith.muli %sub3A_192, %mul3A_193 : i32
      %add3A_195 = vector.broadcast %mul3A_194 : i32 to vector<16xi32>
      %add3A_196 = arith.addi %add3A_195, %mul3A_20 : vector<16xi32>
      %add3A_197 = arith.constant 0 : i32
      %add3A_198 = vector.broadcast %add3A_197 : i32 to vector<16xi32>
      %add3A_199 = arith.addi %add3A_196, %add3A_198 : vector<16xi32>
      %gather3A_200 = tpu.vector_load_idx %arg15[%add3A_199] : memref<28224xi32, #tpu.memory_space<vmem>>[vector<16xi32>], vector<16xi32>,
      %add3A_201 = vector.broadcast %mul3A_194 : i32 to vector<16xi32>
      %add3A_202 = arith.addi %add3A_201, %mul3A_20 : vector<16xi32>
      %add3A_203 = arith.constant 1 : i32
      %add3A_204 = vector.broadcast %add3A_203 : i32 to vector<16xi32>
      %add3A_205 = arith.addi %add3A_202, %add3A_204 : vector<16xi32>
      %gather3A_206 = tpu.vector_load_idx %arg15[%add3A_205] : memref<28224xi32, #tpu.memory_space<vmem>>[vector<16xi32>], vector<16xi32>,
      %add3A_207 = vector.broadcast %mul3A_194 : i32 to vector<16xi32>
      %add3A_208 = arith.addi %add3A_207, %mul3A_20 : vector<16xi32>
      %add3A_209 = arith.constant 2 : i32
      %add3A_210 = vector.broadcast %add3A_209 : i32 to vector<16xi32>
      %add3A_211 = arith.addi %add3A_208, %add3A_210 : vector<16xi32>
      %gather3A_212 = tpu.vector_load_idx %arg15[%add3A_211] : memref<28224xi32, #tpu.memory_space<vmem>>[vector<16xi32>], vector<16xi32>,
      %add3A_213 = vector.broadcast %mul3A_194 : i32 to vector<16xi32>
      %add3A_214 = arith.addi %add3A_213, %mul3A_20 : vector<16xi32>
      %add3A_215 = arith.constant 3 : i32
      %add3A_216 = vector.broadcast %add3A_215 : i32 to vector<16xi32>
      %add3A_217 = arith.addi %add3A_214, %add3A_216 : vector<16xi32>
      %gather3A_218 = tpu.vector_load_idx %arg15[%add3A_217] : memref<28224xi32, #tpu.memory_space<vmem>>[vector<16xi32>], vector<16xi32>,
      %add3A_219 = vector.broadcast %mul3A_194 : i32 to vector<16xi32>
      %add3A_220 = arith.addi %add3A_219, %mul3A_20 : vector<16xi32>
      %add3A_221 = arith.constant 4 : i32
      %add3A_222 = vector.broadcast %add3A_221 : i32 to vector<16xi32>
      %add3A_223 = arith.addi %add3A_220, %add3A_222 : vector<16xi32>
      %gather3A_224 = tpu.vector_load_idx %arg15[%add3A_223] : memref<28224xi32, #tpu.memory_space<vmem>>[vector<16xi32>], vector<16xi32>,
      %add3A_225 = vector.broadcast %mul3A_194 : i32 to vector<16xi32>
      %add3A_226 = arith.addi %add3A_225, %mul3A_20 : vector<16xi32>
      %add3A_227 = arith.constant 5 : i32
      %add3A_228 = vector.broadcast %add3A_227 : i32 to vector<16xi32>
      %add3A_229 = arith.addi %add3A_226, %add3A_228 : vector<16xi32>
      %gather3A_230 = tpu.vector_load_idx %arg15[%add3A_229] : memref<28224xi32, #tpu.memory_space<vmem>>[vector<16xi32>], vector<16xi32>,
      %add3A_231 = vector.broadcast %mul3A_194 : i32 to vector<16xi32>
      %add3A_232 = arith.addi %add3A_231, %mul3A_20 : vector<16xi32>
      %add3A_233 = arith.constant 6 : i32
      %add3A_234 = vector.broadcast %add3A_233 : i32 to vector<16xi32>
      %add3A_235 = arith.addi %add3A_232, %add3A_234 : vector<16xi32>
      %gather3A_236 = tpu.vector_load_idx %arg15[%add3A_235] : memref<28224xi32, #tpu.memory_space<vmem>>[vector<16xi32>], vector<16xi32>,
      %add3A_237 = vector.broadcast %mul3A_194 : i32 to vector<16xi32>
      %add3A_238 = arith.addi %add3A_237, %mul3A_20 : vector<16xi32>
      %add3A_239 = arith.constant 7 : i32
      %add3A_240 = vector.broadcast %add3A_239 : i32 to vector<16xi32>
      %add3A_241 = arith.addi %add3A_238, %add3A_240 : vector<16xi32>
      %gather3A_242 = tpu.vector_load_idx %arg15[%add3A_241] : memref<28224xi32, #tpu.memory_space<vmem>>[vector<16xi32>], vector<16xi32>,
      %add3A_243 = vector.broadcast %mul3A_194 : i32 to vector<16xi32>
      %add3A_244 = arith.addi %add3A_243, %mul3A_20 : vector<16xi32>
      %add3A_245 = arith.constant 8 : i32
      %add3A_246 = vector.broadcast %add3A_245 : i32 to vector<16xi32>
      %add3A_247 = arith.addi %add3A_244, %add3A_246 : vector<16xi32>
      %gather3A_248 = tpu.vector_load_idx %arg15[%add3A_247] : memref<28224xi32, #tpu.memory_space<vmem>>[vector<16xi32>], vector<16xi32>,
      %mul3A_249 = arith.constant 10 : i32
      %mul3A_250 = vector.broadcast %mul3A_249 : i32 to vector<16xi32>
      %mul3A_251 = arith.muli %gather3A_206, %mul3A_250 : vector<16xi32>
      %add3A_252 = arith.constant 119 : i32
      %add3A_253 = vector.broadcast %add3A_252 : i32 to vector<16xi32>
      %add3A_254 = arith.addi %add3A_253, %mul3A_251 : vector<16xi32>
      %add3A_255 = arith.addi %add3A_254, %gather3A_224 : vector<16xi32>
      %mul3A_256 = arith.constant 12 : i32
      %mul3A_257 = vector.broadcast %mul3A_256 : i32 to vector<16xi32>
      %mul3A_258 = arith.muli %gather3A_212, %mul3A_257 : vector<16xi32>
      %add3A_259 = arith.constant 169 : i32
      %add3A_260 = vector.broadcast %add3A_259 : i32 to vector<16xi32>
      %add3A_261 = arith.addi %add3A_260, %mul3A_258 : vector<16xi32>
      %add3A_262 = arith.addi %add3A_261, %gather3A_218 : vector<16xi32>
      %mul3A_263 = arith.constant 24 : i32
      %mul3A_264 = vector.broadcast %mul3A_263 : i32 to vector<16xi32>
      %mul3A_265 = arith.muli %gather3A_230, %mul3A_264 : vector<16xi32>
      %add3A_266 = arith.constant 313 : i32
      %add3A_267 = vector.broadcast %add3A_266 : i32 to vector<16xi32>
      %add3A_268 = arith.addi %add3A_267, %mul3A_265 : vector<16xi32>
      %mul3A_269 = arith.constant 4 : i32
      %mul3A_270 = vector.broadcast %mul3A_269 : i32 to vector<16xi32>
      %mul3A_271 = arith.muli %gather3A_236, %mul3A_270 : vector<16xi32>
      %add3A_272 = arith.addi %add3A_268, %mul3A_271 : vector<16xi32>
      %mul3A_273 = arith.constant 2 : i32
      %mul3A_274 = vector.broadcast %mul3A_273 : i32 to vector<16xi32>
      %mul3A_275 = arith.muli %gather3A_242, %mul3A_274 : vector<16xi32>
      %add3A_276 = arith.addi %add3A_272, %mul3A_275 : vector<16xi32>
      %add3A_277 = arith.addi %add3A_276, %gather3A_248 : vector<16xi32>
      %mul3A_278 = arith.constant 128 : i32
      %mul3A_279 = vector.broadcast %mul3A_278 : i32 to vector<16xi32>
      %mul3A_280 = arith.muli %gather3A_200, %mul3A_279 : vector<16xi32>
      %mul3A_281 = arith.constant 128 : i32
      %mul3A_282 = vector.broadcast %mul3A_281 : i32 to vector<16xi32>
      %mul3A_283 = arith.muli %add3A_255, %mul3A_282 : vector<16xi32>
      %mul3A_284 = arith.constant 128 : i32
      %mul3A_285 = vector.broadcast %mul3A_284 : i32 to vector<16xi32>
      %mul3A_286 = arith.muli %add3A_262, %mul3A_285 : vector<16xi32>
      %mul3A_287 = arith.constant 128 : i32
      %mul3A_288 = vector.broadcast %mul3A_287 : i32 to vector<16xi32>
      %mul3A_289 = arith.muli %add3A_277, %mul3A_288 : vector<16xi32>
      %scan3A_290 = arith.constant 0 : i32
      %scan3A_291 = arith.constant 0 : i32
      %scan3A_292 = arith.constant 16 : i32
      %scan3A_293 = arith.addi %scan3A_291, %scan3A_292 : i32
      %scan3A_294 = arith.constant 1 : i32
      scf.for %scan3A_528 = %scan3A_291 to %scan3A_293 step %scan3A_294  : i32 {
        %broadcast_in_dim3A = vector.broadcast %scan3A_528 : i32 to vector<16x1xi32>
        %gather3A_529 = vector.shape_cast %broadcast_in_dim3A : vector<16x1xi32> to vector<16xi32>
        %gather3A_530 = tpu.dynamic_gather %mul3A_280[%gather3A_529] in [0] : vector<16xi32>, vector<16xi32> -> vector<16xi32>
        %gather3A_531 = vector.shape_cast %broadcast_in_dim3A : vector<16x1xi32> to vector<16xi32>
        %gather3A_532 = tpu.dynamic_gather %mul3A_283[%gather3A_531] in [0] : vector<16xi32>, vector<16xi32> -> vector<16xi32>
        %gather3A_533 = vector.shape_cast %broadcast_in_dim3A : vector<16x1xi32> to vector<16xi32>
        %gather3A_534 = tpu.dynamic_gather %mul3A_286[%gather3A_533] in [0] : vector<16xi32>, vector<16xi32> -> vector<16xi32>
        %gather3A_535 = vector.shape_cast %broadcast_in_dim3A : vector<16x1xi32> to vector<16xi32>
        %gather3A_536 = tpu.dynamic_gather %mul3A_289[%gather3A_535] in [0] : vector<16xi32>, vector<16xi32> -> vector<16xi32>
        %add3A_537 = arith.addi %gather3A_530, %add3A_23 : vector<16xi32>
        %gather3A_538 = tpu.vector_load_idx %arg13[%add3A_537] : memref<58496xf32, #tpu.memory_space<vmem>>[vector<16xi32>], vector<16xf32>,
        %add3A_539 = arith.addi %gather3A_532, %add3A_23 : vector<16xi32>
        %gather3A_540 = tpu.vector_load_idx %arg13[%add3A_539] : memref<58496xf32, #tpu.memory_space<vmem>>[vector<16xi32>], vector<16xf32>,
        %add3A_541 = arith.addi %gather3A_534, %add3A_23 : vector<16xi32>
        %gather3A_542 = tpu.vector_load_idx %arg13[%add3A_541] : memref<58496xf32, #tpu.memory_space<vmem>>[vector<16xi32>], vector<16xf32>,
        %add3A_543 = arith.addi %gather3A_536, %add3A_23 : vector<16xi32>
        %gather3A_544 = tpu.vector_load_idx %arg13[%add3A_543] : memref<58496xf32, #tpu.memory_space<vmem>>[vector<16xi32>], vector<16xf32>,
        %add3A_545 = arith.addi %gather3A_530, %add3A_26 : vector<16xi32>
        %gather3A_546 = tpu.vector_load_idx %arg13[%add3A_545] : memref<58496xf32, #tpu.memory_space<vmem>>[vector<16xi32>], vector<16xf32>,
        %add3A_547 = arith.addi %gather3A_532, %add3A_26 : vector<16xi32>
        %gather3A_548 = tpu.vector_load_idx %arg13[%add3A_547] : memref<58496xf32, #tpu.memory_space<vmem>>[vector<16xi32>], vector<16xf32>,
        %add3A_549 = arith.addi %gather3A_534, %add3A_26 : vector<16xi32>
        %gather3A_550 = tpu.vector_load_idx %arg13[%add3A_549] : memref<58496xf32, #tpu.memory_space<vmem>>[vector<16xi32>], vector<16xf32>,
        %add3A_551 = arith.addi %gather3A_536, %add3A_26 : vector<16xi32>
        %gather3A_552 = tpu.vector_load_idx %arg13[%add3A_551] : memref<58496xf32, #tpu.memory_space<vmem>>[vector<16xi32>], vector<16xf32>,
        %add3A_553 = arith.addi %gather3A_530, %add3A_29 : vector<16xi32>
        %gather3A_554 = tpu.vector_load_idx %arg13[%add3A_553] : memref<58496xf32, #tpu.memory_space<vmem>>[vector<16xi32>], vector<16xf32>,
        %add3A_555 = arith.addi %gather3A_532, %add3A_29 : vector<16xi32>
        %gather3A_556 = tpu.vector_load_idx %arg13[%add3A_555] : memref<58496xf32, #tpu.memory_space<vmem>>[vector<16xi32>], vector<16xf32>,
        %add3A_557 = arith.addi %gather3A_534, %add3A_29 : vector<16xi32>
        %gather3A_558 = tpu.vector_load_idx %arg13[%add3A_557] : memref<58496xf32, #tpu.memory_space<vmem>>[vector<16xi32>], vector<16xf32>,
        %add3A_559 = arith.addi %gather3A_536, %add3A_29 : vector<16xi32>
        %gather3A_560 = tpu.vector_load_idx %arg13[%add3A_559] : memref<58496xf32, #tpu.memory_space<vmem>>[vector<16xi32>], vector<16xf32>,
        %add3A_561 = arith.addi %gather3A_530, %add3A_32 : vector<16xi32>
        %gather3A_562 = tpu.vector_load_idx %arg13[%add3A_561] : memref<58496xf32, #tpu.memory_space<vmem>>[vector<16xi32>], vector<16xf32>,
        %add3A_563 = arith.addi %gather3A_532, %add3A_32 : vector<16xi32>
        %gather3A_564 = tpu.vector_load_idx %arg13[%add3A_563] : memref<58496xf32, #tpu.memory_space<vmem>>[vector<16xi32>], vector<16xf32>,
        %add3A_565 = arith.addi %gather3A_534, %add3A_32 : vector<16xi32>
        %gather3A_566 = tpu.vector_load_idx %arg13[%add3A_565] : memref<58496xf32, #tpu.memory_space<vmem>>[vector<16xi32>], vector<16xf32>,
        %add3A_567 = arith.addi %gather3A_536, %add3A_32 : vector<16xi32>
        %gather3A_568 = tpu.vector_load_idx %arg13[%add3A_567] : memref<58496xf32, #tpu.memory_space<vmem>>[vector<16xi32>], vector<16xf32>,
        %add3A_569 = arith.addi %gather3A_530, %add3A_35 : vector<16xi32>
        %gather3A_570 = tpu.vector_load_idx %arg13[%add3A_569] : memref<58496xf32, #tpu.memory_space<vmem>>[vector<16xi32>], vector<16xf32>,
        %add3A_571 = arith.addi %gather3A_532, %add3A_35 : vector<16xi32>
        %gather3A_572 = tpu.vector_load_idx %arg13[%add3A_571] : memref<58496xf32, #tpu.memory_space<vmem>>[vector<16xi32>], vector<16xf32>,
        %add3A_573 = arith.addi %gather3A_534, %add3A_35 : vector<16xi32>
        %gather3A_574 = tpu.vector_load_idx %arg13[%add3A_573] : memref<58496xf32, #tpu.memory_space<vmem>>[vector<16xi32>], vector<16xf32>,
        %add3A_575 = arith.addi %gather3A_536, %add3A_35 : vector<16xi32>
        %gather3A_576 = tpu.vector_load_idx %arg13[%add3A_575] : memref<58496xf32, #tpu.memory_space<vmem>>[vector<16xi32>], vector<16xf32>,
        %add3A_577 = arith.addi %gather3A_530, %add3A_38 : vector<16xi32>
        %gather3A_578 = tpu.vector_load_idx %arg13[%add3A_577] : memref<58496xf32, #tpu.memory_space<vmem>>[vector<16xi32>], vector<16xf32>,
        %add3A_579 = arith.addi %gather3A_532, %add3A_38 : vector<16xi32>
        %gather3A_580 = tpu.vector_load_idx %arg13[%add3A_579] : memref<58496xf32, #tpu.memory_space<vmem>>[vector<16xi32>], vector<16xf32>,
        %add3A_581 = arith.addi %gather3A_534, %add3A_38 : vector<16xi32>
        %gather3A_582 = tpu.vector_load_idx %arg13[%add3A_581] : memref<58496xf32, #tpu.memory_space<vmem>>[vector<16xi32>], vector<16xf32>,
        %add3A_583 = arith.addi %gather3A_536, %add3A_38 : vector<16xi32>
        %gather3A_584 = tpu.vector_load_idx %arg13[%add3A_583] : memref<58496xf32, #tpu.memory_space<vmem>>[vector<16xi32>], vector<16xf32>,
        %add3A_585 = arith.addi %gather3A_530, %add3A_41 : vector<16xi32>
        %gather3A_586 = tpu.vector_load_idx %arg13[%add3A_585] : memref<58496xf32, #tpu.memory_space<vmem>>[vector<16xi32>], vector<16xf32>,
        %add3A_587 = arith.addi %gather3A_532, %add3A_41 : vector<16xi32>
        %gather3A_588 = tpu.vector_load_idx %arg13[%add3A_587] : memref<58496xf32, #tpu.memory_space<vmem>>[vector<16xi32>], vector<16xf32>,
        %add3A_589 = arith.addi %gather3A_534, %add3A_41 : vector<16xi32>
        %gather3A_590 = tpu.vector_load_idx %arg13[%add3A_589] : memref<58496xf32, #tpu.memory_space<vmem>>[vector<16xi32>], vector<16xf32>,
        %add3A_591 = arith.addi %gather3A_536, %add3A_41 : vector<16xi32>
        %gather3A_592 = tpu.vector_load_idx %arg13[%add3A_591] : memref<58496xf32, #tpu.memory_space<vmem>>[vector<16xi32>], vector<16xf32>,
        %add3A_593 = arith.addi %gather3A_530, %add3A_44 : vector<16xi32>
        %gather3A_594 = tpu.vector_load_idx %arg13[%add3A_593] : memref<58496xf32, #tpu.memory_space<vmem>>[vector<16xi32>], vector<16xf32>,
        %add3A_595 = arith.addi %gather3A_532, %add3A_44 : vector<16xi32>
        %gather3A_596 = tpu.vector_load_idx %arg13[%add3A_595] : memref<58496xf32, #tpu.memory_space<vmem>>[vector<16xi32>], vector<16xf32>,
        %add3A_597 = arith.addi %gather3A_534, %add3A_44 : vector<16xi32>
        %gather3A_598 = tpu.vector_load_idx %arg13[%add3A_597] : memref<58496xf32, #tpu.memory_space<vmem>>[vector<16xi32>], vector<16xf32>,
        %add3A_599 = arith.addi %gather3A_536, %add3A_44 : vector<16xi32>
        %gather3A_600 = tpu.vector_load_idx %arg13[%add3A_599] : memref<58496xf32, #tpu.memory_space<vmem>>[vector<16xi32>], vector<16xf32>,
        %add3A_601 = arith.constant 16 : i32
        %add3A_602 = arith.addi %add3A_601, %scan3A_528 : i32
        %mul3A_603 = arith.constant 128 : i32
        %mul3A_604 = arith.muli %add3A_602, %mul3A_603 : i32
        %add3A_605 = arith.addf %gather3A_538, %gather3A_540 : vector<16xf32>
        %add3A_606 = arith.addf %gather3A_542, %gather3A_544 : vector<16xf32>
        %add3A_607 = arith.addf %add3A_605, %add3A_606 : vector<16xf32>
        %add3A_608 = arith.constant 0 : i32
        %add3A_609 = arith.addi %mul3A_604, %add3A_608 : i32
        %swap3A = arith.index_cast %add3A_609 : i32 to index
        %swap3A_610 = tpu.vector_load %arg16[%swap3A] {strides = array<i32>} : memref<4096xf32, #tpu.memory_space<vmem>>, vector<16xf32>,
        tpu.vector_store %arg16[%swap3A], %add3A_607 {strides = array<i32>} : memref<4096xf32, #tpu.memory_space<vmem>>, vector<16xf32>,
        %add3A_611 = arith.addf %gather3A_546, %gather3A_548 : vector<16xf32>
        %add3A_612 = arith.addf %gather3A_550, %gather3A_552 : vector<16xf32>
        %add3A_613 = arith.addf %add3A_611, %add3A_612 : vector<16xf32>
        %add3A_614 = arith.constant 16 : i32
        %add3A_615 = arith.addi %mul3A_604, %add3A_614 : i32
        %swap3A_616 = arith.index_cast %add3A_615 : i32 to index
        %swap3A_617 = tpu.vector_load %arg16[%swap3A_616] {strides = array<i32>} : memref<4096xf32, #tpu.memory_space<vmem>>, vector<16xf32>,
        tpu.vector_store %arg16[%swap3A_616], %add3A_613 {strides = array<i32>} : memref<4096xf32, #tpu.memory_space<vmem>>, vector<16xf32>,
        %add3A_618 = arith.addf %gather3A_554, %gather3A_556 : vector<16xf32>
        %add3A_619 = arith.addf %gather3A_558, %gather3A_560 : vector<16xf32>
        %add3A_620 = arith.addf %add3A_618, %add3A_619 : vector<16xf32>
        %add3A_621 = arith.constant 32 : i32
        %add3A_622 = arith.addi %mul3A_604, %add3A_621 : i32
        %swap3A_623 = arith.index_cast %add3A_622 : i32 to index
        %swap3A_624 = tpu.vector_load %arg16[%swap3A_623] {strides = array<i32>} : memref<4096xf32, #tpu.memory_space<vmem>>, vector<16xf32>,
        tpu.vector_store %arg16[%swap3A_623], %add3A_620 {strides = array<i32>} : memref<4096xf32, #tpu.memory_space<vmem>>, vector<16xf32>,
        %add3A_625 = arith.addf %gather3A_562, %gather3A_564 : vector<16xf32>
        %add3A_626 = arith.addf %gather3A_566, %gather3A_568 : vector<16xf32>
        %add3A_627 = arith.addf %add3A_625, %add3A_626 : vector<16xf32>
        %add3A_628 = arith.constant 48 : i32
        %add3A_629 = arith.addi %mul3A_604, %add3A_628 : i32
        %swap3A_630 = arith.index_cast %add3A_629 : i32 to index
        %swap3A_631 = tpu.vector_load %arg16[%swap3A_630] {strides = array<i32>} : memref<4096xf32, #tpu.memory_space<vmem>>, vector<16xf32>,
        tpu.vector_store %arg16[%swap3A_630], %add3A_627 {strides = array<i32>} : memref<4096xf32, #tpu.memory_space<vmem>>, vector<16xf32>,
        %add3A_632 = arith.addf %gather3A_570, %gather3A_572 : vector<16xf32>
        %add3A_633 = arith.addf %gather3A_574, %gather3A_576 : vector<16xf32>
        %add3A_634 = arith.addf %add3A_632, %add3A_633 : vector<16xf32>
        %add3A_635 = arith.constant 64 : i32
        %add3A_636 = arith.addi %mul3A_604, %add3A_635 : i32
        %swap3A_637 = arith.index_cast %add3A_636 : i32 to index
        %swap3A_638 = tpu.vector_load %arg16[%swap3A_637] {strides = array<i32>} : memref<4096xf32, #tpu.memory_space<vmem>>, vector<16xf32>,
        tpu.vector_store %arg16[%swap3A_637], %add3A_634 {strides = array<i32>} : memref<4096xf32, #tpu.memory_space<vmem>>, vector<16xf32>,
        %add3A_639 = arith.addf %gather3A_578, %gather3A_580 : vector<16xf32>
        %add3A_640 = arith.addf %gather3A_582, %gather3A_584 : vector<16xf32>
        %add3A_641 = arith.addf %add3A_639, %add3A_640 : vector<16xf32>
        %add3A_642 = arith.constant 80 : i32
        %add3A_643 = arith.addi %mul3A_604, %add3A_642 : i32
        %swap3A_644 = arith.index_cast %add3A_643 : i32 to index
        %swap3A_645 = tpu.vector_load %arg16[%swap3A_644] {strides = array<i32>} : memref<4096xf32, #tpu.memory_space<vmem>>, vector<16xf32>,
        tpu.vector_store %arg16[%swap3A_644], %add3A_641 {strides = array<i32>} : memref<4096xf32, #tpu.memory_space<vmem>>, vector<16xf32>,
        %add3A_646 = arith.addf %gather3A_586, %gather3A_588 : vector<16xf32>
        %add3A_647 = arith.addf %gather3A_590, %gather3A_592 : vector<16xf32>
        %add3A_648 = arith.addf %add3A_646, %add3A_647 : vector<16xf32>
        %add3A_649 = arith.constant 96 : i32
        %add3A_650 = arith.addi %mul3A_604, %add3A_649 : i32
        %swap3A_651 = arith.index_cast %add3A_650 : i32 to index
        %swap3A_652 = tpu.vector_load %arg16[%swap3A_651] {strides = array<i32>} : memref<4096xf32, #tpu.memory_space<vmem>>, vector<16xf32>,
        tpu.vector_store %arg16[%swap3A_651], %add3A_648 {strides = array<i32>} : memref<4096xf32, #tpu.memory_space<vmem>>, vector<16xf32>,
        %add3A_653 = arith.addf %gather3A_594, %gather3A_596 : vector<16xf32>
        %add3A_654 = arith.addf %gather3A_598, %gather3A_600 : vector<16xf32>
        %add3A_655 = arith.addf %add3A_653, %add3A_654 : vector<16xf32>
        %add3A_656 = arith.constant 112 : i32
        %add3A_657 = arith.addi %mul3A_604, %add3A_656 : i32
        %swap3A_658 = arith.index_cast %add3A_657 : i32 to index
        %swap3A_659 = tpu.vector_load %arg16[%swap3A_658] {strides = array<i32>} : memref<4096xf32, #tpu.memory_space<vmem>>, vector<16xf32>,
        tpu.vector_store %arg16[%swap3A_658], %add3A_655 {strides = array<i32>} : memref<4096xf32, #tpu.memory_space<vmem>>, vector<16xf32>,
      }
      %scan3A_295 = arith.constant 16 : i32
      %mul3A_296 = arith.constant 128 : i32
      %mul3A_297 = arith.muli %min3A_84, %mul3A_296 : i32
      %dma_start3A = tpu.memref_slice %arg12[%mul3A_297] : memref<12800000xf32, #tpu.memory_space<hbm>> -> memref<4096xf32, #tpu.memory_space<hbm>>
      %dma_start3A_298 = tpu.memref_slice %arg12[%mul3A_297] : memref<12800000xf32, #tpu.memory_space<hbm>> -> memref<4096xf32, #tpu.memory_space<hbm>>
      tpu.enqueue_dma source(%arg16 : memref<4096xf32, #tpu.memory_space<vmem>>) target(%dma_start3A_298 : memref<4096xf32, #tpu.memory_space<hbm>>) target_semaphore(%arg18 : memref<!tpu.dma_semaphore, #tpu.memory_space<semaphore_mem>>)
      %gt3A_299 = arith.constant 0 : i32
      %gt3A_300 = arith.cmpi sgt, %scan3A_75, %gt3A_299 : i32
      %convert_element_type3A_301 = arith.extui %gt3A_300 : i1 to i32
      %cond3A_302 = arith.constant 0 : i32
      %cond3A_303 = arith.cmpi ne, %convert_element_type3A_301, %cond3A_302 : i32
      scf.if %cond3A_303 {
        %dma_wait3A_528 = arith.constant 0 : i32
        %dma_wait3A_529 = tpu.memref_slice %arg12[%dma_wait3A_528] : memref<12800000xf32, #tpu.memory_space<hbm>> -> memref<4096xf32, #tpu.memory_space<hbm>>
        %dma_wait3A_530 = arith.constant 0 : i32
        %dma_wait3A_531 = tpu.memref_slice %arg12[%dma_wait3A_530] : memref<12800000xf32, #tpu.memory_space<hbm>> -> memref<4096xf32, #tpu.memory_space<hbm>>
        tpu.wait_dma2 semaphore(%arg19 : memref<!tpu.dma_semaphore, #tpu.memory_space<semaphore_mem>>) src(%arg17 : memref<4096xf32, #tpu.memory_space<vmem>>) dst(%dma_wait3A_531 : memref<4096xf32, #tpu.memory_space<hbm>>)
      } else {
      }
      %mul3A_304 = arith.constant 2 : i32
      %mul3A_305 = arith.muli %scan3A_75, %mul3A_304 : i32
      %add3A_306 = arith.constant 1 : i32
      %add3A_307 = arith.addi %mul3A_305, %add3A_306 : i32
      %mul3A_308 = arith.constant 32 : i32
      %mul3A_309 = arith.muli %add3A_307, %mul3A_308 : i32
      %add3A_310 = arith.addi %mul3A_9, %mul3A_309 : i32
      %min3A_311 = arith.minsi %add3A_310, %sub3A_13 : i32
      %add3A_312 = arith.constant 0 : i32
      %add3A_313 = arith.addi %min3A_311, %add3A_312 : i32
      %sub3A_314 = arith.subi %add3A_313, %min3A_15 : i32
      %mul3A_315 = arith.constant 9 : i32
      %mul3A_316 = arith.muli %sub3A_314, %mul3A_315 : i32
      %add3A_317 = vector.broadcast %mul3A_316 : i32 to vector<16xi32>
      %add3A_318 = arith.addi %add3A_317, %mul3A_20 : vector<16xi32>
      %add3A_319 = arith.constant 0 : i32
      %add3A_320 = vector.broadcast %add3A_319 : i32 to vector<16xi32>
      %add3A_321 = arith.addi %add3A_318, %add3A_320 : vector<16xi32>
      %gather3A_322 = tpu.vector_load_idx %arg15[%add3A_321] : memref<28224xi32, #tpu.memory_space<vmem>>[vector<16xi32>], vector<16xi32>,
      %add3A_323 = vector.broadcast %mul3A_316 : i32 to vector<16xi32>
      %add3A_324 = arith.addi %add3A_323, %mul3A_20 : vector<16xi32>
      %add3A_325 = arith.constant 1 : i32
      %add3A_326 = vector.broadcast %add3A_325 : i32 to vector<16xi32>
      %add3A_327 = arith.addi %add3A_324, %add3A_326 : vector<16xi32>
      %gather3A_328 = tpu.vector_load_idx %arg15[%add3A_327] : memref<28224xi32, #tpu.memory_space<vmem>>[vector<16xi32>], vector<16xi32>,
      %add3A_329 = vector.broadcast %mul3A_316 : i32 to vector<16xi32>
      %add3A_330 = arith.addi %add3A_329, %mul3A_20 : vector<16xi32>
      %add3A_331 = arith.constant 2 : i32
      %add3A_332 = vector.broadcast %add3A_331 : i32 to vector<16xi32>
      %add3A_333 = arith.addi %add3A_330, %add3A_332 : vector<16xi32>
      %gather3A_334 = tpu.vector_load_idx %arg15[%add3A_333] : memref<28224xi32, #tpu.memory_space<vmem>>[vector<16xi32>], vector<16xi32>,
      %add3A_335 = vector.broadcast %mul3A_316 : i32 to vector<16xi32>
      %add3A_336 = arith.addi %add3A_335, %mul3A_20 : vector<16xi32>
      %add3A_337 = arith.constant 3 : i32
      %add3A_338 = vector.broadcast %add3A_337 : i32 to vector<16xi32>
      %add3A_339 = arith.addi %add3A_336, %add3A_338 : vector<16xi32>
      %gather3A_340 = tpu.vector_load_idx %arg15[%add3A_339] : memref<28224xi32, #tpu.memory_space<vmem>>[vector<16xi32>], vector<16xi32>,
      %add3A_341 = vector.broadcast %mul3A_316 : i32 to vector<16xi32>
      %add3A_342 = arith.addi %add3A_341, %mul3A_20 : vector<16xi32>
      %add3A_343 = arith.constant 4 : i32
      %add3A_344 = vector.broadcast %add3A_343 : i32 to vector<16xi32>
      %add3A_345 = arith.addi %add3A_342, %add3A_344 : vector<16xi32>
      %gather3A_346 = tpu.vector_load_idx %arg15[%add3A_345] : memref<28224xi32, #tpu.memory_space<vmem>>[vector<16xi32>], vector<16xi32>,
      %add3A_347 = vector.broadcast %mul3A_316 : i32 to vector<16xi32>
      %add3A_348 = arith.addi %add3A_347, %mul3A_20 : vector<16xi32>
      %add3A_349 = arith.constant 5 : i32
      %add3A_350 = vector.broadcast %add3A_349 : i32 to vector<16xi32>
      %add3A_351 = arith.addi %add3A_348, %add3A_350 : vector<16xi32>
      %gather3A_352 = tpu.vector_load_idx %arg15[%add3A_351] : memref<28224xi32, #tpu.memory_space<vmem>>[vector<16xi32>], vector<16xi32>,
      %add3A_353 = vector.broadcast %mul3A_316 : i32 to vector<16xi32>
      %add3A_354 = arith.addi %add3A_353, %mul3A_20 : vector<16xi32>
      %add3A_355 = arith.constant 6 : i32
      %add3A_356 = vector.broadcast %add3A_355 : i32 to vector<16xi32>
      %add3A_357 = arith.addi %add3A_354, %add3A_356 : vector<16xi32>
      %gather3A_358 = tpu.vector_load_idx %arg15[%add3A_357] : memref<28224xi32, #tpu.memory_space<vmem>>[vector<16xi32>], vector<16xi32>,
      %add3A_359 = vector.broadcast %mul3A_316 : i32 to vector<16xi32>
      %add3A_360 = arith.addi %add3A_359, %mul3A_20 : vector<16xi32>
      %add3A_361 = arith.constant 7 : i32
      %add3A_362 = vector.broadcast %add3A_361 : i32 to vector<16xi32>
      %add3A_363 = arith.addi %add3A_360, %add3A_362 : vector<16xi32>
      %gather3A_364 = tpu.vector_load_idx %arg15[%add3A_363] : memref<28224xi32, #tpu.memory_space<vmem>>[vector<16xi32>], vector<16xi32>,
      %add3A_365 = vector.broadcast %mul3A_316 : i32 to vector<16xi32>
      %add3A_366 = arith.addi %add3A_365, %mul3A_20 : vector<16xi32>
      %add3A_367 = arith.constant 8 : i32
      %add3A_368 = vector.broadcast %add3A_367 : i32 to vector<16xi32>
      %add3A_369 = arith.addi %add3A_366, %add3A_368 : vector<16xi32>
      %gather3A_370 = tpu.vector_load_idx %arg15[%add3A_369] : memref<28224xi32, #tpu.memory_space<vmem>>[vector<16xi32>], vector<16xi32>,
      %mul3A_371 = arith.constant 10 : i32
      %mul3A_372 = vector.broadcast %mul3A_371 : i32 to vector<16xi32>
      %mul3A_373 = arith.muli %gather3A_328, %mul3A_372 : vector<16xi32>
      %add3A_374 = arith.constant 119 : i32
      %add3A_375 = vector.broadcast %add3A_374 : i32 to vector<16xi32>
      %add3A_376 = arith.addi %add3A_375, %mul3A_373 : vector<16xi32>
      %add3A_377 = arith.addi %add3A_376, %gather3A_346 : vector<16xi32>
      %mul3A_378 = arith.constant 12 : i32
      %mul3A_379 = vector.broadcast %mul3A_378 : i32 to vector<16xi32>
      %mul3A_380 = arith.muli %gather3A_334, %mul3A_379 : vector<16xi32>
      %add3A_381 = arith.constant 169 : i32
      %add3A_382 = vector.broadcast %add3A_381 : i32 to vector<16xi32>
      %add3A_383 = arith.addi %add3A_382, %mul3A_380 : vector<16xi32>
      %add3A_384 = arith.addi %add3A_383, %gather3A_340 : vector<16xi32>
      %mul3A_385 = arith.constant 24 : i32
      %mul3A_386 = vector.broadcast %mul3A_385 : i32 to vector<16xi32>
      %mul3A_387 = arith.muli %gather3A_352, %mul3A_386 : vector<16xi32>
      %add3A_388 = arith.constant 313 : i32
      %add3A_389 = vector.broadcast %add3A_388 : i32 to vector<16xi32>
      %add3A_390 = arith.addi %add3A_389, %mul3A_387 : vector<16xi32>
      %mul3A_391 = arith.constant 4 : i32
      %mul3A_392 = vector.broadcast %mul3A_391 : i32 to vector<16xi32>
      %mul3A_393 = arith.muli %gather3A_358, %mul3A_392 : vector<16xi32>
      %add3A_394 = arith.addi %add3A_390, %mul3A_393 : vector<16xi32>
      %mul3A_395 = arith.constant 2 : i32
      %mul3A_396 = vector.broadcast %mul3A_395 : i32 to vector<16xi32>
      %mul3A_397 = arith.muli %gather3A_364, %mul3A_396 : vector<16xi32>
      %add3A_398 = arith.addi %add3A_394, %mul3A_397 : vector<16xi32>
      %add3A_399 = arith.addi %add3A_398, %gather3A_370 : vector<16xi32>
      %mul3A_400 = arith.constant 128 : i32
      %mul3A_401 = vector.broadcast %mul3A_400 : i32 to vector<16xi32>
      %mul3A_402 = arith.muli %gather3A_322, %mul3A_401 : vector<16xi32>
      %mul3A_403 = arith.constant 128 : i32
      %mul3A_404 = vector.broadcast %mul3A_403 : i32 to vector<16xi32>
      %mul3A_405 = arith.muli %add3A_377, %mul3A_404 : vector<16xi32>
      %mul3A_406 = arith.constant 128 : i32
      %mul3A_407 = vector.broadcast %mul3A_406 : i32 to vector<16xi32>
      %mul3A_408 = arith.muli %add3A_384, %mul3A_407 : vector<16xi32>
      %mul3A_409 = arith.constant 128 : i32
      %mul3A_410 = vector.broadcast %mul3A_409 : i32 to vector<16xi32>
      %mul3A_411 = arith.muli %add3A_399, %mul3A_410 : vector<16xi32>
      %scan3A_412 = arith.constant 0 : i32
      %scan3A_413 = arith.constant 0 : i32
      %scan3A_414 = arith.constant 16 : i32
      %scan3A_415 = arith.addi %scan3A_413, %scan3A_414 : i32
      %scan3A_416 = arith.constant 1 : i32
      scf.for %scan3A_528 = %scan3A_413 to %scan3A_415 step %scan3A_416  : i32 {
        %broadcast_in_dim3A = vector.broadcast %scan3A_528 : i32 to vector<16x1xi32>
        %gather3A_529 = vector.shape_cast %broadcast_in_dim3A : vector<16x1xi32> to vector<16xi32>
        %gather3A_530 = tpu.dynamic_gather %mul3A_402[%gather3A_529] in [0] : vector<16xi32>, vector<16xi32> -> vector<16xi32>
        %gather3A_531 = vector.shape_cast %broadcast_in_dim3A : vector<16x1xi32> to vector<16xi32>
        %gather3A_532 = tpu.dynamic_gather %mul3A_405[%gather3A_531] in [0] : vector<16xi32>, vector<16xi32> -> vector<16xi32>
        %gather3A_533 = vector.shape_cast %broadcast_in_dim3A : vector<16x1xi32> to vector<16xi32>
        %gather3A_534 = tpu.dynamic_gather %mul3A_408[%gather3A_533] in [0] : vector<16xi32>, vector<16xi32> -> vector<16xi32>
        %gather3A_535 = vector.shape_cast %broadcast_in_dim3A : vector<16x1xi32> to vector<16xi32>
        %gather3A_536 = tpu.dynamic_gather %mul3A_411[%gather3A_535] in [0] : vector<16xi32>, vector<16xi32> -> vector<16xi32>
        %add3A_537 = arith.addi %gather3A_530, %add3A_23 : vector<16xi32>
        %gather3A_538 = tpu.vector_load_idx %arg13[%add3A_537] : memref<58496xf32, #tpu.memory_space<vmem>>[vector<16xi32>], vector<16xf32>,
        %add3A_539 = arith.addi %gather3A_532, %add3A_23 : vector<16xi32>
        %gather3A_540 = tpu.vector_load_idx %arg13[%add3A_539] : memref<58496xf32, #tpu.memory_space<vmem>>[vector<16xi32>], vector<16xf32>,
        %add3A_541 = arith.addi %gather3A_534, %add3A_23 : vector<16xi32>
        %gather3A_542 = tpu.vector_load_idx %arg13[%add3A_541] : memref<58496xf32, #tpu.memory_space<vmem>>[vector<16xi32>], vector<16xf32>,
        %add3A_543 = arith.addi %gather3A_536, %add3A_23 : vector<16xi32>
        %gather3A_544 = tpu.vector_load_idx %arg13[%add3A_543] : memref<58496xf32, #tpu.memory_space<vmem>>[vector<16xi32>], vector<16xf32>,
        %add3A_545 = arith.addi %gather3A_530, %add3A_26 : vector<16xi32>
        %gather3A_546 = tpu.vector_load_idx %arg13[%add3A_545] : memref<58496xf32, #tpu.memory_space<vmem>>[vector<16xi32>], vector<16xf32>,
        %add3A_547 = arith.addi %gather3A_532, %add3A_26 : vector<16xi32>
        %gather3A_548 = tpu.vector_load_idx %arg13[%add3A_547] : memref<58496xf32, #tpu.memory_space<vmem>>[vector<16xi32>], vector<16xf32>,
        %add3A_549 = arith.addi %gather3A_534, %add3A_26 : vector<16xi32>
        %gather3A_550 = tpu.vector_load_idx %arg13[%add3A_549] : memref<58496xf32, #tpu.memory_space<vmem>>[vector<16xi32>], vector<16xf32>,
        %add3A_551 = arith.addi %gather3A_536, %add3A_26 : vector<16xi32>
        %gather3A_552 = tpu.vector_load_idx %arg13[%add3A_551] : memref<58496xf32, #tpu.memory_space<vmem>>[vector<16xi32>], vector<16xf32>,
        %add3A_553 = arith.addi %gather3A_530, %add3A_29 : vector<16xi32>
        %gather3A_554 = tpu.vector_load_idx %arg13[%add3A_553] : memref<58496xf32, #tpu.memory_space<vmem>>[vector<16xi32>], vector<16xf32>,
        %add3A_555 = arith.addi %gather3A_532, %add3A_29 : vector<16xi32>
        %gather3A_556 = tpu.vector_load_idx %arg13[%add3A_555] : memref<58496xf32, #tpu.memory_space<vmem>>[vector<16xi32>], vector<16xf32>,
        %add3A_557 = arith.addi %gather3A_534, %add3A_29 : vector<16xi32>
        %gather3A_558 = tpu.vector_load_idx %arg13[%add3A_557] : memref<58496xf32, #tpu.memory_space<vmem>>[vector<16xi32>], vector<16xf32>,
        %add3A_559 = arith.addi %gather3A_536, %add3A_29 : vector<16xi32>
        %gather3A_560 = tpu.vector_load_idx %arg13[%add3A_559] : memref<58496xf32, #tpu.memory_space<vmem>>[vector<16xi32>], vector<16xf32>,
        %add3A_561 = arith.addi %gather3A_530, %add3A_32 : vector<16xi32>
        %gather3A_562 = tpu.vector_load_idx %arg13[%add3A_561] : memref<58496xf32, #tpu.memory_space<vmem>>[vector<16xi32>], vector<16xf32>,
        %add3A_563 = arith.addi %gather3A_532, %add3A_32 : vector<16xi32>
        %gather3A_564 = tpu.vector_load_idx %arg13[%add3A_563] : memref<58496xf32, #tpu.memory_space<vmem>>[vector<16xi32>], vector<16xf32>,
        %add3A_565 = arith.addi %gather3A_534, %add3A_32 : vector<16xi32>
        %gather3A_566 = tpu.vector_load_idx %arg13[%add3A_565] : memref<58496xf32, #tpu.memory_space<vmem>>[vector<16xi32>], vector<16xf32>,
        %add3A_567 = arith.addi %gather3A_536, %add3A_32 : vector<16xi32>
        %gather3A_568 = tpu.vector_load_idx %arg13[%add3A_567] : memref<58496xf32, #tpu.memory_space<vmem>>[vector<16xi32>], vector<16xf32>,
        %add3A_569 = arith.addi %gather3A_530, %add3A_35 : vector<16xi32>
        %gather3A_570 = tpu.vector_load_idx %arg13[%add3A_569] : memref<58496xf32, #tpu.memory_space<vmem>>[vector<16xi32>], vector<16xf32>,
        %add3A_571 = arith.addi %gather3A_532, %add3A_35 : vector<16xi32>
        %gather3A_572 = tpu.vector_load_idx %arg13[%add3A_571] : memref<58496xf32, #tpu.memory_space<vmem>>[vector<16xi32>], vector<16xf32>,
        %add3A_573 = arith.addi %gather3A_534, %add3A_35 : vector<16xi32>
        %gather3A_574 = tpu.vector_load_idx %arg13[%add3A_573] : memref<58496xf32, #tpu.memory_space<vmem>>[vector<16xi32>], vector<16xf32>,
        %add3A_575 = arith.addi %gather3A_536, %add3A_35 : vector<16xi32>
        %gather3A_576 = tpu.vector_load_idx %arg13[%add3A_575] : memref<58496xf32, #tpu.memory_space<vmem>>[vector<16xi32>], vector<16xf32>,
        %add3A_577 = arith.addi %gather3A_530, %add3A_38 : vector<16xi32>
        %gather3A_578 = tpu.vector_load_idx %arg13[%add3A_577] : memref<58496xf32, #tpu.memory_space<vmem>>[vector<16xi32>], vector<16xf32>,
        %add3A_579 = arith.addi %gather3A_532, %add3A_38 : vector<16xi32>
        %gather3A_580 = tpu.vector_load_idx %arg13[%add3A_579] : memref<58496xf32, #tpu.memory_space<vmem>>[vector<16xi32>], vector<16xf32>,
        %add3A_581 = arith.addi %gather3A_534, %add3A_38 : vector<16xi32>
        %gather3A_582 = tpu.vector_load_idx %arg13[%add3A_581] : memref<58496xf32, #tpu.memory_space<vmem>>[vector<16xi32>], vector<16xf32>,
        %add3A_583 = arith.addi %gather3A_536, %add3A_38 : vector<16xi32>
        %gather3A_584 = tpu.vector_load_idx %arg13[%add3A_583] : memref<58496xf32, #tpu.memory_space<vmem>>[vector<16xi32>], vector<16xf32>,
        %add3A_585 = arith.addi %gather3A_530, %add3A_41 : vector<16xi32>
        %gather3A_586 = tpu.vector_load_idx %arg13[%add3A_585] : memref<58496xf32, #tpu.memory_space<vmem>>[vector<16xi32>], vector<16xf32>,
        %add3A_587 = arith.addi %gather3A_532, %add3A_41 : vector<16xi32>
        %gather3A_588 = tpu.vector_load_idx %arg13[%add3A_587] : memref<58496xf32, #tpu.memory_space<vmem>>[vector<16xi32>], vector<16xf32>,
        %add3A_589 = arith.addi %gather3A_534, %add3A_41 : vector<16xi32>
        %gather3A_590 = tpu.vector_load_idx %arg13[%add3A_589] : memref<58496xf32, #tpu.memory_space<vmem>>[vector<16xi32>], vector<16xf32>,
        %add3A_591 = arith.addi %gather3A_536, %add3A_41 : vector<16xi32>
        %gather3A_592 = tpu.vector_load_idx %arg13[%add3A_591] : memref<58496xf32, #tpu.memory_space<vmem>>[vector<16xi32>], vector<16xf32>,
        %add3A_593 = arith.addi %gather3A_530, %add3A_44 : vector<16xi32>
        %gather3A_594 = tpu.vector_load_idx %arg13[%add3A_593] : memref<58496xf32, #tpu.memory_space<vmem>>[vector<16xi32>], vector<16xf32>,
        %add3A_595 = arith.addi %gather3A_532, %add3A_44 : vector<16xi32>
        %gather3A_596 = tpu.vector_load_idx %arg13[%add3A_595] : memref<58496xf32, #tpu.memory_space<vmem>>[vector<16xi32>], vector<16xf32>,
        %add3A_597 = arith.addi %gather3A_534, %add3A_44 : vector<16xi32>
        %gather3A_598 = tpu.vector_load_idx %arg13[%add3A_597] : memref<58496xf32, #tpu.memory_space<vmem>>[vector<16xi32>], vector<16xf32>,
        %add3A_599 = arith.addi %gather3A_536, %add3A_44 : vector<16xi32>
        %gather3A_600 = tpu.vector_load_idx %arg13[%add3A_599] : memref<58496xf32, #tpu.memory_space<vmem>>[vector<16xi32>], vector<16xf32>,
        %add3A_601 = arith.constant 0 : i32
        %add3A_602 = arith.addi %add3A_601, %scan3A_528 : i32
        %mul3A_603 = arith.constant 128 : i32
        %mul3A_604 = arith.muli %add3A_602, %mul3A_603 : i32
        %add3A_605 = arith.addf %gather3A_538, %gather3A_540 : vector<16xf32>
        %add3A_606 = arith.addf %gather3A_542, %gather3A_544 : vector<16xf32>
        %add3A_607 = arith.addf %add3A_605, %add3A_606 : vector<16xf32>
        %add3A_608 = arith.constant 0 : i32
        %add3A_609 = arith.addi %mul3A_604, %add3A_608 : i32
        %swap3A = arith.index_cast %add3A_609 : i32 to index
        %swap3A_610 = tpu.vector_load %arg17[%swap3A] {strides = array<i32>} : memref<4096xf32, #tpu.memory_space<vmem>>, vector<16xf32>,
        tpu.vector_store %arg17[%swap3A], %add3A_607 {strides = array<i32>} : memref<4096xf32, #tpu.memory_space<vmem>>, vector<16xf32>,
        %add3A_611 = arith.addf %gather3A_546, %gather3A_548 : vector<16xf32>
        %add3A_612 = arith.addf %gather3A_550, %gather3A_552 : vector<16xf32>
        %add3A_613 = arith.addf %add3A_611, %add3A_612 : vector<16xf32>
        %add3A_614 = arith.constant 16 : i32
        %add3A_615 = arith.addi %mul3A_604, %add3A_614 : i32
        %swap3A_616 = arith.index_cast %add3A_615 : i32 to index
        %swap3A_617 = tpu.vector_load %arg17[%swap3A_616] {strides = array<i32>} : memref<4096xf32, #tpu.memory_space<vmem>>, vector<16xf32>,
        tpu.vector_store %arg17[%swap3A_616], %add3A_613 {strides = array<i32>} : memref<4096xf32, #tpu.memory_space<vmem>>, vector<16xf32>,
        %add3A_618 = arith.addf %gather3A_554, %gather3A_556 : vector<16xf32>
        %add3A_619 = arith.addf %gather3A_558, %gather3A_560 : vector<16xf32>
        %add3A_620 = arith.addf %add3A_618, %add3A_619 : vector<16xf32>
        %add3A_621 = arith.constant 32 : i32
        %add3A_622 = arith.addi %mul3A_604, %add3A_621 : i32
        %swap3A_623 = arith.index_cast %add3A_622 : i32 to index
        %swap3A_624 = tpu.vector_load %arg17[%swap3A_623] {strides = array<i32>} : memref<4096xf32, #tpu.memory_space<vmem>>, vector<16xf32>,
        tpu.vector_store %arg17[%swap3A_623], %add3A_620 {strides = array<i32>} : memref<4096xf32, #tpu.memory_space<vmem>>, vector<16xf32>,
        %add3A_625 = arith.addf %gather3A_562, %gather3A_564 : vector<16xf32>
        %add3A_626 = arith.addf %gather3A_566, %gather3A_568 : vector<16xf32>
        %add3A_627 = arith.addf %add3A_625, %add3A_626 : vector<16xf32>
        %add3A_628 = arith.constant 48 : i32
        %add3A_629 = arith.addi %mul3A_604, %add3A_628 : i32
        %swap3A_630 = arith.index_cast %add3A_629 : i32 to index
        %swap3A_631 = tpu.vector_load %arg17[%swap3A_630] {strides = array<i32>} : memref<4096xf32, #tpu.memory_space<vmem>>, vector<16xf32>,
        tpu.vector_store %arg17[%swap3A_630], %add3A_627 {strides = array<i32>} : memref<4096xf32, #tpu.memory_space<vmem>>, vector<16xf32>,
        %add3A_632 = arith.addf %gather3A_570, %gather3A_572 : vector<16xf32>
        %add3A_633 = arith.addf %gather3A_574, %gather3A_576 : vector<16xf32>
        %add3A_634 = arith.addf %add3A_632, %add3A_633 : vector<16xf32>
        %add3A_635 = arith.constant 64 : i32
        %add3A_636 = arith.addi %mul3A_604, %add3A_635 : i32
        %swap3A_637 = arith.index_cast %add3A_636 : i32 to index
        %swap3A_638 = tpu.vector_load %arg17[%swap3A_637] {strides = array<i32>} : memref<4096xf32, #tpu.memory_space<vmem>>, vector<16xf32>,
        tpu.vector_store %arg17[%swap3A_637], %add3A_634 {strides = array<i32>} : memref<4096xf32, #tpu.memory_space<vmem>>, vector<16xf32>,
        %add3A_639 = arith.addf %gather3A_578, %gather3A_580 : vector<16xf32>
        %add3A_640 = arith.addf %gather3A_582, %gather3A_584 : vector<16xf32>
        %add3A_641 = arith.addf %add3A_639, %add3A_640 : vector<16xf32>
        %add3A_642 = arith.constant 80 : i32
        %add3A_643 = arith.addi %mul3A_604, %add3A_642 : i32
        %swap3A_644 = arith.index_cast %add3A_643 : i32 to index
        %swap3A_645 = tpu.vector_load %arg17[%swap3A_644] {strides = array<i32>} : memref<4096xf32, #tpu.memory_space<vmem>>, vector<16xf32>,
        tpu.vector_store %arg17[%swap3A_644], %add3A_641 {strides = array<i32>} : memref<4096xf32, #tpu.memory_space<vmem>>, vector<16xf32>,
        %add3A_646 = arith.addf %gather3A_586, %gather3A_588 : vector<16xf32>
        %add3A_647 = arith.addf %gather3A_590, %gather3A_592 : vector<16xf32>
        %add3A_648 = arith.addf %add3A_646, %add3A_647 : vector<16xf32>
        %add3A_649 = arith.constant 96 : i32
        %add3A_650 = arith.addi %mul3A_604, %add3A_649 : i32
        %swap3A_651 = arith.index_cast %add3A_650 : i32 to index
        %swap3A_652 = tpu.vector_load %arg17[%swap3A_651] {strides = array<i32>} : memref<4096xf32, #tpu.memory_space<vmem>>, vector<16xf32>,
        tpu.vector_store %arg17[%swap3A_651], %add3A_648 {strides = array<i32>} : memref<4096xf32, #tpu.memory_space<vmem>>, vector<16xf32>,
        %add3A_653 = arith.addf %gather3A_594, %gather3A_596 : vector<16xf32>
        %add3A_654 = arith.addf %gather3A_598, %gather3A_600 : vector<16xf32>
        %add3A_655 = arith.addf %add3A_653, %add3A_654 : vector<16xf32>
        %add3A_656 = arith.constant 112 : i32
        %add3A_657 = arith.addi %mul3A_604, %add3A_656 : i32
        %swap3A_658 = arith.index_cast %add3A_657 : i32 to index
        %swap3A_659 = tpu.vector_load %arg17[%swap3A_658] {strides = array<i32>} : memref<4096xf32, #tpu.memory_space<vmem>>, vector<16xf32>,
        tpu.vector_store %arg17[%swap3A_658], %add3A_655 {strides = array<i32>} : memref<4096xf32, #tpu.memory_space<vmem>>, vector<16xf32>,
      }
      %scan3A_417 = arith.constant 16 : i32
      %add3A_418 = arith.constant 16 : i32
      %add3A_419 = arith.addi %min3A_311, %add3A_418 : i32
      %sub3A_420 = arith.subi %add3A_419, %min3A_15 : i32
      %mul3A_421 = arith.constant 9 : i32
      %mul3A_422 = arith.muli %sub3A_420, %mul3A_421 : i32
      %add3A_423 = vector.broadcast %mul3A_422 : i32 to vector<16xi32>
      %add3A_424 = arith.addi %add3A_423, %mul3A_20 : vector<16xi32>
      %add3A_425 = arith.constant 0 : i32
      %add3A_426 = vector.broadcast %add3A_425 : i32 to vector<16xi32>
      %add3A_427 = arith.addi %add3A_424, %add3A_426 : vector<16xi32>
      %gather3A_428 = tpu.vector_load_idx %arg15[%add3A_427] : memref<28224xi32, #tpu.memory_space<vmem>>[vector<16xi32>], vector<16xi32>,
      %add3A_429 = vector.broadcast %mul3A_422 : i32 to vector<16xi32>
      %add3A_430 = arith.addi %add3A_429, %mul3A_20 : vector<16xi32>
      %add3A_431 = arith.constant 1 : i32
      %add3A_432 = vector.broadcast %add3A_431 : i32 to vector<16xi32>
      %add3A_433 = arith.addi %add3A_430, %add3A_432 : vector<16xi32>
      %gather3A_434 = tpu.vector_load_idx %arg15[%add3A_433] : memref<28224xi32, #tpu.memory_space<vmem>>[vector<16xi32>], vector<16xi32>,
      %add3A_435 = vector.broadcast %mul3A_422 : i32 to vector<16xi32>
      %add3A_436 = arith.addi %add3A_435, %mul3A_20 : vector<16xi32>
      %add3A_437 = arith.constant 2 : i32
      %add3A_438 = vector.broadcast %add3A_437 : i32 to vector<16xi32>
      %add3A_439 = arith.addi %add3A_436, %add3A_438 : vector<16xi32>
      %gather3A_440 = tpu.vector_load_idx %arg15[%add3A_439] : memref<28224xi32, #tpu.memory_space<vmem>>[vector<16xi32>], vector<16xi32>,
      %add3A_441 = vector.broadcast %mul3A_422 : i32 to vector<16xi32>
      %add3A_442 = arith.addi %add3A_441, %mul3A_20 : vector<16xi32>
      %add3A_443 = arith.constant 3 : i32
      %add3A_444 = vector.broadcast %add3A_443 : i32 to vector<16xi32>
      %add3A_445 = arith.addi %add3A_442, %add3A_444 : vector<16xi32>
      %gather3A_446 = tpu.vector_load_idx %arg15[%add3A_445] : memref<28224xi32, #tpu.memory_space<vmem>>[vector<16xi32>], vector<16xi32>,
      %add3A_447 = vector.broadcast %mul3A_422 : i32 to vector<16xi32>
      %add3A_448 = arith.addi %add3A_447, %mul3A_20 : vector<16xi32>
      %add3A_449 = arith.constant 4 : i32
      %add3A_450 = vector.broadcast %add3A_449 : i32 to vector<16xi32>
      %add3A_451 = arith.addi %add3A_448, %add3A_450 : vector<16xi32>
      %gather3A_452 = tpu.vector_load_idx %arg15[%add3A_451] : memref<28224xi32, #tpu.memory_space<vmem>>[vector<16xi32>], vector<16xi32>,
      %add3A_453 = vector.broadcast %mul3A_422 : i32 to vector<16xi32>
      %add3A_454 = arith.addi %add3A_453, %mul3A_20 : vector<16xi32>
      %add3A_455 = arith.constant 5 : i32
      %add3A_456 = vector.broadcast %add3A_455 : i32 to vector<16xi32>
      %add3A_457 = arith.addi %add3A_454, %add3A_456 : vector<16xi32>
      %gather3A_458 = tpu.vector_load_idx %arg15[%add3A_457] : memref<28224xi32, #tpu.memory_space<vmem>>[vector<16xi32>], vector<16xi32>,
      %add3A_459 = vector.broadcast %mul3A_422 : i32 to vector<16xi32>
      %add3A_460 = arith.addi %add3A_459, %mul3A_20 : vector<16xi32>
      %add3A_461 = arith.constant 6 : i32
      %add3A_462 = vector.broadcast %add3A_461 : i32 to vector<16xi32>
      %add3A_463 = arith.addi %add3A_460, %add3A_462 : vector<16xi32>
      %gather3A_464 = tpu.vector_load_idx %arg15[%add3A_463] : memref<28224xi32, #tpu.memory_space<vmem>>[vector<16xi32>], vector<16xi32>,
      %add3A_465 = vector.broadcast %mul3A_422 : i32 to vector<16xi32>
      %add3A_466 = arith.addi %add3A_465, %mul3A_20 : vector<16xi32>
      %add3A_467 = arith.constant 7 : i32
      %add3A_468 = vector.broadcast %add3A_467 : i32 to vector<16xi32>
      %add3A_469 = arith.addi %add3A_466, %add3A_468 : vector<16xi32>
      %gather3A_470 = tpu.vector_load_idx %arg15[%add3A_469] : memref<28224xi32, #tpu.memory_space<vmem>>[vector<16xi32>], vector<16xi32>,
      %add3A_471 = vector.broadcast %mul3A_422 : i32 to vector<16xi32>
      %add3A_472 = arith.addi %add3A_471, %mul3A_20 : vector<16xi32>
      %add3A_473 = arith.constant 8 : i32
      %add3A_474 = vector.broadcast %add3A_473 : i32 to vector<16xi32>
      %add3A_475 = arith.addi %add3A_472, %add3A_474 : vector<16xi32>
      %gather3A_476 = tpu.vector_load_idx %arg15[%add3A_475] : memref<28224xi32, #tpu.memory_space<vmem>>[vector<16xi32>], vector<16xi32>,
      %mul3A_477 = arith.constant 10 : i32
      %mul3A_478 = vector.broadcast %mul3A_477 : i32 to vector<16xi32>
      %mul3A_479 = arith.muli %gather3A_434, %mul3A_478 : vector<16xi32>
      %add3A_480 = arith.constant 119 : i32
      %add3A_481 = vector.broadcast %add3A_480 : i32 to vector<16xi32>
      %add3A_482 = arith.addi %add3A_481, %mul3A_479 : vector<16xi32>
      %add3A_483 = arith.addi %add3A_482, %gather3A_452 : vector<16xi32>
      %mul3A_484 = arith.constant 12 : i32
      %mul3A_485 = vector.broadcast %mul3A_484 : i32 to vector<16xi32>
      %mul3A_486 = arith.muli %gather3A_440, %mul3A_485 : vector<16xi32>
      %add3A_487 = arith.constant 169 : i32
      %add3A_488 = vector.broadcast %add3A_487 : i32 to vector<16xi32>
      %add3A_489 = arith.addi %add3A_488, %mul3A_486 : vector<16xi32>
      %add3A_490 = arith.addi %add3A_489, %gather3A_446 : vector<16xi32>
      %mul3A_491 = arith.constant 24 : i32
      %mul3A_492 = vector.broadcast %mul3A_491 : i32 to vector<16xi32>
      %mul3A_493 = arith.muli %gather3A_458, %mul3A_492 : vector<16xi32>
      %add3A_494 = arith.constant 313 : i32
      %add3A_495 = vector.broadcast %add3A_494 : i32 to vector<16xi32>
      %add3A_496 = arith.addi %add3A_495, %mul3A_493 : vector<16xi32>
      %mul3A_497 = arith.constant 4 : i32
      %mul3A_498 = vector.broadcast %mul3A_497 : i32 to vector<16xi32>
      %mul3A_499 = arith.muli %gather3A_464, %mul3A_498 : vector<16xi32>
      %add3A_500 = arith.addi %add3A_496, %mul3A_499 : vector<16xi32>
      %mul3A_501 = arith.constant 2 : i32
      %mul3A_502 = vector.broadcast %mul3A_501 : i32 to vector<16xi32>
      %mul3A_503 = arith.muli %gather3A_470, %mul3A_502 : vector<16xi32>
      %add3A_504 = arith.addi %add3A_500, %mul3A_503 : vector<16xi32>
      %add3A_505 = arith.addi %add3A_504, %gather3A_476 : vector<16xi32>
      %mul3A_506 = arith.constant 128 : i32
      %mul3A_507 = vector.broadcast %mul3A_506 : i32 to vector<16xi32>
      %mul3A_508 = arith.muli %gather3A_428, %mul3A_507 : vector<16xi32>
      %mul3A_509 = arith.constant 128 : i32
      %mul3A_510 = vector.broadcast %mul3A_509 : i32 to vector<16xi32>
      %mul3A_511 = arith.muli %add3A_483, %mul3A_510 : vector<16xi32>
      %mul3A_512 = arith.constant 128 : i32
      %mul3A_513 = vector.broadcast %mul3A_512 : i32 to vector<16xi32>
      %mul3A_514 = arith.muli %add3A_490, %mul3A_513 : vector<16xi32>
      %mul3A_515 = arith.constant 128 : i32
      %mul3A_516 = vector.broadcast %mul3A_515 : i32 to vector<16xi32>
      %mul3A_517 = arith.muli %add3A_505, %mul3A_516 : vector<16xi32>
      %scan3A_518 = arith.constant 0 : i32
      %scan3A_519 = arith.constant 0 : i32
      %scan3A_520 = arith.constant 16 : i32
      %scan3A_521 = arith.addi %scan3A_519, %scan3A_520 : i32
      %scan3A_522 = arith.constant 1 : i32
      scf.for %scan3A_528 = %scan3A_519 to %scan3A_521 step %scan3A_522  : i32 {
        %broadcast_in_dim3A = vector.broadcast %scan3A_528 : i32 to vector<16x1xi32>
        %gather3A_529 = vector.shape_cast %broadcast_in_dim3A : vector<16x1xi32> to vector<16xi32>
        %gather3A_530 = tpu.dynamic_gather %mul3A_508[%gather3A_529] in [0] : vector<16xi32>, vector<16xi32> -> vector<16xi32>
        %gather3A_531 = vector.shape_cast %broadcast_in_dim3A : vector<16x1xi32> to vector<16xi32>
        %gather3A_532 = tpu.dynamic_gather %mul3A_511[%gather3A_531] in [0] : vector<16xi32>, vector<16xi32> -> vector<16xi32>
        %gather3A_533 = vector.shape_cast %broadcast_in_dim3A : vector<16x1xi32> to vector<16xi32>
        %gather3A_534 = tpu.dynamic_gather %mul3A_514[%gather3A_533] in [0] : vector<16xi32>, vector<16xi32> -> vector<16xi32>
        %gather3A_535 = vector.shape_cast %broadcast_in_dim3A : vector<16x1xi32> to vector<16xi32>
        %gather3A_536 = tpu.dynamic_gather %mul3A_517[%gather3A_535] in [0] : vector<16xi32>, vector<16xi32> -> vector<16xi32>
        %add3A_537 = arith.addi %gather3A_530, %add3A_23 : vector<16xi32>
        %gather3A_538 = tpu.vector_load_idx %arg13[%add3A_537] : memref<58496xf32, #tpu.memory_space<vmem>>[vector<16xi32>], vector<16xf32>,
        %add3A_539 = arith.addi %gather3A_532, %add3A_23 : vector<16xi32>
        %gather3A_540 = tpu.vector_load_idx %arg13[%add3A_539] : memref<58496xf32, #tpu.memory_space<vmem>>[vector<16xi32>], vector<16xf32>,
        %add3A_541 = arith.addi %gather3A_534, %add3A_23 : vector<16xi32>
        %gather3A_542 = tpu.vector_load_idx %arg13[%add3A_541] : memref<58496xf32, #tpu.memory_space<vmem>>[vector<16xi32>], vector<16xf32>,
        %add3A_543 = arith.addi %gather3A_536, %add3A_23 : vector<16xi32>
        %gather3A_544 = tpu.vector_load_idx %arg13[%add3A_543] : memref<58496xf32, #tpu.memory_space<vmem>>[vector<16xi32>], vector<16xf32>,
        %add3A_545 = arith.addi %gather3A_530, %add3A_26 : vector<16xi32>
        %gather3A_546 = tpu.vector_load_idx %arg13[%add3A_545] : memref<58496xf32, #tpu.memory_space<vmem>>[vector<16xi32>], vector<16xf32>,
        %add3A_547 = arith.addi %gather3A_532, %add3A_26 : vector<16xi32>
        %gather3A_548 = tpu.vector_load_idx %arg13[%add3A_547] : memref<58496xf32, #tpu.memory_space<vmem>>[vector<16xi32>], vector<16xf32>,
        %add3A_549 = arith.addi %gather3A_534, %add3A_26 : vector<16xi32>
        %gather3A_550 = tpu.vector_load_idx %arg13[%add3A_549] : memref<58496xf32, #tpu.memory_space<vmem>>[vector<16xi32>], vector<16xf32>,
        %add3A_551 = arith.addi %gather3A_536, %add3A_26 : vector<16xi32>
        %gather3A_552 = tpu.vector_load_idx %arg13[%add3A_551] : memref<58496xf32, #tpu.memory_space<vmem>>[vector<16xi32>], vector<16xf32>,
        %add3A_553 = arith.addi %gather3A_530, %add3A_29 : vector<16xi32>
        %gather3A_554 = tpu.vector_load_idx %arg13[%add3A_553] : memref<58496xf32, #tpu.memory_space<vmem>>[vector<16xi32>], vector<16xf32>,
        %add3A_555 = arith.addi %gather3A_532, %add3A_29 : vector<16xi32>
        %gather3A_556 = tpu.vector_load_idx %arg13[%add3A_555] : memref<58496xf32, #tpu.memory_space<vmem>>[vector<16xi32>], vector<16xf32>,
        %add3A_557 = arith.addi %gather3A_534, %add3A_29 : vector<16xi32>
        %gather3A_558 = tpu.vector_load_idx %arg13[%add3A_557] : memref<58496xf32, #tpu.memory_space<vmem>>[vector<16xi32>], vector<16xf32>,
        %add3A_559 = arith.addi %gather3A_536, %add3A_29 : vector<16xi32>
        %gather3A_560 = tpu.vector_load_idx %arg13[%add3A_559] : memref<58496xf32, #tpu.memory_space<vmem>>[vector<16xi32>], vector<16xf32>,
        %add3A_561 = arith.addi %gather3A_530, %add3A_32 : vector<16xi32>
        %gather3A_562 = tpu.vector_load_idx %arg13[%add3A_561] : memref<58496xf32, #tpu.memory_space<vmem>>[vector<16xi32>], vector<16xf32>,
        %add3A_563 = arith.addi %gather3A_532, %add3A_32 : vector<16xi32>
        %gather3A_564 = tpu.vector_load_idx %arg13[%add3A_563] : memref<58496xf32, #tpu.memory_space<vmem>>[vector<16xi32>], vector<16xf32>,
        %add3A_565 = arith.addi %gather3A_534, %add3A_32 : vector<16xi32>
        %gather3A_566 = tpu.vector_load_idx %arg13[%add3A_565] : memref<58496xf32, #tpu.memory_space<vmem>>[vector<16xi32>], vector<16xf32>,
        %add3A_567 = arith.addi %gather3A_536, %add3A_32 : vector<16xi32>
        %gather3A_568 = tpu.vector_load_idx %arg13[%add3A_567] : memref<58496xf32, #tpu.memory_space<vmem>>[vector<16xi32>], vector<16xf32>,
        %add3A_569 = arith.addi %gather3A_530, %add3A_35 : vector<16xi32>
        %gather3A_570 = tpu.vector_load_idx %arg13[%add3A_569] : memref<58496xf32, #tpu.memory_space<vmem>>[vector<16xi32>], vector<16xf32>,
        %add3A_571 = arith.addi %gather3A_532, %add3A_35 : vector<16xi32>
        %gather3A_572 = tpu.vector_load_idx %arg13[%add3A_571] : memref<58496xf32, #tpu.memory_space<vmem>>[vector<16xi32>], vector<16xf32>,
        %add3A_573 = arith.addi %gather3A_534, %add3A_35 : vector<16xi32>
        %gather3A_574 = tpu.vector_load_idx %arg13[%add3A_573] : memref<58496xf32, #tpu.memory_space<vmem>>[vector<16xi32>], vector<16xf32>,
        %add3A_575 = arith.addi %gather3A_536, %add3A_35 : vector<16xi32>
        %gather3A_576 = tpu.vector_load_idx %arg13[%add3A_575] : memref<58496xf32, #tpu.memory_space<vmem>>[vector<16xi32>], vector<16xf32>,
        %add3A_577 = arith.addi %gather3A_530, %add3A_38 : vector<16xi32>
        %gather3A_578 = tpu.vector_load_idx %arg13[%add3A_577] : memref<58496xf32, #tpu.memory_space<vmem>>[vector<16xi32>], vector<16xf32>,
        %add3A_579 = arith.addi %gather3A_532, %add3A_38 : vector<16xi32>
        %gather3A_580 = tpu.vector_load_idx %arg13[%add3A_579] : memref<58496xf32, #tpu.memory_space<vmem>>[vector<16xi32>], vector<16xf32>,
        %add3A_581 = arith.addi %gather3A_534, %add3A_38 : vector<16xi32>
        %gather3A_582 = tpu.vector_load_idx %arg13[%add3A_581] : memref<58496xf32, #tpu.memory_space<vmem>>[vector<16xi32>], vector<16xf32>,
        %add3A_583 = arith.addi %gather3A_536, %add3A_38 : vector<16xi32>
        %gather3A_584 = tpu.vector_load_idx %arg13[%add3A_583] : memref<58496xf32, #tpu.memory_space<vmem>>[vector<16xi32>], vector<16xf32>,
        %add3A_585 = arith.addi %gather3A_530, %add3A_41 : vector<16xi32>
        %gather3A_586 = tpu.vector_load_idx %arg13[%add3A_585] : memref<58496xf32, #tpu.memory_space<vmem>>[vector<16xi32>], vector<16xf32>,
        %add3A_587 = arith.addi %gather3A_532, %add3A_41 : vector<16xi32>
        %gather3A_588 = tpu.vector_load_idx %arg13[%add3A_587] : memref<58496xf32, #tpu.memory_space<vmem>>[vector<16xi32>], vector<16xf32>,
        %add3A_589 = arith.addi %gather3A_534, %add3A_41 : vector<16xi32>
        %gather3A_590 = tpu.vector_load_idx %arg13[%add3A_589] : memref<58496xf32, #tpu.memory_space<vmem>>[vector<16xi32>], vector<16xf32>,
        %add3A_591 = arith.addi %gather3A_536, %add3A_41 : vector<16xi32>
        %gather3A_592 = tpu.vector_load_idx %arg13[%add3A_591] : memref<58496xf32, #tpu.memory_space<vmem>>[vector<16xi32>], vector<16xf32>,
        %add3A_593 = arith.addi %gather3A_530, %add3A_44 : vector<16xi32>
        %gather3A_594 = tpu.vector_load_idx %arg13[%add3A_593] : memref<58496xf32, #tpu.memory_space<vmem>>[vector<16xi32>], vector<16xf32>,
        %add3A_595 = arith.addi %gather3A_532, %add3A_44 : vector<16xi32>
        %gather3A_596 = tpu.vector_load_idx %arg13[%add3A_595] : memref<58496xf32, #tpu.memory_space<vmem>>[vector<16xi32>], vector<16xf32>,
        %add3A_597 = arith.addi %gather3A_534, %add3A_44 : vector<16xi32>
        %gather3A_598 = tpu.vector_load_idx %arg13[%add3A_597] : memref<58496xf32, #tpu.memory_space<vmem>>[vector<16xi32>], vector<16xf32>,
        %add3A_599 = arith.addi %gather3A_536, %add3A_44 : vector<16xi32>
        %gather3A_600 = tpu.vector_load_idx %arg13[%add3A_599] : memref<58496xf32, #tpu.memory_space<vmem>>[vector<16xi32>], vector<16xf32>,
        %add3A_601 = arith.constant 16 : i32
        %add3A_602 = arith.addi %add3A_601, %scan3A_528 : i32
        %mul3A_603 = arith.constant 128 : i32
        %mul3A_604 = arith.muli %add3A_602, %mul3A_603 : i32
        %add3A_605 = arith.addf %gather3A_538, %gather3A_540 : vector<16xf32>
        %add3A_606 = arith.addf %gather3A_542, %gather3A_544 : vector<16xf32>
        %add3A_607 = arith.addf %add3A_605, %add3A_606 : vector<16xf32>
        %add3A_608 = arith.constant 0 : i32
        %add3A_609 = arith.addi %mul3A_604, %add3A_608 : i32
        %swap3A = arith.index_cast %add3A_609 : i32 to index
        %swap3A_610 = tpu.vector_load %arg17[%swap3A] {strides = array<i32>} : memref<4096xf32, #tpu.memory_space<vmem>>, vector<16xf32>,
        tpu.vector_store %arg17[%swap3A], %add3A_607 {strides = array<i32>} : memref<4096xf32, #tpu.memory_space<vmem>>, vector<16xf32>,
        %add3A_611 = arith.addf %gather3A_546, %gather3A_548 : vector<16xf32>
        %add3A_612 = arith.addf %gather3A_550, %gather3A_552 : vector<16xf32>
        %add3A_613 = arith.addf %add3A_611, %add3A_612 : vector<16xf32>
        %add3A_614 = arith.constant 16 : i32
        %add3A_615 = arith.addi %mul3A_604, %add3A_614 : i32
        %swap3A_616 = arith.index_cast %add3A_615 : i32 to index
        %swap3A_617 = tpu.vector_load %arg17[%swap3A_616] {strides = array<i32>} : memref<4096xf32, #tpu.memory_space<vmem>>, vector<16xf32>,
        tpu.vector_store %arg17[%swap3A_616], %add3A_613 {strides = array<i32>} : memref<4096xf32, #tpu.memory_space<vmem>>, vector<16xf32>,
        %add3A_618 = arith.addf %gather3A_554, %gather3A_556 : vector<16xf32>
        %add3A_619 = arith.addf %gather3A_558, %gather3A_560 : vector<16xf32>
        %add3A_620 = arith.addf %add3A_618, %add3A_619 : vector<16xf32>
        %add3A_621 = arith.constant 32 : i32
        %add3A_622 = arith.addi %mul3A_604, %add3A_621 : i32
        %swap3A_623 = arith.index_cast %add3A_622 : i32 to index
        %swap3A_624 = tpu.vector_load %arg17[%swap3A_623] {strides = array<i32>} : memref<4096xf32, #tpu.memory_space<vmem>>, vector<16xf32>,
        tpu.vector_store %arg17[%swap3A_623], %add3A_620 {strides = array<i32>} : memref<4096xf32, #tpu.memory_space<vmem>>, vector<16xf32>,
        %add3A_625 = arith.addf %gather3A_562, %gather3A_564 : vector<16xf32>
        %add3A_626 = arith.addf %gather3A_566, %gather3A_568 : vector<16xf32>
        %add3A_627 = arith.addf %add3A_625, %add3A_626 : vector<16xf32>
        %add3A_628 = arith.constant 48 : i32
        %add3A_629 = arith.addi %mul3A_604, %add3A_628 : i32
        %swap3A_630 = arith.index_cast %add3A_629 : i32 to index
        %swap3A_631 = tpu.vector_load %arg17[%swap3A_630] {strides = array<i32>} : memref<4096xf32, #tpu.memory_space<vmem>>, vector<16xf32>,
        tpu.vector_store %arg17[%swap3A_630], %add3A_627 {strides = array<i32>} : memref<4096xf32, #tpu.memory_space<vmem>>, vector<16xf32>,
        %add3A_632 = arith.addf %gather3A_570, %gather3A_572 : vector<16xf32>
        %add3A_633 = arith.addf %gather3A_574, %gather3A_576 : vector<16xf32>
        %add3A_634 = arith.addf %add3A_632, %add3A_633 : vector<16xf32>
        %add3A_635 = arith.constant 64 : i32
        %add3A_636 = arith.addi %mul3A_604, %add3A_635 : i32
        %swap3A_637 = arith.index_cast %add3A_636 : i32 to index
        %swap3A_638 = tpu.vector_load %arg17[%swap3A_637] {strides = array<i32>} : memref<4096xf32, #tpu.memory_space<vmem>>, vector<16xf32>,
        tpu.vector_store %arg17[%swap3A_637], %add3A_634 {strides = array<i32>} : memref<4096xf32, #tpu.memory_space<vmem>>, vector<16xf32>,
        %add3A_639 = arith.addf %gather3A_578, %gather3A_580 : vector<16xf32>
        %add3A_640 = arith.addf %gather3A_582, %gather3A_584 : vector<16xf32>
        %add3A_641 = arith.addf %add3A_639, %add3A_640 : vector<16xf32>
        %add3A_642 = arith.constant 80 : i32
        %add3A_643 = arith.addi %mul3A_604, %add3A_642 : i32
        %swap3A_644 = arith.index_cast %add3A_643 : i32 to index
        %swap3A_645 = tpu.vector_load %arg17[%swap3A_644] {strides = array<i32>} : memref<4096xf32, #tpu.memory_space<vmem>>, vector<16xf32>,
        tpu.vector_store %arg17[%swap3A_644], %add3A_641 {strides = array<i32>} : memref<4096xf32, #tpu.memory_space<vmem>>, vector<16xf32>,
        %add3A_646 = arith.addf %gather3A_586, %gather3A_588 : vector<16xf32>
        %add3A_647 = arith.addf %gather3A_590, %gather3A_592 : vector<16xf32>
        %add3A_648 = arith.addf %add3A_646, %add3A_647 : vector<16xf32>
        %add3A_649 = arith.constant 96 : i32
        %add3A_650 = arith.addi %mul3A_604, %add3A_649 : i32
        %swap3A_651 = arith.index_cast %add3A_650 : i32 to index
        %swap3A_652 = tpu.vector_load %arg17[%swap3A_651] {strides = array<i32>} : memref<4096xf32, #tpu.memory_space<vmem>>, vector<16xf32>,
        tpu.vector_store %arg17[%swap3A_651], %add3A_648 {strides = array<i32>} : memref<4096xf32, #tpu.memory_space<vmem>>, vector<16xf32>,
        %add3A_653 = arith.addf %gather3A_594, %gather3A_596 : vector<16xf32>
        %add3A_654 = arith.addf %gather3A_598, %gather3A_600 : vector<16xf32>
        %add3A_655 = arith.addf %add3A_653, %add3A_654 : vector<16xf32>
        %add3A_656 = arith.constant 112 : i32
        %add3A_657 = arith.addi %mul3A_604, %add3A_656 : i32
        %swap3A_658 = arith.index_cast %add3A_657 : i32 to index
        %swap3A_659 = tpu.vector_load %arg17[%swap3A_658] {strides = array<i32>} : memref<4096xf32, #tpu.memory_space<vmem>>, vector<16xf32>,
        tpu.vector_store %arg17[%swap3A_658], %add3A_655 {strides = array<i32>} : memref<4096xf32, #tpu.memory_space<vmem>>, vector<16xf32>,
      }
      %scan3A_523 = arith.constant 16 : i32
      %mul3A_524 = arith.constant 128 : i32
      %mul3A_525 = arith.muli %min3A_311, %mul3A_524 : i32
      %dma_start3A_526 = tpu.memref_slice %arg12[%mul3A_525] : memref<12800000xf32, #tpu.memory_space<hbm>> -> memref<4096xf32, #tpu.memory_space<hbm>>
      %dma_start3A_527 = tpu.memref_slice %arg12[%mul3A_525] : memref<12800000xf32, #tpu.memory_space<hbm>> -> memref<4096xf32, #tpu.memory_space<hbm>>
      tpu.enqueue_dma source(%arg17 : memref<4096xf32, #tpu.memory_space<vmem>>) target(%dma_start3A_527 : memref<4096xf32, #tpu.memory_space<hbm>>) target_semaphore(%arg19 : memref<!tpu.dma_semaphore, #tpu.memory_space<semaphore_mem>>)
    }
    %scan3A_67 = arith.constant 49 : i32
    %dma_wait3A = arith.constant 0 : i32
    %dma_wait3A_68 = tpu.memref_slice %arg12[%dma_wait3A] : memref<12800000xf32, #tpu.memory_space<hbm>> -> memref<4096xf32, #tpu.memory_space<hbm>>
    %dma_wait3A_69 = arith.constant 0 : i32
    %dma_wait3A_70 = tpu.memref_slice %arg12[%dma_wait3A_69] : memref<12800000xf32, #tpu.memory_space<hbm>> -> memref<4096xf32, #tpu.memory_space<hbm>>
    tpu.wait_dma2 semaphore(%arg18 : memref<!tpu.dma_semaphore, #tpu.memory_space<semaphore_mem>>) src(%arg16 : memref<4096xf32, #tpu.memory_space<vmem>>) dst(%dma_wait3A_70 : memref<4096xf32, #tpu.memory_space<hbm>>)
    %dma_wait3A_71 = arith.constant 0 : i32
    %dma_wait3A_72 = tpu.memref_slice %arg12[%dma_wait3A_71] : memref<12800000xf32, #tpu.memory_space<hbm>> -> memref<4096xf32, #tpu.memory_space<hbm>>
    %dma_wait3A_73 = arith.constant 0 : i32
    %dma_wait3A_74 = tpu.memref_slice %arg12[%dma_wait3A_73] : memref<12800000xf32, #tpu.memory_space<hbm>> -> memref<4096xf32, #tpu.memory_space<hbm>>
    tpu.wait_dma2 semaphore(%arg19 : memref<!tpu.dma_semaphore, #tpu.memory_space<semaphore_mem>>) src(%arg17 : memref<4096xf32, #tpu.memory_space<vmem>>) dst(%dma_wait3A_74 : memref<4096xf32, #tpu.memory_space<hbm>>)
    return
  }
}

</mosaic_0001>

<sc_bundles>
// kernel: kernel.3.cloned.1.call-start
scs
__scs_entry_jumppad:
0x0: {  	(pc) =	sbr.rel $0x88, $3  }
0x1: {  	(tag) =	ssettag $0x0;
	lr =	simm.s32 $0x1  }
0x2: {  	[smem:$0x3F97] =	sst lr;
	_ =	strace $0xD0000000  }
0x3: {  	_ = 	snop  }
0x4: {  	_ = 	snop  }
0x5: {  	_ = 	snop  }
0x6: {  	_ = 	snop  }
0x7: {  	_ = 	snop  }
__scs_overlays_trampoline_lowered:
0x8: {  	[smem:$0x3FA6] =	sst s0  }
0x9: {  	[smem:$0x3FA7] =	sst s1  }
0xa: {  	[smem:$0x3FA8] =	sst s2  }
0xb: {  	[smem:$0x3FA9] =	sst s3  }
0xc: {  	[smem:$0x3FAA] =	sst s4  }
0xd: {  	[smem:$0x3FAB] =	sst s5  }
0xe: {  	[smem:$0x3FAC] =	sst s6  }
0xf: {  	[smem:$0x3FAD] =	sst s7  }
0x10: {  	[smem:$0x3FAE] =	sst s8  }
0x11: {  	[smem:$0x3FAF] =	sst s9;
	s0 =	simm.s32 @!p0 $0x0  }
0x12: {  	s1 =	sld [smem:$0x3F95];
	s0 =	simm.s32 @p0 $0x1  }
0x13: {  	[smem:$0x3FB0] =	sst s0;
	s0 =	simm.s32 @!p1 $0x0  }
0x14: {  	s2 =	sld [smem:$0x3F94];
	s0 =	simm.s32 @p1 $0x1  }
0x15: {  	[smem:$0x3FB1] =	sst s0;
	s0 =	simm.s32 @!p2 $0x0  }
0x16: {  	s3 =	sld [smem:$0x3FDB];
	s0 =	simm.s32 @p2 $0x1  }
0x17: {  	s4 =	simm.s32 $0x1BF5;
	[smem:$0x3FB3] =	sst s0  }
0x18: {  	s0 =	sld [smem:$0x3F96];
	_ =	swait.ge [sflag:s4], $0x0  }
0x19: {  	s7 =	sld [smem:$0x3F97]  }
0x1a: {  	s8 =	sadd.s32 $0xFFFFE003, lr  }
0x1b: {  	s9 =	sadd.s32 $0xFFFFFEF7, lr;
	s5 =	simm.s32 $0xFFFFFFFF;
	p2 =	slt.u32 s8, $0xFFFFF086  }
0x1c: {  	p1 =	slt.u32 s9, $0xF7A;
	s5 =	simm.s32 @!p2 $0x0  }
0x1d: {  	s5 =	simm.s32 @p1 $0x1;
	p0 =	seq.s32 s7, s2  }
0x1e: {  	s7 =	smul.u32 @!p0 $0xF7A, s2;
	p2 =	seq.s32 @!p0 s5, $0x0  }
0x1f: {  	s9 =	smul.u32 $0xF7A, s1;
	s8 =	simm.s32 @!p0 $0x1BF5;
	p2 =	por !p2, p0  }
0x20: {  	[sflag:s8] =	ssyncset.s32 @!p0 $0xFFFFF086;
	s6 =	sadd.s32 @!p0 s3, s7;
	s7 =	simm.s32 @!p0 $0x108  }
0x21: {  	s3 =	sadd.s32 s3, s9;
	s6 =	sadd.s32 @!p0 $0x88, s6;
	s7 =	simm.s32 @p2 $0x1082  }
0x22: {  	[simem:s7], [sflag:s8] =	dma.local @!p0 [hbm:s6], $0xF7A  }
0x23: {  	s9 =	sor.u32 $0xD0000000, s2;
	s6 =	simm.s32 $0x108;
	_ =	swait.ge @!p0 [sflag:s8], $0x0  }
0x24: {  	s3 =	sadd.s32 $0x88, s3;
	s6 =	simm.s32 @!p1 $0x1082;
	[sflag:s4] =	ssyncset.s32 $0xFFFFF086  }
0x25: {  	[simem:s6], [sflag:s4] =	dma.local [hbm:s3], $0xF7A  }
0x26: {  	[smem:$0x3F97] =	sst s1;
	(tag) =	ssettag s2;
	_ =	strace s9  }
0x27: {  	s1 =	sld [smem:$0x3FA7]  }
0x28: {  	s2 =	sld [smem:$0x3FA8]  }
0x29: {  	s4 =	sld [smem:$0x3FAA]  }
0x2a: {  	p0 =	seq.s32 s5, $0x0;
	s5 =	sld [smem:$0x3FAB]  }
0x2b: {  	s6 =	sld [smem:$0x3FAC]  }
0x2c: {  	s7 =	sld [smem:$0x3FAD]  }
0x2d: {  	s3 =	simm.s32 $0x108;
	s8 =	sld [smem:$0x3FAE]  }
0x2e: {  	s3 =	simm.s32 @!p0 $0x1082;
	s9 =	sld [smem:$0x3FAF]  }
0x2f: {  	lr =	sadd.s32 s0, s3;
	s0 =	sld [smem:$0x3FA6]  }
0x30: {  	s3 =	sld [smem:$0x3FA9]  }
0x31: {  	[smem:$0x3FB2] =	sst s10  }
0x32: {  	s10 =	sld [smem:$0x3FB0];
	_ =	sdelay $0x3  }
0x33: {  	p0 =	seq.s32 s10, $0x1;
	s10 =	sld [smem:$0x3FB2];
	_ =	sdelay $0x3  }
0x34: {  	[smem:$0x3FB2] =	sst s10  }
0x35: {  	s10 =	sld [smem:$0x3FB1];
	_ =	sdelay $0x3  }
0x36: {  	p1 =	seq.s32 s10, $0x1;
	s10 =	sld [smem:$0x3FB2];
	_ =	sdelay $0x3  }
0x37: {  	[smem:$0x3FB2] =	sst s10  }
0x38: {  	s10 =	sld [smem:$0x3FB3]  }
0x39: {  	_ = 	snop;
	(pc) =	sbr.ind lr, $3  }
0x3a: {  	_ = 	snop  }
0x3b: {  	_ = 	snop  }
0x3c: {  	p2 =	seq.s32 s10, $0x1;
	s10 =	sld [smem:$0x3FB2]  }
0x3d: {  	_ =	shalt  }
0x3e: {  	_ =	shalt  }
0x3f: {  	_ =	shalt  }
0x40: {  	_ =	shalt  }
0x41: {  	_ =	shalt  }
0x42: {  	_ =	shalt  }
0x43: {  	_ =	shalt  }
0x44: {  	_ =	shalt  }
0x45: {  	_ =	shalt  }
0x46: {  	_ =	shalt  }
0x47: {  	_ =	shalt  }
0x48: {  	_ =	shalt  }
0x49: {  	_ =	shalt  }
0x4a: {  	_ =	shalt  }
0x4b: {  	_ =	shalt  }
0x4c: {  	_ =	shalt  }
0x4d: {  	_ =	shalt  }
0x4e: {  	_ =	shalt  }
0x4f: {  	_ =	shalt  }
0x50: {  	_ =	shalt  }
0x51: {  	_ =	shalt  }
0x52: {  	_ =	shalt  }
0x53: {  	_ =	shalt  }
0x54: {  	_ =	shalt  }
0x55: {  	_ =	shalt  }
0x56: {  	_ =	shalt  }
0x57: {  	_ =	shalt  }
0x58: {  	_ =	shalt  }
0x59: {  	_ =	shalt  }
0x5a: {  	_ =	shalt  }
0x5b: {  	_ =	shalt  }
0x5c: {  	_ =	shalt  }
0x5d: {  	_ =	shalt  }
0x5e: {  	_ =	shalt  }
0x5f: {  	_ =	shalt  }
0x60: {  	_ =	shalt  }
0x61: {  	_ =	shalt  }
0x62: {  	_ =	shalt  }
0x63: {  	_ =	shalt  }
0x64: {  	_ =	shalt  }
0x65: {  	_ =	shalt  }
0x66: {  	_ =	shalt  }
0x67: {  	_ =	shalt  }
0x68: {  	_ =	shalt  }
0x69: {  	_ =	shalt  }
0x6a: {  	_ =	shalt  }
0x6b: {  	_ =	shalt  }
0x6c: {  	_ =	shalt  }
0x6d: {  	_ =	shalt  }
0x6e: {  	_ =	shalt  }
0x6f: {  	_ =	shalt  }
0x70: {  	_ =	shalt  }
0x71: {  	_ =	shalt  }
0x72: {  	_ =	shalt  }
0x73: {  	_ =	shalt  }
0x74: {  	_ =	shalt  }
0x75: {  	_ =	shalt  }
0x76: {  	_ =	shalt  }
0x77: {  	_ =	shalt  }
0x78: {  	_ =	shalt  }
0x79: {  	_ =	shalt  }
0x7a: {  	_ =	shalt  }
0x7b: {  	_ =	shalt  }
0x7c: {  	_ =	shalt  }
0x7d: {  	_ =	shalt  }
0x7e: {  	_ =	shalt  }
0x7f: {  	_ =	shalt  }
0x80: {  	_ =	shalt  }
0x81: {  	_ =	shalt  }
0x82: {  	_ =	shalt  }
0x83: {  	_ =	shalt  }
0x84: {  	_ =	shalt  }
0x85: {  	_ =	shalt  }
0x86: {  	_ =	shalt  }
0x87: {  	_ =	shalt  }
.Lfunc_end0:
.L_simem_size_0:
called_computation_lowered:
.L_overlay_start_0:
0x88: {  	s2 =	sld [smem:$0x3FD9]  }
0x89: {  	s3 =	sld [smem:$0x3FFE];
	_ =	sdelay $0x1  }
0x8a: {  	s1 =	srdreg.scid  }
0x8b: {  	s0 =	sand.u32 $0x1, s1  }
0x8c: {  	s17 =	sshll.u32 s0, $0xA;
	s2 =	sadd.s32 s3, s2  }
0x8d: {  	s2 =	sadd.s32 s2, s17  }
0x8e: {  	[smem:$0x3FBE] =	sst s2  }
0x8f: {  	_ = 	snop  }
0x90: {  	s2 =	sld [smem:$0x3FC8]  }
0x91: {  	s18 =	sld [smem:$0x3FC7]  }
0x92: {  	s4 =	sld [smem:$0x3FC6]  }
0x93: {  	s5 =	sld [smem:$0x3FC5]  }
0x94: {  	s6 =	sld [smem:$0x3FC4]  }
0x95: {  	s7 =	sld [smem:$0x3FC3]  }
0x96: {  	s8 =	sld [smem:$0x3FC2]  }
0x97: {  	s9 =	sld [smem:$0x3FC1]  }
0x98: {  	s10 =	sld [smem:$0x3FC0]  }
0x99: {  	s11 =	sld [smem:$0x3FD0];
	(tm) =	ssettm $0x1  }
0x9a: {  	s12 =	sld [smem:$0x3FFB];
	_ =	sdelay $0x3  }
0x9b: {  	_ =	strace s12  }
0x9c: {  	s12 =	sld [smem:$0x3FFC];
	_ =	sdelay $0x3  }
0x9d: {  	_ =	strace s12  }
0x9e: {  	s12 =	sld [smem:$0x3FFD];
	_ =	sdelay $0x3  }
0x9f: {  	_ =	strace s12  }
0xa0: {  	_ =	strace $0x8FFFFFFF  }
0xa1: {  	s19 =	sld [smem:$0x3FDB];
	_ =	sdelay $0x1  }
0xa2: {  	s13 =	simm.s32 $_scs_section_size  }
0xa3: {  	s14 =	simm.s32 $_size__tile_overlayer_lowered;
	s15 =	simm.s32 $_tile_overlayer_lowered  }
0xa4: {  	s22 =	simm.s32 $0x1BFF;
	s21 =	sshll.u32 s15, $0x1;
	s12 =	sadd.s32 s13, s19  }
0xa5: {  	s16 =	simm.s32 $0x0;
	s20 =	sshll.u32 s14, $0x1;
	s14 =	sadd.s32 s21, s12  }
0xa6: {  	[timem:s16], [sflag:s22] =	dma.local [hbm:s14], s20  }
0xa7: {  	_ =	swait.ge [sflag:s22], s20  }
0xa8: {  	s13 =	ssub.s32 $0x0, s20;
	[sflag:s22] =	ssyncset.done $0x0  }
0xa9: {  	[sflag:s22] =	ssyncadd.s32 s13;
	_ =	sdelay $0x1  }
0xaa: {  	s23 =	simm.s32 $0x1B8B  }
0xab: {  	_ =	swait.ge [sflag:s23], $0x1  }
0xac: {  	[sflag:s23] =	ssyncset.done $0x0  }
0xad: {  	s25 =	simm.s32 $0x1B8E;
	s24 =	sld [smem:$0x3FFE];
	[sflag:s23] =	ssyncadd.s32 $0xFFFFFFFF  }
0xae: {  	s26 =	simm.s32 $execute0_lowered;
	[smem:$0x3FD2] =	sst s25  }
0xaf: {  	s14 =	sshll.u32 s26, $0x1;
	_ =	strace $0x80000046;
	[dreg:$0x1] =	wrdreg $0xFFFFFFFF  }
0xb0: {  	s28 =	simm.s32 $_size_execute0_lowered;
	s12 =	sadd.s32 s12, s14;
	[dreg:$0x0] =	wrdreg $0x0  }
0xb1: {  	s14 =	sshll.u32 s28, $0x1;
	[dreg:$0x2] =	wrdreg s12  }
0xb2: {  	[dreg:$0x3] =	wrdreg s14  }
0xb3: {  	[dreg:$0x4] =	wrdreg $0xC0  }
0xb4: {  	_ =	task [dreg:s16], $0x5FFFF  }
0xb5: {  	[dreg:$0x1] =	wrdreg $0xFFFFFFFF  }
0xb6: {  	[dreg:$0x0] =	wrdreg $0x60  }
0xb7: {  	[dreg:$0x2] =	wrdreg s24  }
0xb8: {  	[dreg:$0x3] =	wrdreg s2  }
0xb9: {  	[dreg:$0x4] =	wrdreg s18  }
0xba: {  	[dreg:$0x5] =	wrdreg s4  }
0xbb: {  	[dreg:$0x6] =	wrdreg s5  }
0xbc: {  	[dreg:$0x7] =	wrdreg s6  }
0xbd: {  	[dreg:$0x8] =	wrdreg s7  }
0xbe: {  	[dreg:$0x9] =	wrdreg s8  }
0xbf: {  	[dreg:$0xa] =	wrdreg s9  }
0xc0: {  	[dreg:$0xb] =	wrdreg s10  }
0xc1: {  	[dreg:$0xc] =	wrdreg s11  }
0xc2: {  	[dreg:$0xd] =	wrdreg $0x9  }
0xc3: {  	_ =	task.clear_ibuf [dreg:s16], $0xEFFFF;
	_ =	strace $0x90000046  }
0xc4: {  	s29 =	simm.s32 $0x9;
	_ =	strace $0x80000048  }
0xc5: {  	_ =	swait.ge [sflag:s29], $0x1  }
0xc6: {  	[sflag:s29] =	ssyncadd.s32 $0xFFFFFFFF  }
0xc7: {  	_ =	strace $0x90000048  }
0xc8: {  	_ =	sfence  }
0xc9: {  	s30 =	sld [smem:$0x0];
	_ =	sdelay $0x2  }
0xca: {  	s31 =	sshll.u32 s1, $0xD;
	s1 =	sshrl.u32 s1, $0x2  }
0xcb: {  	s3 =	sand.u32 $0x4000, s31;
	s1 =	sadd.s32 s1, s30  }
0xcc: {  	s0 =	sor.u32 s3, s0;
	s1 =	sshll.u32 s1, $0x11  }
0xcd: {  	s0 =	sor.u32 s1, s0  }
0xce: {  	s0 =	sadd.s32 $0x8F2B, s0  }
0xcf: {  	[sflag:s0] =	ssyncadd.remote.s32 $0x1  }
0xd0: {  	_ =	sfence.sel $0xFFFF  }
0xd1: {  	[dreg:$0x0] =	wrdreg $0xFFFFFFFF;
	(pc) =	sbr.abs _section_cstart, $3  }
0xd2: {  	[dreg:$0x1] =	wrdreg $0xFFFFFFFF  }
0xd3: {  	_ =	task.clear_ibuf [dreg:s16], $0x2FFFF;
	_ =	strace $0x9FFFFFFF  }
0xd4: {  	(tm) =	ssettm $0x7FFFFFFF  }
0xd5: {  	_ =	shalt  }
tec
execute0_lowered:
.L_overlay_start_1:
0x0: {  	(tag) =	ssettag $0x1  }
0x1: {  	s0 =	rddreg [dreg:$0x0]  }
0x2: {  	s1 =	srdreg.scid;
	s4 =	stileid.u32  }
0x3: {  	s11 =	rddreg [dreg:$0xa];
	s12 =	simm.s32 $0x0;
	s19 =	simm.s32 $0x10000  }
0x4: {  	s20 =	simm.s32 $0x3;
	s23 =	simm.s32 $0xED00;
	s24 =	simm.s32 $0xF300  }
0x5: {  	s28 =	simm.s32 $0xFE00;
	s29 =	simm.s32 $0xFF00;
	s30 =	simm.s32 $0x16E80  }
0x6: {  	s31 =	simm.s32 $0x17E80;
	s1 =	sand.u32 $0x1, s1;
	s2 =	sshll.u32 s4, $0x1  }
0x7: {  	s8 =	simm.s32 $0x1;
	[smem:$0x7FF] =	sst s12;
	s2 =	sor.u32 s1, s2  }
0x8: {  	p0 =	slt.u32 s4, $0xA;
	s1 =	ssub.s32 $0x2, s1;
	s3 =	smul.u32 $0x186, s2  }
0x9: {  	v0 =	vlaneseq.u32;
	_ =	strace $0x80000047;
	s2 =	smin.u32 s2, $0x14;
	s25 =	sshrl.u32 s1, $0x1  }
0xa: {  	v1 =	vmul.u32 $0x9, v0;
	s1 =	ssub.s32 s1, s25;
	s25 =	simm.s32 $0xF800;
	s2 =	sadd.s32 s2, s3  }
.Ltmp0:
0xb: {  	v10 =	vor.u32 $0x10, v0;
	v11 =	vor.u32 $0x20, v0;
	v12 =	vor.u32 $0x30, v0;
	s13 =	sshll.u32 s2, $0x3;
	s2 =	simm.s32 $0xC18;
	(pc) =	sbr.rel .LBB2_1-.Ltmp0, $4  }
0xc: {  	v13 =	vor.u32 $0x40, v0;
	v14 =	vor.u32 $0x50, v0;
	v15 =	vor.u32 $0x60, v0;
	s18 =	smax.u32 s1, $0x1;
	s14 =	smin.u32 s13, $0x17A60;
	s2 =	simm.s32 @!p0 $0xC10  }
0xd: {  	v16 =	vor.u32 $0x70, v0;
	v2 =	vadd.s32 $0x1, v1;
	v3 =	vadd.s32 $0x2, v1;
	s17 =	sadd.s32 $0x20, s13;
	s0 =	sadd.s32 s14, s0;
	s26 =	sshrl.u32 s14, $0x3  }
0xe: {  	v4 =	vadd.s32 $0x3, v1;
	v5 =	vadd.s32 $0x4, v1;
	v6 =	vadd.s32 $0x5, v1;
	s15 =	sadd.s32 s13, s2;
	s2 =	simm.s32 $0x2;
	s0 =	sadd.s32 s26, s0  }
0xf: {  	v7 =	vadd.s32 $0x6, v1;
	v8 =	vadd.s32 $0x7, v1;
	v9 =	vadd.s32 $0x8, v1;
	s26 =	simm.s32 $0xFB00;
	s16 =	sadd.s32 $0x400, s0;
	s0 =	simm.s32 $0x0  }
.LBB2_22:
0x10: {  	s0 =	sadd.s32 $0x1, s0  }
0x11: {  	_ =	swait.ge [sflag:s8], $0x1000;
	p0 =	sne.s32 s0, s18  }
.Ltmp1:
0x12: {  	[sflag:s8] =	ssyncset.done $0x0;
	(pc) =	sbr.rel @!p0 .LBB2_23-.Ltmp1, $4  }
0x13: {  	[sflag:s8] =	ssyncadd.s32 $0xFFFFF000  }
0x14: {  	_ =	swait.ge [sflag:s2], $0x1000  }
0x15: {  	[sflag:s2] =	ssyncset.done $0x0  }
0x16: {  	[sflag:s2] =	ssyncadd.s32 $0xFFFFF000  }
.LBB2_1:
0x17: {  	[tilespmem:s19], [sflag:$0x3] =	stream.linear.gather [hbm4b:s16+s12], $0x6E40, $0x38;
	[tilespmem:$0x18E80] =	vst v63  }
0x18: {  	_ =	swait.ge [sflag:s20], $0x6E40  }
0x19: {  	[sflag:s20] =	ssyncset.done $0x0  }
0x1a: {  	[sflag:s20] =	ssyncadd.s32 $0xFFFF91C0  }
0x1b: {  	s1 =	rddreg [dreg:$0x1]  }
0x1c: {  	[tilespmem:s12], [sflag:$0x3] =	stream.linear.gather [hbm4b:s1+s12], $0x3B80, $0x38;
	[tilespmem:$0x18E80] =	vst v63  }
0x1d: {  	_ =	swait.ge [sflag:s20], $0x3B80  }
0x1e: {  	[sflag:s20] =	ssyncset.done $0x0  }
0x1f: {  	[sflag:s20] =	ssyncadd.s32 $0xFFFFC480  }
0x20: {  	s3 =	simm.s32 $0xE480;
	s10 =	rddreg [dreg:$0x2]  }
0x21: {  	[tilespmem:s3], [sflag:$0x3] =	stream.linear.gather [hbm4b:s10+s12], $0x280, $0x38;
	[tilespmem:$0x18E80] =	vst v63  }
0x22: {  	_ =	swait.ge [sflag:s20], $0x280  }
0x23: {  	[sflag:s20] =	ssyncset.done $0x0  }
0x24: {  	[sflag:s20] =	ssyncadd.s32 $0xFFFFFD80  }
0x25: {  	s22 =	simm.s32 $0xE700;
	s21 =	rddreg [dreg:$0x3]  }
0x26: {  	[tilespmem:s22], [sflag:$0x3] =	stream.linear.gather [hbm4b:s21+s12], $0x600, $0x38;
	[tilespmem:$0x18E80] =	vst v63  }
0x27: {  	_ =	swait.ge [sflag:s20], $0x600  }
0x28: {  	[sflag:s20] =	ssyncset.done $0x0  }
0x29: {  	[sflag:s20] =	ssyncadd.s32 $0xFFFFFA00  }
0x2a: {  	s4 =	rddreg [dreg:$0x4]  }
0x2b: {  	[tilespmem:s23], [sflag:$0x3] =	stream.linear.gather [hbm4b:s4+s12], $0x600, $0x38;
	[tilespmem:$0x18E80] =	vst v63  }
0x2c: {  	_ =	swait.ge [sflag:s20], $0x600  }
0x2d: {  	[sflag:s20] =	ssyncset.done $0x0  }
0x2e: {  	[sflag:s20] =	ssyncadd.s32 $0xFFFFFA00  }
0x2f: {  	s5 =	rddreg [dreg:$0x5]  }
0x30: {  	[tilespmem:s24], [sflag:$0x3] =	stream.linear.gather [hbm4b:s5+s12], $0x500, $0x38;
	[tilespmem:$0x18E80] =	vst v63  }
0x31: {  	_ =	swait.ge [sflag:s20], $0x500  }
0x32: {  	[sflag:s20] =	ssyncset.done $0x0  }
0x33: {  	[sflag:s20] =	ssyncadd.s32 $0xFFFFFB00  }
0x34: {  	s6 =	rddreg [dreg:$0x6]  }
0x35: {  	[tilespmem:s25], [sflag:$0x3] =	stream.linear.gather [hbm4b:s6+s12], $0x300, $0x38;
	[tilespmem:$0x18E80] =	vst v63  }
0x36: {  	_ =	swait.ge [sflag:s20], $0x300  }
0x37: {  	[sflag:s20] =	ssyncset.done $0x0  }
0x38: {  	[sflag:s20] =	ssyncadd.s32 $0xFFFFFD00  }
0x39: {  	s7 =	rddreg [dreg:$0x7]  }
0x3a: {  	[tilespmem:s26], [sflag:$0x3] =	stream.linear.gather [hbm4b:s7+s12], $0x300, $0x38;
	[tilespmem:$0x18E80] =	vst v63  }
0x3b: {  	_ =	swait.ge [sflag:s20], $0x300  }
0x3c: {  	[sflag:s20] =	ssyncset.done $0x0  }
0x3d: {  	[sflag:s20] =	ssyncadd.s32 $0xFFFFFD00  }
0x3e: {  	s10 =	smul.u32 $0xCD, s12;
	s9 =	rddreg [dreg:$0x8]  }
0x3f: {  	[tilespmem:s28], [sflag:$0x3] =	stream.linear.gather [hbm4b:s9+s12], $0x100, $0x38;
	[tilespmem:$0x18E80] =	vst v63  }
0x40: {  	_ =	swait.ge [sflag:s20], $0x100  }
0x41: {  	s22 =	sshrl.u32 s10, $0xB;
	[sflag:s20] =	ssyncset.done $0x0  }
0x42: {  	s3 =	sand.u32 $0x1F, s22;
	[sflag:s20] =	ssyncadd.s32 $0xFFFFFF00  }
0x43: {  	s3 =	smul.u32 $0xA, s3;
	s21 =	rddreg [dreg:$0x9]  }
0x44: {  	[tilespmem:s29], [sflag:$0x3] =	stream.linear.gather [hbm4b:s21+s12], $0x100, $0x38;
	[tilespmem:$0x18E80] =	vst v63  }
0x45: {  	_ =	swait.ge [sflag:s20], $0x100  }
0x46: {  	s1 =	sshrl.u32 s10, $0x4;
	s3 =	ssub.s32 $0x0, s3;
	[sflag:s20] =	ssyncset.done $0x0  }
0x47: {  	s3 =	sand.u32 $0xFF, s3;
	s4 =	sand.u32 $0xF80, s1;
	[sflag:s20] =	ssyncadd.s32 $0xFFFFFF00  }
0x48: {  	s5 =	sshll.u32 s3, $0x7;
	v17 =	vld [tilespmem:s4+$0xE480]  }
0x49: {  	v18 =	vld [tilespmem:s5+$0xF300];
	_ =	sdelay $0x4  }
0x4a: {  	v17 =	vadd.f32 v18, v17  }
0x4b: {  	s1 =	simm.s32 $0x3BF0  }
0x4c: {  	[tilespmem:s1+$0xFFFFFF90] =	vst v17  }
0x4d: {  	v17 =	vld [tilespmem:s4+$0xE490]  }
0x4e: {  	v18 =	vld [tilespmem:s5+$0xF310];
	_ =	sdelay $0x4  }
0x4f: {  	v17 =	vadd.f32 v18, v17;
	_ =	sdelay $0x1  }
0x50: {  	[tilespmem:s1+$0xFFFFFFA0] =	vst v17  }
0x51: {  	v17 =	vld [tilespmem:s4+$0xE4A0]  }
0x52: {  	v18 =	vld [tilespmem:s5+$0xF320];
	_ =	sdelay $0x4  }
0x53: {  	v17 =	vadd.f32 v18, v17;
	_ =	sdelay $0x1  }
0x54: {  	[tilespmem:s1+$0xFFFFFFB0] =	vst v17  }
0x55: {  	v17 =	vld [tilespmem:s4+$0xE4B0]  }
0x56: {  	v18 =	vld [tilespmem:s5+$0xF330];
	_ =	sdelay $0x4  }
0x57: {  	v17 =	vadd.f32 v18, v17;
	_ =	sdelay $0x1  }
0x58: {  	[tilespmem:s1+$0xFFFFFFC0] =	vst v17  }
0x59: {  	v17 =	vld [tilespmem:s4+$0xE4C0]  }
0x5a: {  	v18 =	vld [tilespmem:s5+$0xF340];
	_ =	sdelay $0x4  }
0x5b: {  	v17 =	vadd.f32 v18, v17;
	_ =	sdelay $0x1  }
0x5c: {  	[tilespmem:s1+$0xFFFFFFD0] =	vst v17  }
0x5d: {  	v17 =	vld [tilespmem:s4+$0xE4D0]  }
0x5e: {  	v18 =	vld [tilespmem:s5+$0xF350];
	_ =	sdelay $0x4  }
0x5f: {  	v17 =	vadd.f32 v18, v17;
	_ =	sdelay $0x1  }
0x60: {  	[tilespmem:s1+$0xFFFFFFE0] =	vst v17  }
0x61: {  	v17 =	vld [tilespmem:s4+$0xE4E0]  }
0x62: {  	v18 =	vld [tilespmem:s5+$0xF360];
	_ =	sdelay $0x4  }
0x63: {  	v17 =	vadd.f32 v18, v17;
	_ =	sdelay $0x1  }
0x64: {  	[tilespmem:s1+$0xFFFFFFF0] =	vst v17  }
0x65: {  	s3 =	simm.s32 $0x1;
	s7 =	simm.s32 $0x2;
	v17 =	vld [tilespmem:s4+$0xE4F0];
	s4 =	simm.s32 $0x3BF0  }
.LBB2_2:
0x66: {  	s9 =	smul.u32 $0xCD, s3  }
0x67: {  	v18 =	vld [tilespmem:s5+$0xF370];
	s1 =	sadd.s32 $0x80, s1;
	s5 =	smov.u32 s7;
	s6 =	sadd.s32 $0x1, s7  }
0x68: {  	p0 =	sne.s32 s7, $0x31  }
0x69: {  	s7 =	sshrl.u32 s9, $0xB;
	s9 =	sshrl.u32 s9, $0x4  }
0x6a: {  	s7 =	sand.u32 $0x1F, s7  }
0x6b: {  	s7 =	smul.u32 $0xA, s7  }
0x6c: {  	v17 =	vadd.f32 v18, v17  }
0x6d: {  	s7 =	ssub.s32 s3, s7;
	s3 =	smov.u32 s5  }
0x6e: {  	s5 =	sand.u32 $0xFF, s7;
	s7 =	sand.u32 $0xF80, s9;
	[tilespmem:s4+$0x0] =	vst v17;
	s4 =	smov.u32 s1  }
0x6f: {  	v17 =	vld [tilespmem:s7+$0xE480];
	s5 =	sshll.u32 s5, $0x7  }
0x70: {  	v18 =	vld [tilespmem:s5+$0xF300];
	_ =	sdelay $0x4  }
0x71: {  	v17 =	vadd.f32 v18, v17;
	_ =	sdelay $0x1  }
0x72: {  	[tilespmem:s1+$0xFFFFFF90] =	vst v17  }
0x73: {  	v17 =	vld [tilespmem:s7+$0xE490]  }
0x74: {  	v18 =	vld [tilespmem:s5+$0xF310];
	_ =	sdelay $0x4  }
0x75: {  	v17 =	vadd.f32 v18, v17;
	_ =	sdelay $0x1  }
0x76: {  	[tilespmem:s1+$0xFFFFFFA0] =	vst v17  }
0x77: {  	v17 =	vld [tilespmem:s7+$0xE4A0]  }
0x78: {  	v18 =	vld [tilespmem:s5+$0xF320];
	_ =	sdelay $0x4  }
0x79: {  	v17 =	vadd.f32 v18, v17;
	_ =	sdelay $0x1  }
0x7a: {  	[tilespmem:s1+$0xFFFFFFB0] =	vst v17  }
0x7b: {  	v17 =	vld [tilespmem:s7+$0xE4B0]  }
0x7c: {  	v18 =	vld [tilespmem:s5+$0xF330];
	_ =	sdelay $0x4  }
0x7d: {  	v17 =	vadd.f32 v18, v17;
	_ =	sdelay $0x1  }
0x7e: {  	[tilespmem:s1+$0xFFFFFFC0] =	vst v17  }
0x7f: {  	v17 =	vld [tilespmem:s7+$0xE4C0]  }
0x80: {  	v18 =	vld [tilespmem:s5+$0xF340];
	_ =	sdelay $0x4  }
0x81: {  	v17 =	vadd.f32 v18, v17;
	_ =	sdelay $0x1  }
0x82: {  	[tilespmem:s1+$0xFFFFFFD0] =	vst v17  }
0x83: {  	v17 =	vld [tilespmem:s7+$0xE4D0]  }
0x84: {  	v18 =	vld [tilespmem:s5+$0xF350];
	_ =	sdelay $0x4  }
0x85: {  	v17 =	vadd.f32 v18, v17;
	_ =	sdelay $0x1  }
0x86: {  	[tilespmem:s1+$0xFFFFFFE0] =	vst v17  }
0x87: {  	v17 =	vld [tilespmem:s7+$0xE4E0]  }
0x88: {  	v18 =	vld [tilespmem:s5+$0xF360];
	_ =	sdelay $0x3  }
.Ltmp2:
0x89: {  	(pc) =	sbr.rel @p0 .LBB2_2-.Ltmp2, $3  }
0x8a: {  	v17 =	vadd.f32 v18, v17;
	_ =	sdelay $0x1  }
0x8b: {  	[tilespmem:s1+$0xFFFFFFF0] =	vst v17  }
0x8c: {  	v17 =	vld [tilespmem:s7+$0xE4F0];
	s7 =	smov.u32 s6  }
0x8d: {  	s6 =	smul.u32 $0xCD, s3;
	v18 =	vld [tilespmem:s5+$0xF370];
	_ =	sdelay $0x1  }
0x8e: {  	s9 =	sshrl.u32 s6, $0xB  }
0x8f: {  	s5 =	sand.u32 $0x1F, s9  }
0x90: {  	s5 =	smul.u32 $0xA, s5  }
0x91: {  	v17 =	vadd.f32 v18, v17  }
0x92: {  	s6 =	sshrl.u32 s6, $0x4;
	s10 =	ssub.s32 s3, s5  }
0x93: {  	s21 =	sand.u32 $0xF80, s6;
	s3 =	sand.u32 $0xFF, s10;
	[tilespmem:s4+$0x0] =	vst v17  }
0x94: {  	v17 =	vld [tilespmem:s21+$0xE480];
	s3 =	sshll.u32 s3, $0x7  }
0x95: {  	v18 =	vld [tilespmem:s3+$0xF300];
	_ =	sdelay $0x4  }
0x96: {  	v17 =	vadd.f32 v18, v17  }
0x97: {  	s22 =	sadd.s32 $0x80, s1  }
0x98: {  	[tilespmem:s22+$0xFFFFFF90] =	vst v17  }
0x99: {  	v17 =	vld [tilespmem:s21+$0xE490]  }
0x9a: {  	v18 =	vld [tilespmem:s3+$0xF310];
	_ =	sdelay $0x4  }
0x9b: {  	v17 =	vadd.f32 v18, v17;
	_ =	sdelay $0x1  }
0x9c: {  	[tilespmem:s22+$0xFFFFFFA0] =	vst v17  }
0x9d: {  	v17 =	vld [tilespmem:s21+$0xE4A0]  }
0x9e: {  	v18 =	vld [tilespmem:s3+$0xF320];
	_ =	sdelay $0x4  }
0x9f: {  	v17 =	vadd.f32 v18, v17;
	_ =	sdelay $0x1  }
0xa0: {  	[tilespmem:s22+$0xFFFFFFB0] =	vst v17  }
0xa1: {  	v17 =	vld [tilespmem:s21+$0xE4B0]  }
0xa2: {  	v18 =	vld [tilespmem:s3+$0xF330];
	_ =	sdelay $0x4  }
0xa3: {  	v17 =	vadd.f32 v18, v17;
	_ =	sdelay $0x1  }
0xa4: {  	[tilespmem:s22+$0xFFFFFFC0] =	vst v17  }
0xa5: {  	v17 =	vld [tilespmem:s21+$0xE4C0]  }
0xa6: {  	v18 =	vld [tilespmem:s3+$0xF340];
	_ =	sdelay $0x4  }
0xa7: {  	v17 =	vadd.f32 v18, v17;
	_ =	sdelay $0x1  }
0xa8: {  	[tilespmem:s22+$0xFFFFFFD0] =	vst v17  }
0xa9: {  	v17 =	vld [tilespmem:s21+$0xE4D0]  }
0xaa: {  	v18 =	vld [tilespmem:s3+$0xF350];
	_ =	sdelay $0x4  }
0xab: {  	v17 =	vadd.f32 v18, v17;
	_ =	sdelay $0x1  }
0xac: {  	[tilespmem:s22+$0xFFFFFFE0] =	vst v17  }
0xad: {  	v17 =	vld [tilespmem:s21+$0xE4E0]  }
0xae: {  	v18 =	vld [tilespmem:s3+$0xF360];
	_ =	sdelay $0x4  }
0xaf: {  	v17 =	vadd.f32 v18, v17;
	_ =	sdelay $0x1  }
0xb0: {  	[tilespmem:s22+$0xFFFFFFF0] =	vst v17  }
0xb1: {  	v17 =	vld [tilespmem:s21+$0xE4F0]  }
0xb2: {  	v18 =	vld [tilespmem:s3+$0xF370];
	_ =	sdelay $0x1  }
0xb3: {  	p0 =	por $0x1, $0x1  }
.Ltmp3:
0xb4: {  	_ = 	snop;
	(pc) =	sbr.rel @!p0 .LBB2_7-.Ltmp3, $4  }
0xb5: {  	_ = 	snop  }
0xb6: {  	v17 =	vadd.f32 v18, v17  }
0xb7: {  	s1 =	simm.s32 $0x200;
	p1 =	por $0x0, $0x0;
	s3 =	simm.s32 $0x0  }
0xb8: {  	s7 =	simm.s32 $0x0;
	s9 =	simm.s32 $0x0;
	s4 =	smul.u32 $0xAB, s3;
	[tilespmem:s22+$0x0] =	vst v17  }
0xb9: {  	_ = 	snop  }
0xba: {  	s5 =	sshrl.u32 s4, $0xB  }
0xbb: {  	s5 =	sand.u32 $0x1F, s5  }
0xbc: {  	s5 =	smul.u32 $0xC, s5;
	_ =	sdelay $0x1  }
0xbd: {  	s6 =	sshrl.u32 s4, $0x4;
	s5 =	ssub.s32 $0x0, s5  }
0xbe: {  	s7 =	sand.u32 $0xF80, s6;
	s5 =	sand.u32 $0xFF, s5  }
0xbf: {  	v17 =	vld [tilespmem:s7+$0xE700];
	s6 =	sshll.u32 s5, $0x7  }
0xc0: {  	v18 =	vld [tilespmem:s6+$0xED00];
	_ =	sdelay $0x4  }
0xc1: {  	v17 =	vadd.f32 v18, v17  }
0xc2: {  	s5 =	simm.s32 $0x0  }
0xc3: {  	[tilespmem:s5+$0x5480] =	vst v17  }
0xc4: {  	v17 =	vld [tilespmem:s7+$0xE710]  }
0xc5: {  	v18 =	vld [tilespmem:s6+$0xED10];
	_ =	sdelay $0x4  }
0xc6: {  	v17 =	vadd.f32 v18, v17;
	_ =	sdelay $0x1  }
0xc7: {  	[tilespmem:s5+$0x5490] =	vst v17  }
0xc8: {  	v17 =	vld [tilespmem:s7+$0xE720]  }
0xc9: {  	v18 =	vld [tilespmem:s6+$0xED20];
	_ =	sdelay $0x4  }
0xca: {  	v17 =	vadd.f32 v18, v17;
	_ =	sdelay $0x1  }
0xcb: {  	[tilespmem:s5+$0x54A0] =	vst v17  }
0xcc: {  	v17 =	vld [tilespmem:s7+$0xE730]  }
0xcd: {  	v18 =	vld [tilespmem:s6+$0xED30];
	_ =	sdelay $0x4  }
0xce: {  	v17 =	vadd.f32 v18, v17;
	_ =	sdelay $0x1  }
0xcf: {  	[tilespmem:s5+$0x54B0] =	vst v17  }
0xd0: {  	v17 =	vld [tilespmem:s7+$0xE740]  }
0xd1: {  	v18 =	vld [tilespmem:s6+$0xED40];
	_ =	sdelay $0x4  }
0xd2: {  	v17 =	vadd.f32 v18, v17;
	_ =	sdelay $0x1  }
0xd3: {  	[tilespmem:s5+$0x54C0] =	vst v17  }
0xd4: {  	v17 =	vld [tilespmem:s7+$0xE750]  }
0xd5: {  	v18 =	vld [tilespmem:s6+$0xED50];
	_ =	sdelay $0x4  }
0xd6: {  	v17 =	vadd.f32 v18, v17;
	_ =	sdelay $0x1  }
0xd7: {  	[tilespmem:s5+$0x54D0] =	vst v17  }
0xd8: {  	v17 =	vld [tilespmem:s7+$0xE760]  }
0xd9: {  	v18 =	vld [tilespmem:s6+$0xED60];
	_ =	sdelay $0x2  }
0xda: {  	p2 =	por $0x1, $0x1  }
.Ltmp4:
0xdb: {  	_ = 	snop;
	(pc) =	sbr.rel @!p2 .LBB2_5-.Ltmp4, $3  }
0xdc: {  	v17 =	vadd.f32 v18, v17;
	_ =	sdelay $0x1  }
0xdd: {  	s10 =	simm.s32 $0x400;
	[tilespmem:s5+$0x54E0] =	vst v17  }
0xde: {  	p1 =	por $0x1, $0x1;
	s9 =	simm.s32 $0x200;
	v17 =	vld [tilespmem:s7+$0xE770];
	s7 =	simm.s32 $0x1  }
.LBB2_6:
0xdf: {  	p2 =	sne.s32 s10, $0x11E00  }
0xe0: {  	s21 =	smul.u32 $0xAB, s7;
	v18 =	vld [tilespmem:s6+$0xED70];
	s22 =	smov.u32 s10;
	s10 =	sadd.s32 $0x200, s10  }
0xe1: {  	_ = 	snop  }
0xe2: {  	s6 =	sshrl.u32 s21, $0xB;
	s21 =	sshrl.u32 s21, $0x4  }
0xe3: {  	s6 =	sand.u32 $0x1F, s6  }
0xe4: {  	s6 =	smul.u32 $0xC, s6  }
0xe5: {  	v17 =	vadd.f32 v18, v17  }
0xe6: {  	s6 =	ssub.s32 s7, s6  }
0xe7: {  	s21 =	sand.u32 $0xF80, s21;
	s6 =	sand.u32 $0xFF, s6;
	[tilespmem:s5+$0x54F0] =	vst v17  }
0xe8: {  	v17 =	vld [tilespmem:s21+$0xE700];
	s6 =	sshll.u32 s6, $0x7  }
0xe9: {  	v18 =	vld [tilespmem:s6+$0xED00];
	_ =	sdelay $0x4  }
0xea: {  	v17 =	vadd.f32 v18, v17  }
0xeb: {  	s5 =	sshra.s32 s9, $0x2;
	s9 =	smov.u32 s22  }
0xec: {  	[tilespmem:s5+$0x5480] =	vst v17  }
0xed: {  	v17 =	vld [tilespmem:s21+$0xE710]  }
0xee: {  	v18 =	vld [tilespmem:s6+$0xED10];
	_ =	sdelay $0x4  }
0xef: {  	v17 =	vadd.f32 v18, v17;
	_ =	sdelay $0x1  }
0xf0: {  	[tilespmem:s5+$0x5490] =	vst v17  }
0xf1: {  	v17 =	vld [tilespmem:s21+$0xE720]  }
0xf2: {  	v18 =	vld [tilespmem:s6+$0xED20];
	_ =	sdelay $0x4  }
0xf3: {  	v17 =	vadd.f32 v18, v17;
	_ =	sdelay $0x1  }
0xf4: {  	[tilespmem:s5+$0x54A0] =	vst v17  }
0xf5: {  	v17 =	vld [tilespmem:s21+$0xE730]  }
0xf6: {  	v18 =	vld [tilespmem:s6+$0xED30];
	_ =	sdelay $0x4  }
0xf7: {  	v17 =	vadd.f32 v18, v17;
	_ =	sdelay $0x1  }
0xf8: {  	[tilespmem:s5+$0x54B0] =	vst v17  }
0xf9: {  	v17 =	vld [tilespmem:s21+$0xE740]  }
0xfa: {  	v18 =	vld [tilespmem:s6+$0xED40];
	_ =	sdelay $0x4  }
0xfb: {  	v17 =	vadd.f32 v18, v17;
	_ =	sdelay $0x1  }
0xfc: {  	[tilespmem:s5+$0x54C0] =	vst v17  }
0xfd: {  	v17 =	vld [tilespmem:s21+$0xE750]  }
0xfe: {  	v18 =	vld [tilespmem:s6+$0xED50];
	_ =	sdelay $0x4  }
0xff: {  	v17 =	vadd.f32 v18, v17;
	_ =	sdelay $0x1  }
0x100: {  	[tilespmem:s5+$0x54D0] =	vst v17  }
0x101: {  	v17 =	vld [tilespmem:s21+$0xE760]  }
0x102: {  	v18 =	vld [tilespmem:s6+$0xED60];
	_ =	sdelay $0x3  }
.Ltmp5:
0x103: {  	(pc) =	sbr.rel @p2 .LBB2_6-.Ltmp5, $3  }
0x104: {  	v17 =	vadd.f32 v18, v17;
	_ =	sdelay $0x1  }
0x105: {  	[tilespmem:s5+$0x54E0] =	vst v17  }
0x106: {  	s7 =	sadd.s32 $0x1, s7;
	v17 =	vld [tilespmem:s21+$0xE770]  }
.LBB2_7:
0x107: {  	s10 =	smul.u32 $0xAB, s7;
	v18 =	vld @p1 [tilespmem:s6+$0xED70];
	_ =	sdelay $0x1  }
0x108: {  	s22 =	sshrl.u32 s10, $0xB  }
0x109: {  	s6 =	sand.u32 $0x1F, s22  }
0x10a: {  	s6 =	smul.u32 $0xC, s6  }
0x10b: {  	v17 =	vadd.f32 @p1 v18, v17  }
0x10c: {  	s10 =	sshrl.u32 s10, $0x4;
	s6 =	ssub.s32 s7, s6  }
0x10d: {  	s10 =	sand.u32 $0xF80, s10;
	s6 =	sand.u32 $0xFF, s6;
	[tilespmem:s5+$0x54F0] =	vst @p1 v17  }
0x10e: {  	v17 =	vld [tilespmem:s10+$0xE700];
	s21 =	sshll.u32 s6, $0x7  }
0x10f: {  	v18 =	vld [tilespmem:s21+$0xED00];
	_ =	sdelay $0x4  }
0x110: {  	v17 =	vadd.f32 v18, v17  }
0x111: {  	s22 =	sshra.s32 s9, $0x2  }
0x112: {  	[tilespmem:s22+$0x5480] =	vst v17  }
0x113: {  	v17 =	vld [tilespmem:s10+$0xE710]  }
0x114: {  	v18 =	vld [tilespmem:s21+$0xED10];
	_ =	sdelay $0x4  }
0x115: {  	v17 =	vadd.f32 v18, v17;
	_ =	sdelay $0x1  }
0x116: {  	[tilespmem:s22+$0x5490] =	vst v17  }
0x117: {  	v17 =	vld [tilespmem:s10+$0xE720]  }
0x118: {  	v18 =	vld [tilespmem:s21+$0xED20];
	_ =	sdelay $0x4  }
0x119: {  	v17 =	vadd.f32 v18, v17;
	_ =	sdelay $0x1  }
0x11a: {  	[tilespmem:s22+$0x54A0] =	vst v17  }
0x11b: {  	v17 =	vld [tilespmem:s10+$0xE730]  }
0x11c: {  	v18 =	vld [tilespmem:s21+$0xED30];
	_ =	sdelay $0x4  }
0x11d: {  	v17 =	vadd.f32 v18, v17;
	_ =	sdelay $0x1  }
0x11e: {  	[tilespmem:s22+$0x54B0] =	vst v17  }
0x11f: {  	v17 =	vld [tilespmem:s10+$0xE740]  }
0x120: {  	v18 =	vld [tilespmem:s21+$0xED40];
	_ =	sdelay $0x4  }
0x121: {  	v17 =	vadd.f32 v18, v17;
	_ =	sdelay $0x1  }
0x122: {  	[tilespmem:s22+$0x54C0] =	vst v17  }
0x123: {  	v17 =	vld [tilespmem:s10+$0xE750]  }
0x124: {  	v18 =	vld [tilespmem:s21+$0xED50];
	_ =	sdelay $0x4  }
0x125: {  	v17 =	vadd.f32 v18, v17;
	_ =	sdelay $0x1  }
0x126: {  	[tilespmem:s22+$0x54D0] =	vst v17  }
0x127: {  	v17 =	vld [tilespmem:s10+$0xE760]  }
0x128: {  	v18 =	vld [tilespmem:s21+$0xED60];
	_ =	sdelay $0x4  }
0x129: {  	v17 =	vadd.f32 v18, v17;
	_ =	sdelay $0x1  }
0x12a: {  	[tilespmem:s22+$0x54E0] =	vst v17  }
0x12b: {  	v17 =	vld [tilespmem:s10+$0xE770]  }
0x12c: {  	v18 =	vld [tilespmem:s21+$0xED70];
	_ =	sdelay $0x1  }
0x12d: {  	s9 =	sshrl.u32 s4, $0xC  }
0x12e: {  	s5 =	sand.u32 $0xF, s9  }
0x12f: {  	s5 =	smul.u32 $0x18, s5  }
0x130: {  	v17 =	vadd.f32 v18, v17  }
0x131: {  	s5 =	ssub.s32 $0x0, s5;
	s10 =	sshrl.u32 s4, $0x5  }
0x132: {  	s21 =	sshll.u32 s5, $0x7;
	s4 =	sand.u32 $0x780, s10;
	[tilespmem:s22+$0x54F0] =	vst v17  }
0x133: {  	s9 =	sand.u32 $0x80, s21;
	s22 =	sshll.u32 s5, $0x5;
	v17 =	vld [tilespmem:s4+$0xF800]  }
0x134: {  	s5 =	sshll.u32 s5, $0x6;
	s7 =	sand.u32 $0x380, s22;
	v18 =	vld [tilespmem:s9+$0xFF00]  }
0x135: {  	s6 =	sand.u32 $0x80, s5;
	v19 =	vld [tilespmem:s7+$0xFB00]  }
0x136: {  	v20 =	vld [tilespmem:s6+$0xFE00];
	_ =	sdelay $0x4  }
0x137: {  	v17 =	vadd.f32 v19, v17;
	v18 =	vadd.f32 v18, v20;
	_ =	sdelay $0x1  }
0x138: {  	v17 =	vadd.f32 v18, v17  }
0x139: {  	s5 =	simm.s32 $0x0  }
0x13a: {  	[tilespmem:s5+$0x9C80] =	vst v17  }
0x13b: {  	v17 =	vld [tilespmem:s4+$0xF810]  }
0x13c: {  	v18 =	vld [tilespmem:s6+$0xFE10]  }
0x13d: {  	v19 =	vld [tilespmem:s7+$0xFB10]  }
0x13e: {  	v20 =	vld [tilespmem:s9+$0xFF10];
	_ =	sdelay $0x4  }
0x13f: {  	v17 =	vadd.f32 v19, v17;
	v18 =	vadd.f32 v20, v18;
	_ =	sdelay $0x1  }
0x140: {  	v17 =	vadd.f32 v18, v17;
	_ =	sdelay $0x1  }
0x141: {  	[tilespmem:s5+$0x9C90] =	vst v17  }
0x142: {  	v17 =	vld [tilespmem:s9+$0xFF20]  }
0x143: {  	v18 =	vld [tilespmem:s7+$0xFB20]  }
0x144: {  	v19 =	vld [tilespmem:s4+$0xF820]  }
0x145: {  	v20 =	vld [tilespmem:s6+$0xFE20];
	_ =	sdelay $0x4  }
0x146: {  	v18 =	vadd.f32 v18, v19;
	v17 =	vadd.f32 v17, v20;
	_ =	sdelay $0x1  }
0x147: {  	v17 =	vadd.f32 v17, v18;
	_ =	sdelay $0x1  }
0x148: {  	[tilespmem:s5+$0x9CA0] =	vst v17  }
0x149: {  	v17 =	vld [tilespmem:s7+$0xFB30]  }
0x14a: {  	v18 =	vld [tilespmem:s9+$0xFF30]  }
0x14b: {  	v19 =	vld [tilespmem:s4+$0xF830]  }
0x14c: {  	v20 =	vld [tilespmem:s6+$0xFE30];
	_ =	sdelay $0x4  }
0x14d: {  	v17 =	vadd.f32 v17, v19;
	v18 =	vadd.f32 v18, v20;
	_ =	sdelay $0x1  }
0x14e: {  	v17 =	vadd.f32 v18, v17;
	_ =	sdelay $0x1  }
0x14f: {  	[tilespmem:s5+$0x9CB0] =	vst v17  }
0x150: {  	v17 =	vld [tilespmem:s9+$0xFF40]  }
0x151: {  	v18 =	vld [tilespmem:s7+$0xFB40]  }
0x152: {  	v19 =	vld [tilespmem:s4+$0xF840]  }
0x153: {  	v20 =	vld [tilespmem:s6+$0xFE40];
	_ =	sdelay $0x4  }
0x154: {  	v18 =	vadd.f32 v18, v19;
	v17 =	vadd.f32 v17, v20;
	_ =	sdelay $0x1  }
0x155: {  	v17 =	vadd.f32 v17, v18;
	_ =	sdelay $0x1  }
0x156: {  	[tilespmem:s5+$0x9CC0] =	vst v17  }
0x157: {  	v17 =	vld [tilespmem:s4+$0xF850]  }
0x158: {  	v18 =	vld [tilespmem:s7+$0xFB50]  }
0x159: {  	v19 =	vld [tilespmem:s9+$0xFF50]  }
0x15a: {  	v20 =	vld [tilespmem:s6+$0xFE50];
	_ =	sdelay $0x4  }
0x15b: {  	v17 =	vadd.f32 v18, v17;
	v18 =	vadd.f32 v19, v20;
	_ =	sdelay $0x1  }
.Ltmp6:
0x15c: {  	v17 =	vadd.f32 v18, v17;
	(pc) =	sbr.rel @!p0 .LBB2_9-.Ltmp6, $4  }
0x15d: {  	_ = 	snop  }
0x15e: {  	[tilespmem:s5+$0x9CD0] =	vst v17  }
0x15f: {  	v17 =	vld [tilespmem:s9+$0xFF60]  }
0x160: {  	s10 =	simm.s32 $0x0;
	v18 =	vld [tilespmem:s7+$0xFB60]  }
.LBB2_8:
0x161: {  	p0 =	sne.s32 s1, $0x11E00  }
0x162: {  	v19 =	vld [tilespmem:s4+$0xF860];
	s10 =	sadd.s32 $0x1, s10;
	s21 =	smov.u32 s1;
	s1 =	sadd.s32 $0x200, s1  }
0x163: {  	v20 =	vld [tilespmem:s6+$0xFE60];
	_ =	sdelay $0x3  }
0x164: {  	v18 =	vadd.f32 v18, v19  }
0x165: {  	v17 =	vadd.f32 v17, v20;
	_ =	sdelay $0x1  }
0x166: {  	v17 =	vadd.f32 v17, v18;
	_ =	sdelay $0x1  }
0x167: {  	[tilespmem:s5+$0x9CE0] =	vst v17  }
0x168: {  	v17 =	vld [tilespmem:s4+$0xF870]  }
0x169: {  	v18 =	vld [tilespmem:s9+$0xFF70]  }
0x16a: {  	v19 =	vld [tilespmem:s7+$0xFB70]  }
0x16b: {  	v20 =	vld [tilespmem:s6+$0xFE70];
	_ =	sdelay $0x1  }
0x16c: {  	s4 =	smul.u32 $0xAB, s10;
	_ =	sdelay $0x1  }
0x16d: {  	s6 =	sshrl.u32 s4, $0xC;
	s4 =	sshrl.u32 s4, $0x5;
	v17 =	vadd.f32 v19, v17  }
0x16e: {  	s6 =	sand.u32 $0xF, s6;
	s4 =	sand.u32 $0x780, s4;
	v18 =	vadd.f32 v18, v20  }
0x16f: {  	s6 =	smul.u32 $0x18, s6  }
0x170: {  	v17 =	vadd.f32 v18, v17  }
0x171: {  	s6 =	ssub.s32 s10, s6  }
0x172: {  	s7 =	sshll.u32 s6, $0x5;
	s9 =	sshll.u32 s6, $0x6;
	s22 =	sshll.u32 s6, $0x7;
	[tilespmem:s5+$0x9CF0] =	vst v17  }
0x173: {  	s7 =	sand.u32 $0x380, s7;
	s6 =	sand.u32 $0x80, s9;
	s9 =	sand.u32 $0x80, s22;
	v17 =	vld [tilespmem:s4+$0xF800]  }
0x174: {  	v18 =	vld [tilespmem:s9+$0xFF00]  }
0x175: {  	v19 =	vld [tilespmem:s7+$0xFB00]  }
0x176: {  	v20 =	vld [tilespmem:s6+$0xFE00];
	_ =	sdelay $0x3  }
0x177: {  	v17 =	vadd.f32 v19, v17  }
0x178: {  	v18 =	vadd.f32 v18, v20;
	_ =	sdelay $0x1  }
0x179: {  	v17 =	vadd.f32 v18, v17  }
0x17a: {  	s5 =	sshra.s32 s21, $0x2  }
0x17b: {  	[tilespmem:s5+$0x9C80] =	vst v17  }
0x17c: {  	v17 =	vld [tilespmem:s4+$0xF810]  }
0x17d: {  	v18 =	vld [tilespmem:s6+$0xFE10]  }
0x17e: {  	v19 =	vld [tilespmem:s7+$0xFB10]  }
0x17f: {  	v20 =	vld [tilespmem:s9+$0xFF10];
	_ =	sdelay $0x3  }
0x180: {  	v17 =	vadd.f32 v19, v17  }
0x181: {  	v18 =	vadd.f32 v20, v18;
	_ =	sdelay $0x1  }
0x182: {  	v17 =	vadd.f32 v18, v17;
	_ =	sdelay $0x1  }
0x183: {  	[tilespmem:s5+$0x9C90] =	vst v17  }
0x184: {  	v17 =	vld [tilespmem:s9+$0xFF20]  }
0x185: {  	v18 =	vld [tilespmem:s7+$0xFB20]  }
0x186: {  	v19 =	vld [tilespmem:s4+$0xF820]  }
0x187: {  	v20 =	vld [tilespmem:s6+$0xFE20];
	_ =	sdelay $0x3  }
0x188: {  	v18 =	vadd.f32 v18, v19  }
0x189: {  	v17 =	vadd.f32 v17, v20;
	_ =	sdelay $0x1  }
0x18a: {  	v17 =	vadd.f32 v17, v18;
	_ =	sdelay $0x1  }
0x18b: {  	[tilespmem:s5+$0x9CA0] =	vst v17  }
0x18c: {  	v17 =	vld [tilespmem:s7+$0xFB30]  }
0x18d: {  	v18 =	vld [tilespmem:s9+$0xFF30]  }
0x18e: {  	v19 =	vld [tilespmem:s4+$0xF830]  }
0x18f: {  	v20 =	vld [tilespmem:s6+$0xFE30];
	_ =	sdelay $0x3  }
0x190: {  	v17 =	vadd.f32 v17, v19  }
0x191: {  	v18 =	vadd.f32 v18, v20;
	_ =	sdelay $0x1  }
0x192: {  	v17 =	vadd.f32 v18, v17;
	_ =	sdelay $0x1  }
0x193: {  	[tilespmem:s5+$0x9CB0] =	vst v17  }
0x194: {  	v17 =	vld [tilespmem:s9+$0xFF40]  }
0x195: {  	v18 =	vld [tilespmem:s7+$0xFB40]  }
0x196: {  	v19 =	vld [tilespmem:s4+$0xF840]  }
0x197: {  	v20 =	vld [tilespmem:s6+$0xFE40];
	_ =	sdelay $0x3  }
0x198: {  	v18 =	vadd.f32 v18, v19  }
0x199: {  	v17 =	vadd.f32 v17, v20;
	_ =	sdelay $0x1  }
0x19a: {  	v17 =	vadd.f32 v17, v18;
	_ =	sdelay $0x1  }
0x19b: {  	[tilespmem:s5+$0x9CC0] =	vst v17  }
0x19c: {  	v17 =	vld [tilespmem:s4+$0xF850]  }
0x19d: {  	v18 =	vld [tilespmem:s7+$0xFB50]  }
0x19e: {  	v19 =	vld [tilespmem:s9+$0xFF50]  }
0x19f: {  	v20 =	vld [tilespmem:s6+$0xFE50];
	_ =	sdelay $0x2  }
0x1a0: {  	v17 =	vadd.f32 v18, v17;
	_ =	sdelay $0x1  }
0x1a1: {  	v18 =	vadd.f32 v19, v20;
	_ =	sdelay $0x1  }
.Ltmp7:
0x1a2: {  	v17 =	vadd.f32 v18, v17;
	(pc) =	sbr.rel @p0 .LBB2_8-.Ltmp7, $4  }
0x1a3: {  	_ = 	snop  }
0x1a4: {  	[tilespmem:s5+$0x9CD0] =	vst v17  }
0x1a5: {  	v17 =	vld [tilespmem:s9+$0xFF60]  }
0x1a6: {  	v18 =	vld [tilespmem:s7+$0xFB60]  }
.LBB2_9:
0x1a7: {  	v19 =	vld [tilespmem:s4+$0xF860]  }
0x1a8: {  	v20 =	vld [tilespmem:s6+$0xFE60];
	_ =	sdelay $0x4  }
0x1a9: {  	v18 =	vadd.f32 v18, v19;
	v17 =	vadd.f32 v17, v20;
	_ =	sdelay $0x1  }
0x1aa: {  	v17 =	vadd.f32 v17, v18;
	_ =	sdelay $0x1  }
0x1ab: {  	[tilespmem:s5+$0x9CE0] =	vst v17  }
0x1ac: {  	v17 =	vld [tilespmem:s4+$0xF870]  }
0x1ad: {  	v18 =	vld [tilespmem:s9+$0xFF70]  }
0x1ae: {  	v19 =	vld [tilespmem:s7+$0xFB70]  }
0x1af: {  	v63 =	vld [tilespmem:s6+$0xFE70];
	_ =	sdelay $0x4  }
0x1b0: {  	v17 =	vadd.f32 v19, v17;
	v18 =	vadd.f32 v18, v63;
	_ =	sdelay $0x1  }
0x1b1: {  	v17 =	vadd.f32 v18, v17;
	_ =	sdelay $0x1  }
0x1b2: {  	s1 =	smov.u32 s3;
	[tilespmem:s5+$0x9CF0] =	vst v17  }
.LBB2_10:
0x1b3: {  	s5 =	sshll.u32 s1, $0x6  }
0x1b4: {  	s4 =	sadd.s32 s13, s5  }
0x1b5: {  	s4 =	smin.u32 s4, s15  }
0x1b6: {  	s6 =	ssub.s32 s4, s14  }
0x1b7: {  	s6 =	smul.u32 $0x9, s6;
	_ =	sdelay $0x1  }
0x1b8: {  	p0 =	seq.s32 s1, $0x0;
	v17 =	vadd.s32 s6, v2  }
0x1b9: {  	s7 =	simm.s32 @!p0 $0x1;
	v18 =	vadd.s32 s6, v3  }
0x1ba: {  	_ =	swait.ge @!p0 [sflag:s7], $0x1000;
	v19 =	vadd.s32 s6, v4  }
0x1bb: {  	[sflag:s7] =	ssyncset.done @!p0 $0x0;
	v20 =	vadd.s32 s6, v5  }
0x1bc: {  	[sflag:s7] =	ssyncadd.s32 @!p0 $0xFFFFF000;
	v21 =	vadd.s32 s6, v6  }
0x1bd: {  	v22 =	vadd.s32 s6, v7;
	v17 =	vld.idx.msk [tilespmem:v17+s19+$0x0], $0xffff  }
0x1be: {  	v23 =	vadd.s32 s6, v8;
	v18 =	vld.idx.msk [tilespmem:v18+s19+$0x0], $0xffff  }
0x1bf: {  	v19 =	vld.idx.msk [tilespmem:v19+s19+$0x0], $0xffff  }
0x1c0: {  	v24 =	vadd.s32 s6, v9;
	v20 =	vld.idx.msk [tilespmem:v20+s19+$0x0], $0xffff  }
0x1c1: {  	v21 =	vld.idx.msk [tilespmem:v21+s19+$0x0], $0xffff  }
0x1c2: {  	v22 =	vld.idx.msk [tilespmem:v22+s19+$0x0], $0xffff  }
0x1c3: {  	v23 =	vld.idx.msk [tilespmem:v23+s19+$0x0], $0xffff;
	_ =	sdelay $0x1  }
0x1c4: {  	v24 =	vld.idx.msk [tilespmem:v24+s19+$0x0], $0xffff;
	v17 =	vmul.u32 $0xA, v17  }
0x1c5: {  	v18 =	vmul.u32 $0xC, v18;
	v21 =	vmul.u32 $0x18, v21  }
0x1c6: {  	v25 =	vadd.s32 s6, v1;
	v17 =	vadd.s32 v20, v17;
	v20 =	vshll.u32 v22, $0x2  }
0x1c7: {  	v18 =	vadd.s32 v19, v18;
	v19 =	vadd.s32 v20, v21;
	v20 =	vshll.u32 v23, $0x1  }
0x1c8: {  	v17 =	vadd.s32 $0x77, v17;
	v19 =	vadd.s32 v20, v19  }
0x1c9: {  	v17 =	vshll.u32 v17, $0x7;
	v19 =	vadd.s32 v24, v19;
	v24 =	vmov s3  }
0x1ca: {  	v23 =	vperm.xlane v17, v24  }
0x1cb: {  	v18 =	vadd.s32 $0xA9, v18;
	v21 =	vld.idx.msk [tilespmem:v25+s19+$0x0], $0xffff  }
0x1cc: {  	v20 =	vadd.s32 $0x139, v19;
	v19 =	vshll.u32 v18, $0x7;
	v18 =	vadd.s32 v16, v23  }
0x1cd: {  	v31 =	vadd.s32 v15, v23  }
0x1ce: {  	v26 =	vperm.xlane v19, v24;
	v35 =	vadd.s32 v11, v23  }
0x1cf: {  	v20 =	vshll.u32 v20, $0x7;
	v36 =	vadd.s32 v12, v23  }
0x1d0: {  	v22 =	vperm.xlane v20, v24;
	v21 =	vshll.u32 v21, $0x7;
	v25 =	vadd.s32 v16, v26  }
0x1d1: {  	v27 =	vperm.xlane v21, v24;
	v24 =	vadd.s32 v15, v26;
	v28 =	vld.idx.msk [tilespmem:v18+s12+$0x0], $0xffff  }
0x1d2: {  	v29 =	vadd.s32 v16, v22;
	v18 =	vld.idx.msk [tilespmem:v31+s12+$0x0], $0xffff  }
0x1d3: {  	v33 =	vadd.s32 v15, v22;
	v43 =	vld.idx.msk [tilespmem:v35+s12+$0x0], $0xffff  }
0x1d4: {  	v34 =	vadd.s32 v11, v27;
	v35 =	vld.idx.msk [tilespmem:v36+s12+$0x0], $0xffff  }
0x1d5: {  	v38 =	vadd.s32 v13, v27;
	v30 =	vld.idx.msk [tilespmem:v25+s12+$0x0], $0xffff  }
0x1d6: {  	v31 =	vadd.s32 v12, v27;
	v24 =	vld.idx.msk [tilespmem:v24+s12+$0x0], $0xffff  }
0x1d7: {  	v37 =	vadd.s32 v12, v26;
	v32 =	vld.idx.msk [tilespmem:v29+s12+$0x0], $0xffff  }
0x1d8: {  	v44 =	vadd.s32 v13, v23;
	v25 =	vld.idx.msk [tilespmem:v33+s12+$0x0], $0xffff  }
0x1d9: {  	p2 =	sne.s32 s3, $0xF;
	v29 =	vadd.s32 v11, v26;
	v63 =	vld.idx.msk [tilespmem:v34+s12+$0x0], $0xffff  }
.Ltmp8:
0x1da: {  	v36 =	vld.idx.msk [tilespmem:v38+s12+$0x0], $0xffff;
	(pc) =	sbr.rel @!p2 .LBB2_11-.Ltmp8, $4  }
0x1db: {  	v34 =	vld.idx.msk [tilespmem:v31+s12+$0x0], $0xffff  }
0x1dc: {  	v31 =	vld.idx.msk [tilespmem:v37+s12+$0x0], $0xffff  }
0x1dd: {  	v41 =	vadd.s32 v14, v23;
	v42 =	vadd.s32 v13, v26;
	v40 =	vadd.s32 v14, v27;
	v37 =	vld.idx.msk [tilespmem:v44+s12+$0x0], $0xffff  }
0x1de: {  	s9 =	sadd.s32 $0x1, s3;
	p1 =	por $0x0, $0x0;
	s7 =	simm.s32 $0x16EC0;
	v39 =	vadd.s32 v0, v27;
	v38 =	vadd.s32 v14, v26;
	v29 =	vld.idx.msk [tilespmem:v29+s12+$0x0], $0xffff;
	v33 =	vadd.f32 v43, v63  }
0x1df: {  	_ =	sdelay $0x2  }
0x1e0: {  	v43 =	vadd.s32 v0, v26  }
0x1e1: {  	v42 =	vld.idx.msk [tilespmem:v42+s12+$0x0], $0xffff;
	v44 =	vadd.s32 v0, v22  }
0x1e2: {  	v40 =	vld.idx.msk [tilespmem:v40+s12+$0x0], $0xffff;
	v45 =	vadd.s32 v16, v27  }
0x1e3: {  	v41 =	vld.idx.msk [tilespmem:v41+s12+$0x0], $0xffff;
	v46 =	vadd.s32 v10, v27  }
0x1e4: {  	v39 =	vld.idx.msk [tilespmem:v39+s12+$0x0], $0xffff;
	v47 =	vadd.s32 v10, v23  }
0x1e5: {  	v26 =	vadd.s32 v10, v26;
	v43 =	vld.idx.msk [tilespmem:v43+s12+$0x0], $0xffff  }
0x1e6: {  	v48 =	vadd.s32 v10, v22;
	v44 =	vld.idx.msk [tilespmem:v44+s12+$0x0], $0xffff  }
0x1e7: {  	v49 =	vadd.s32 v11, v22;
	v45 =	vld.idx.msk [tilespmem:v45+s12+$0x0], $0xffff  }
0x1e8: {  	v27 =	vadd.s32 v15, v27;
	v46 =	vld.idx.msk [tilespmem:v46+s12+$0x0], $0xffff  }
0x1e9: {  	v51 =	vadd.s32 v13, v22;
	v47 =	vld.idx.msk [tilespmem:v47+s12+$0x0], $0xffff  }
0x1ea: {  	v23 =	vadd.s32 v0, v23;
	v26 =	vld.idx.msk [tilespmem:v26+s12+$0x0], $0xffff  }
0x1eb: {  	v50 =	vadd.s32 v12, v22;
	v62 =	vld.idx.msk [tilespmem:v48+s12+$0x0], $0xffff  }
0x1ec: {  	v48 =	vld.idx.msk [tilespmem:v49+s12+$0x0], $0xffff  }
0x1ed: {  	v22 =	vadd.s32 v14, v22;
	v30 =	vadd.f32 v32, v30;
	v24 =	vadd.f32 v25, v24;
	v27 =	vld.idx.msk [tilespmem:v27+s12+$0x0], $0xffff  }
0x1ee: {  	v34 =	vadd.f32 v35, v34;
	v36 =	vadd.f32 v37, v36;
	v51 =	vld.idx.msk [tilespmem:v51+s12+$0x0], $0xffff  }
0x1ef: {  	v23 =	vld.idx.msk [tilespmem:v23+s12+$0x0], $0xffff;
	v63 =	vadd.f32 v41, v40;
	v28 =	vadd.f32 v28, v45  }
0x1f0: {  	v49 =	vld.idx.msk [tilespmem:v50+s12+$0x0], $0xffff;
	v50 =	vadd.f32 v44, v43;
	v52 =	vadd.f32 v47, v46  }
0x1f1: {  	v38 =	vld.idx.msk [tilespmem:v38+s12+$0x0], $0xffff;
	v26 =	vadd.f32 v62, v26;
	v29 =	vadd.f32 v48, v29  }
0x1f2: {  	v18 =	vadd.f32 v18, v27;
	v28 =	vadd.f32 v30, v28;
	v30 =	vld.idx.msk [tilespmem:v22+s12+$0x0], $0xffff  }
0x1f3: {  	v53 =	vadd.f32 v51, v42;
	v29 =	vadd.f32 v29, v33  }
0x1f4: {  	v25 =	vmov s9;
	v22 =	vadd.f32 v23, v39;
	v18 =	vadd.f32 v24, v18;
	[tilespmem:s7+$0x30] =	vst v28  }
0x1f5: {  	v31 =	vadd.f32 v49, v31;
	v23 =	vperm.xlane v17, v25;
	v28 =	vadd.f32 v26, v52;
	[tilespmem:s7+$0xFFFFFFE0] =	vst v29  }
0x1f6: {  	v22 =	vadd.f32 v50, v22;
	v26 =	vperm.xlane v19, v25;
	v29 =	vadd.f32 v53, v36;
	[tilespmem:s7+$0x20] =	vst v18  }
0x1f7: {  	[tilespmem:s7+$0xFFFFFFD0] =	vst v28;
	v28 =	vadd.f32 v31, v34;
	v31 =	vadd.s32 v16, v23;
	v30 =	vadd.f32 v30, v38  }
0x1f8: {  	[tilespmem:s7+$0xFFFFFFC0] =	vst v22;
	v54 =	vadd.s32 v16, v26  }
0x1f9: {  	v24 =	vadd.s32 v15, v23;
	[tilespmem:s7+$0x0] =	vst v29;
	v27 =	vadd.f32 v30, v63  }
0x1fa: {  	v56 =	vadd.s32 v11, v23;
	v22 =	vperm.xlane v20, v25;
	[tilespmem:s7+$0xFFFFFFF0] =	vst v28  }
0x1fb: {  	v59 =	vadd.s32 v12, v23;
	[tilespmem:s7+$0x10] =	vst v27  }
0x1fc: {  	v55 =	vadd.s32 v16, v22;
	v28 =	vld.idx.msk [tilespmem:v31+s12+$0x0], $0xffff  }
0x1fd: {  	v63 =	vadd.s32 v13, v23;
	v27 =	vperm.xlane v21, v25;
	v30 =	vld.idx.msk [tilespmem:v54+s12+$0x0], $0xffff  }
0x1fe: {  	v25 =	vadd.s32 v15, v26;
	v18 =	vld.idx.msk [tilespmem:v24+s12+$0x0], $0xffff  }
0x1ff: {  	v61 =	vld.idx.msk [tilespmem:v56+s12+$0x0], $0xffff;
	v31 =	vadd.s32 v11, v27  }
0x200: {  	v29 =	vadd.s32 v15, v22;
	v35 =	vld.idx.msk [tilespmem:v59+s12+$0x0], $0xffff  }
0x201: {  	v57 =	vadd.s32 v11, v26;
	v32 =	vld.idx.msk [tilespmem:v55+s12+$0x0], $0xffff  }
0x202: {  	v58 =	vadd.s32 v12, v27;
	v37 =	vld.idx.msk [tilespmem:v63+s12+$0x0], $0xffff  }
0x203: {  	v62 =	vadd.s32 v13, v27;
	v24 =	vld.idx.msk [tilespmem:v25+s12+$0x0], $0xffff  }
0x204: {  	p2 =	sne.s32 s9, $0xF;
	v60 =	vld.idx.msk [tilespmem:v31+s12+$0x0], $0xffff;
	v31 =	vadd.s32 v12, v26  }
.Ltmp9:
0x205: {  	v42 =	vadd.s32 v13, v26;
	v25 =	vld.idx.msk [tilespmem:v29+s12+$0x0], $0xffff;
	(pc) =	sbr.rel @!p2 .LBB2_13-.Ltmp9, $4  }
0x206: {  	v40 =	vadd.s32 v14, v27;
	v29 =	vld.idx.msk [tilespmem:v57+s12+$0x0], $0xffff  }
0x207: {  	v41 =	vadd.s32 v14, v23;
	v34 =	vld.idx.msk [tilespmem:v58+s12+$0x0], $0xffff  }
0x208: {  	v38 =	vadd.s32 v14, v26;
	v36 =	vld.idx.msk [tilespmem:v62+s12+$0x0], $0xffff  }
0x209: {  	s10 =	sadd.s32 $0x1, s9;
	p1 =	por $0x1, $0x1;
	s9 =	simm.s32 $0x16EC0;
	v39 =	vadd.s32 v0, v27;
	v31 =	vld.idx.msk [tilespmem:v31+s12+$0x0], $0xffff;
	v33 =	vadd.f32 v61, v60  }
.LBB2_14:
0x20a: {  	p2 =	sne.s32 s10, $0xF;
	v43 =	vadd.s32 v0, v26;
	v42 =	vld.idx.msk [tilespmem:v42+s12+$0x0], $0xffff  }
0x20b: {  	v44 =	vadd.s32 v0, v22;
	v40 =	vld.idx.msk [tilespmem:v40+s12+$0x0], $0xffff  }
0x20c: {  	v45 =	vadd.s32 v16, v27;
	v34 =	vadd.f32 v35, v34;
	v41 =	vld.idx.msk [tilespmem:v41+s12+$0x0], $0xffff  }
0x20d: {  	v35 =	vadd.s32 v10, v27;
	v38 =	vld.idx.msk [tilespmem:v38+s12+$0x0], $0xffff  }
0x20e: {  	v46 =	vadd.s32 v10, v23;
	v39 =	vld.idx.msk [tilespmem:v39+s12+$0x0], $0xffff  }
0x20f: {  	v26 =	vadd.s32 v10, v26;
	v36 =	vadd.f32 v37, v36;
	v43 =	vld.idx.msk [tilespmem:v43+s12+$0x0], $0xffff  }
0x210: {  	v23 =	vadd.s32 v0, v23;
	v37 =	vld.idx.msk [tilespmem:v44+s12+$0x0], $0xffff  }
0x211: {  	v44 =	vadd.s32 v10, v22;
	v45 =	vld.idx.msk [tilespmem:v45+s12+$0x0], $0xffff  }
0x212: {  	v47 =	vadd.s32 v11, v22;
	v40 =	vadd.f32 v41, v40;
	v35 =	vld.idx.msk [tilespmem:v35+s12+$0x0], $0xffff  }
0x213: {  	v41 =	vld.idx.msk [tilespmem:v46+s12+$0x0], $0xffff;
	v46 =	vadd.s32 v12, v22  }
0x214: {  	v48 =	vadd.s32 v13, v22;
	v26 =	vld.idx.msk [tilespmem:v26+s12+$0x0], $0xffff  }
0x215: {  	v22 =	vadd.s32 v14, v22;
	v23 =	vld.idx.msk [tilespmem:v23+s12+$0x0], $0xffff  }
0x216: {  	v27 =	vadd.s32 v15, v27;
	v37 =	vadd.f32 v37, v43;
	v44 =	vld.idx.msk [tilespmem:v44+s12+$0x0], $0xffff  }
0x217: {  	v30 =	vadd.f32 v32, v30;
	v28 =	vadd.f32 v28, v45;
	v43 =	vld.idx.msk [tilespmem:v47+s12+$0x0], $0xffff  }
0x218: {  	v32 =	vld.idx.msk [tilespmem:v46+s12+$0x0], $0xffff  }
0x219: {  	v35 =	vadd.f32 v41, v35;
	v28 =	vadd.f32 v30, v28;
	v45 =	vld.idx.msk [tilespmem:v48+s12+$0x0], $0xffff  }
0x21a: {  	s9 =	sadd.s32 $0x80, s9;
	v30 =	vld.idx.msk [tilespmem:v22+s12+$0x0], $0xffff  }
0x21b: {  	v22 =	vadd.f32 v23, v39;
	v27 =	vld.idx.msk [tilespmem:v27+s12+$0x0], $0xffff;
	[tilespmem:s9+$0x30] =	vst v28  }
0x21c: {  	v24 =	vadd.f32 v25, v24;
	v26 =	vadd.f32 v44, v26  }
0x21d: {  	v25 =	vmov s10;
	v22 =	vadd.f32 v37, v22;
	v28 =	vadd.f32 v43, v29  }
0x21e: {  	v23 =	vperm.xlane v17, v25;
	v29 =	vadd.f32 v26, v35;
	v31 =	vadd.f32 v32, v31  }
0x21f: {  	v26 =	vperm.xlane v19, v25;
	v28 =	vadd.f32 v28, v33;
	v32 =	vadd.f32 v45, v42;
	[tilespmem:s9+$0xFFFFFFC0] =	vst v22  }
0x220: {  	v22 =	vperm.xlane v20, v25;
	v30 =	vadd.f32 v30, v38;
	[tilespmem:s9+$0xFFFFFFD0] =	vst v29;
	v29 =	vadd.f32 v31, v34  }
0x221: {  	v31 =	vadd.s32 v16, v23;
	v18 =	vadd.f32 v18, v27;
	[tilespmem:s9+$0xFFFFFFE0] =	vst v28;
	v28 =	vadd.f32 v32, v36  }
0x222: {  	v32 =	vadd.s32 v16, v26;
	v27 =	vadd.f32 v30, v40;
	[tilespmem:s9+$0xFFFFFFF0] =	vst v29  }
0x223: {  	v29 =	vadd.s32 v16, v22;
	v18 =	vadd.f32 v24, v18;
	[tilespmem:s9+$0x0] =	vst v28  }
0x224: {  	v24 =	vadd.s32 v15, v23;
	[tilespmem:s9+$0x10] =	vst v27  }
0x225: {  	v27 =	vperm.xlane v21, v25;
	v25 =	vadd.s32 v15, v26;
	[tilespmem:s9+$0x20] =	vst v18  }
0x226: {  	v33 =	vadd.s32 v15, v22;
	v28 =	vld.idx.msk [tilespmem:v31+s12+$0x0], $0xffff  }
0x227: {  	v31 =	vadd.s32 v11, v27;
	v30 =	vld.idx.msk [tilespmem:v32+s12+$0x0], $0xffff  }
0x228: {  	v34 =	vadd.s32 v11, v23;
	v32 =	vld.idx.msk [tilespmem:v29+s12+$0x0], $0xffff  }
0x229: {  	v29 =	vadd.s32 v11, v26;
	v18 =	vld.idx.msk [tilespmem:v24+s12+$0x0], $0xffff  }
0x22a: {  	v35 =	vadd.s32 v12, v27;
	v24 =	vld.idx.msk [tilespmem:v25+s12+$0x0], $0xffff  }
0x22b: {  	v36 =	vadd.s32 v12, v23;
	v25 =	vld.idx.msk [tilespmem:v33+s12+$0x0], $0xffff  }
0x22c: {  	v33 =	vld.idx.msk [tilespmem:v31+s12+$0x0], $0xffff;
	v31 =	vadd.s32 v12, v26  }
0x22d: {  	v37 =	vadd.s32 v13, v27;
	v43 =	vld.idx.msk [tilespmem:v34+s12+$0x0], $0xffff  }
0x22e: {  	v44 =	vadd.s32 v13, v23;
	v29 =	vld.idx.msk [tilespmem:v29+s12+$0x0], $0xffff  }
.Ltmp10:
0x22f: {  	v42 =	vadd.s32 v13, v26;
	v34 =	vld.idx.msk [tilespmem:v35+s12+$0x0], $0xffff;
	(pc) =	sbr.rel @p2 .LBB2_14-.Ltmp10, $4  }
0x230: {  	v40 =	vadd.s32 v14, v27;
	v35 =	vld.idx.msk [tilespmem:v36+s12+$0x0], $0xffff  }
0x231: {  	v41 =	vadd.s32 v14, v23;
	v31 =	vld.idx.msk [tilespmem:v31+s12+$0x0], $0xffff  }
0x232: {  	v38 =	vadd.s32 v14, v26;
	v36 =	vld.idx.msk [tilespmem:v37+s12+$0x0], $0xffff  }
0x233: {  	s10 =	sadd.s32 $0x1, s10;
	v39 =	vadd.s32 v0, v27;
	v33 =	vadd.f32 v43, v33;
	v37 =	vld.idx.msk [tilespmem:v44+s12+$0x0], $0xffff  }
.LBB2_15:
0x234: {  	_ =	sdelay $0x3  }
0x235: {  	v17 =	vadd.s32 v0, v26;
	v19 =	vld.idx.msk [tilespmem:v42+s12+$0x0], $0xffff  }
0x236: {  	v20 =	vadd.s32 v0, v22;
	v21 =	vld.idx.msk [tilespmem:v40+s12+$0x0], $0xffff  }
0x237: {  	v60 =	vld.idx.msk [tilespmem:v41+s12+$0x0], $0xffff;
	v61 =	vadd.s32 v16, v27  }
0x238: {  	v62 =	vadd.s32 v10, v27;
	v38 =	vld.idx.msk [tilespmem:v38+s12+$0x0], $0xffff  }
0x239: {  	v39 =	vld.idx.msk [tilespmem:v39+s12+$0x0], $0xffff;
	v43 =	vadd.s32 v10, v23  }
0x23a: {  	v26 =	vadd.s32 v10, v26;
	v17 =	vld.idx.msk [tilespmem:v17+s12+$0x0], $0xffff  }
0x23b: {  	v23 =	vadd.s32 v0, v23;
	v20 =	vld.idx.msk [tilespmem:v20+s12+$0x0], $0xffff  }
0x23c: {  	v44 =	vadd.s32 v10, v22;
	v41 =	vld.idx.msk [tilespmem:v61+s12+$0x0], $0xffff  }
0x23d: {  	v45 =	vadd.s32 v11, v22;
	v42 =	vld.idx.msk [tilespmem:v62+s12+$0x0], $0xffff  }
0x23e: {  	v46 =	vadd.s32 v12, v22;
	v43 =	vld.idx.msk [tilespmem:v43+s12+$0x0], $0xffff  }
0x23f: {  	v47 =	vadd.s32 v13, v22;
	v26 =	vld.idx.msk [tilespmem:v26+s12+$0x0], $0xffff  }
0x240: {  	v22 =	vadd.s32 v14, v22;
	v23 =	vld.idx.msk [tilespmem:v23+s12+$0x0], $0xffff  }
0x241: {  	v27 =	vadd.s32 v15, v27;
	v30 =	vadd.f32 v32, v30;
	v63 =	vld.idx.msk [tilespmem:v44+s12+$0x0], $0xffff  }
0x242: {  	v24 =	vadd.f32 v25, v24;
	v34 =	vadd.f32 v35, v34;
	v44 =	vld.idx.msk [tilespmem:v45+s12+$0x0], $0xffff  }
0x243: {  	v36 =	vadd.f32 v37, v36;
	v21 =	vadd.f32 v60, v21;
	v45 =	vld.idx.msk [tilespmem:v46+s12+$0x0], $0xffff  }
0x244: {  	v28 =	vadd.f32 v28, v41;
	v17 =	vadd.f32 v20, v17;
	v20 =	vld.idx.msk [tilespmem:v47+s12+$0x0], $0xffff  }
0x245: {  	v22 =	vld.idx.msk [tilespmem:v22+s12+$0x0], $0xffff;
	v46 =	vadd.f32 v43, v42;
	v23 =	vadd.f32 v23, v39  }
0x246: {  	s9 =	sadd.s32 @p1 $0x80, s9;
	v27 =	vld.idx.msk [tilespmem:v27+s12+$0x0], $0xffff;
	v26 =	vadd.f32 v63, v26;
	v28 =	vadd.f32 v30, v28  }
0x247: {  	s7 =	smov.u32 @p1 s9;
	v17 =	vadd.f32 v17, v23;
	v23 =	vadd.f32 v44, v29  }
0x248: {  	v25 =	vadd.f32 v26, v46;
	v26 =	vadd.f32 v45, v31;
	[tilespmem:s7+$0x30] =	vst v28  }
0x249: {  	[tilespmem:s7+$0xFFFFFFC0] =	vst v17;
	v17 =	vadd.f32 v23, v33;
	v19 =	vadd.f32 v20, v19  }
0x24a: {  	s6 =	sadd.s32 $0x90, s6;
	v22 =	vadd.f32 v22, v38;
	[tilespmem:s7+$0xFFFFFFD0] =	vst v25;
	v20 =	vadd.f32 v26, v34  }
0x24b: {  	v18 =	vadd.f32 v18, v27;
	[tilespmem:s7+$0xFFFFFFE0] =	vst v17;
	v17 =	vadd.f32 v19, v36;
	v19 =	vadd.s32 s6, v2  }
0x24c: {  	[tilespmem:s7+$0xFFFFFFF0] =	vst v20;
	v20 =	vadd.f32 v22, v21;
	v21 =	vadd.s32 s6, v3  }
0x24d: {  	v22 =	vadd.s32 s6, v7;
	[tilespmem:s7+$0x0] =	vst v17;
	v17 =	vadd.f32 v24, v18  }
0x24e: {  	v18 =	vadd.s32 s6, v4;
	[tilespmem:s7+$0x10] =	vst v20  }
0x24f: {  	[tilespmem:s7+$0x20] =	vst v17;
	v17 =	vadd.s32 s6, v6  }
0x250: {  	v20 =	vadd.s32 s6, v5;
	v19 =	vld.idx.msk [tilespmem:v19+s19+$0x0], $0xffff  }
0x251: {  	v23 =	vadd.s32 s6, v8;
	v21 =	vld.idx.msk [tilespmem:v21+s19+$0x0], $0xffff  }
0x252: {  	v22 =	vld.idx.msk [tilespmem:v22+s19+$0x0], $0xffff  }
0x253: {  	v24 =	vadd.s32 s6, v9;
	v18 =	vld.idx.msk [tilespmem:v18+s19+$0x0], $0xffff  }
0x254: {  	v17 =	vld.idx.msk [tilespmem:v17+s19+$0x0], $0xffff  }
0x255: {  	v20 =	vld.idx.msk [tilespmem:v20+s19+$0x0], $0xffff  }
0x256: {  	v23 =	vld.idx.msk [tilespmem:v23+s19+$0x0], $0xffff;
	_ =	sdelay $0x1  }
0x257: {  	v24 =	vld.idx.msk [tilespmem:v24+s19+$0x0], $0xffff;
	v19 =	vmul.u32 $0xA, v19;
	v21 =	vmul.u32 $0xC, v21  }
0x258: {  	v17 =	vmul.u32 $0x18, v17  }
0x259: {  	v19 =	vadd.s32 v20, v19;
	v20 =	vshll.u32 v22, $0x2;
	v18 =	vadd.s32 v18, v21  }
0x25a: {  	s21 =	simm.s32 $0x0;
	v18 =	vadd.s32 $0xA9, v18;
	v17 =	vadd.s32 v20, v17;
	v20 =	vshll.u32 v23, $0x1  }
0x25b: {  	v21 =	vmov s21;
	v18 =	vshll.u32 v18, $0x7;
	v17 =	vadd.s32 v20, v17  }
0x25c: {  	v20 =	vadd.s32 v24, v17;
	v24 =	vperm.xlane v18, v21  }
0x25d: {  	v25 =	vadd.s32 s6, v1  }
0x25e: {  	v27 =	vadd.s32 v16, v24  }
0x25f: {  	v29 =	vadd.s32 v15, v24  }
0x260: {  	v48 =	vadd.s32 v11, v24  }
0x261: {  	v50 =	vadd.s32 v12, v24  }
0x262: {  	v22 =	vld.idx.msk [tilespmem:v25+s19+$0x0], $0xffff;
	v19 =	vadd.s32 $0x77, v19;
	v53 =	vadd.s32 v13, v24  }
0x263: {  	v17 =	vshll.u32 v19, $0x7;
	v56 =	vadd.s32 v14, v24;
	v27 =	vld.idx.msk [tilespmem:v27+s12+$0x0], $0xffff  }
0x264: {  	v23 =	vperm.xlane v17, v21;
	v58 =	vadd.s32 v0, v24;
	v29 =	vld.idx.msk [tilespmem:v29+s12+$0x0], $0xffff  }
0x265: {  	v24 =	vadd.s32 v10, v24;
	v33 =	vld.idx.msk [tilespmem:v48+s12+$0x0], $0xffff  }
0x266: {  	v26 =	vadd.s32 v16, v23;
	v36 =	vld.idx.msk [tilespmem:v50+s12+$0x0], $0xffff  }
0x267: {  	v19 =	vadd.s32 $0x139, v20;
	v20 =	vshll.u32 v22, $0x7;
	v22 =	vadd.s32 v15, v23;
	v39 =	vld.idx.msk [tilespmem:v53+s12+$0x0], $0xffff  }
0x268: {  	v47 =	vadd.s32 v11, v23;
	v42 =	vld.idx.msk [tilespmem:v56+s12+$0x0], $0xffff  }
0x269: {  	v19 =	vshll.u32 v19, $0x7;
	v49 =	vadd.s32 v12, v23;
	v44 =	vld.idx.msk [tilespmem:v58+s12+$0x0], $0xffff  }
0x26a: {  	v25 =	vperm.xlane v19, v21;
	v52 =	vadd.s32 v13, v23;
	v24 =	vld.idx.msk [tilespmem:v24+s12+$0x0], $0xffff  }
0x26b: {  	v55 =	vadd.s32 v14, v23;
	v26 =	vld.idx.msk [tilespmem:v26+s12+$0x0], $0xffff  }
0x26c: {  	v21 =	vperm.xlane v20, v21;
	v28 =	vadd.s32 v16, v25;
	v34 =	vld.idx.msk [tilespmem:v22+s12+$0x0], $0xffff  }
0x26d: {  	v30 =	vadd.s32 v15, v25;
	v32 =	vld.idx.msk [tilespmem:v47+s12+$0x0], $0xffff  }
0x26e: {  	v31 =	vadd.s32 v11, v21;
	v35 =	vld.idx.msk [tilespmem:v49+s12+$0x0], $0xffff  }
0x26f: {  	v51 =	vadd.s32 v13, v21;
	v38 =	vld.idx.msk [tilespmem:v52+s12+$0x0], $0xffff  }
0x270: {  	v54 =	vadd.s32 v14, v21;
	v41 =	vld.idx.msk [tilespmem:v55+s12+$0x0], $0xffff  }
0x271: {  	v57 =	vadd.s32 v0, v21;
	v28 =	vld.idx.msk [tilespmem:v28+s12+$0x0], $0xffff  }
0x272: {  	v59 =	vadd.s32 v0, v25;
	v30 =	vld.idx.msk [tilespmem:v30+s12+$0x0], $0xffff  }
0x273: {  	v60 =	vadd.s32 v16, v21;
	v31 =	vld.idx.msk [tilespmem:v31+s12+$0x0], $0xffff  }
0x274: {  	v61 =	vadd.s32 v10, v21;
	v37 =	vld.idx.msk [tilespmem:v51+s12+$0x0], $0xffff  }
0x275: {  	v48 =	vadd.s32 v10, v23;
	v40 =	vld.idx.msk [tilespmem:v54+s12+$0x0], $0xffff  }
0x276: {  	v23 =	vadd.s32 v0, v23;
	v43 =	vld.idx.msk [tilespmem:v57+s12+$0x0], $0xffff  }
0x277: {  	v22 =	vadd.s32 v12, v21;
	v45 =	vld.idx.msk [tilespmem:v59+s12+$0x0], $0xffff  }
0x278: {  	v50 =	vadd.s32 v11, v25;
	v46 =	vld.idx.msk [tilespmem:v60+s12+$0x0], $0xffff  }
0x279: {  	v52 =	vadd.s32 v13, v25;
	v47 =	vld.idx.msk [tilespmem:v61+s12+$0x0], $0xffff  }
0x27a: {  	v49 =	vadd.s32 v10, v25;
	v51 =	vadd.s32 v12, v25;
	v25 =	vadd.s32 v14, v25;
	v48 =	vld.idx.msk [tilespmem:v48+s12+$0x0], $0xffff  }
0x27b: {  	v23 =	vld.idx.msk [tilespmem:v23+s12+$0x0], $0xffff  }
0x27c: {  	v22 =	vld.idx.msk [tilespmem:v22+s12+$0x0], $0xffff  }
0x27d: {  	v21 =	vadd.s32 v15, v21;
	v50 =	vld.idx.msk [tilespmem:v50+s12+$0x0], $0xffff  }
0x27e: {  	v52 =	vld.idx.msk [tilespmem:v52+s12+$0x0], $0xffff;
	v31 =	vadd.f32 v32, v31;
	v63 =	vadd.f32 v38, v37  }
0x27f: {  	v26 =	vadd.f32 v26, v46;
	v27 =	vadd.f32 v28, v27;
	v25 =	vld.idx.msk [tilespmem:v25+s12+$0x0], $0xffff  }
0x280: {  	v28 =	vld.idx.msk [tilespmem:v51+s12+$0x0], $0xffff;
	v51 =	vadd.f32 v45, v44;
	v53 =	vadd.f32 v48, v47  }
0x281: {  	v23 =	vadd.f32 v23, v43;
	v62 =	vadd.f32 v35, v22;
	v22 =	vld.idx.msk [tilespmem:v49+s12+$0x0], $0xffff  }
0x282: {  	v21 =	vld.idx.msk [tilespmem:v21+s12+$0x0], $0xffff;
	v26 =	vadd.f32 v27, v26;
	v27 =	vadd.f32 v30, v29  }
0x283: {  	v33 =	vadd.f32 v50, v33;
	v30 =	vadd.f32 v51, v23  }
0x284: {  	s22 =	simm.s32 $0x1;
	s6 =	simm.s32 $0x176F0;
	v49 =	vadd.f32 v41, v40;
	v25 =	vadd.f32 v25, v42  }
0x285: {  	v29 =	vmov s22;
	[tilespmem:s6+$0xFFFFFF90] =	vst v30;
	v30 =	vadd.f32 v33, v31;
	v31 =	vadd.f32 v52, v39  }
0x286: {  	[tilespmem:s6+$0x0] =	vst v26;
	v25 =	vadd.f32 v25, v49;
	v22 =	vadd.f32 v22, v24;
	v24 =	vperm.xlane v18, v29  }
0x287: {  	v21 =	vadd.f32 v34, v21;
	v23 =	vperm.xlane v17, v29;
	[tilespmem:s6+$0xFFFFFFB0] =	vst v30;
	v30 =	vadd.f32 v31, v63  }
0x288: {  	v28 =	vadd.f32 v28, v36;
	[tilespmem:s6+$0xFFFFFFE0] =	vst v25;
	v26 =	vadd.f32 v22, v53;
	v31 =	vadd.s32 v16, v24  }
0x289: {  	v21 =	vadd.f32 v27, v21;
	v27 =	vperm.xlane v20, v29;
	[tilespmem:s6+$0xFFFFFFD0] =	vst v30;
	v30 =	vadd.s32 v15, v23  }
0x28a: {  	v25 =	vadd.s32 v15, v24;
	[tilespmem:s6+$0xFFFFFFA0] =	vst v26;
	v26 =	vadd.f32 v28, v62  }
0x28b: {  	[tilespmem:s6+$0xFFFFFFF0] =	vst v21;
	v55 =	vadd.s32 v11, v27  }
0x28c: {  	v56 =	vadd.s32 v11, v23;
	[tilespmem:s6+$0xFFFFFFC0] =	vst v26  }
0x28d: {  	v22 =	vperm.xlane v19, v29;
	v57 =	vadd.s32 v11, v24;
	v29 =	vld.idx.msk [tilespmem:v31+s12+$0x0], $0xffff  }
0x28e: {  	v58 =	vadd.s32 v12, v27;
	v21 =	vld.idx.msk [tilespmem:v30+s12+$0x0], $0xffff  }
0x28f: {  	v59 =	vadd.s32 v12, v23;
	v25 =	vld.idx.msk [tilespmem:v25+s12+$0x0], $0xffff  }
0x290: {  	v60 =	vadd.s32 v12, v24;
	v33 =	vld.idx.msk [tilespmem:v55+s12+$0x0], $0xffff  }
0x291: {  	v63 =	vadd.s32 v13, v23;
	v61 =	vld.idx.msk [tilespmem:v56+s12+$0x0], $0xffff  }
0x292: {  	v28 =	vadd.s32 v16, v23;
	v30 =	vld.idx.msk [tilespmem:v57+s12+$0x0], $0xffff  }
0x293: {  	v62 =	vadd.s32 v13, v27;
	v34 =	vld.idx.msk [tilespmem:v58+s12+$0x0], $0xffff  }
0x294: {  	v26 =	vadd.s32 v16, v22;
	v36 =	vld.idx.msk [tilespmem:v59+s12+$0x0], $0xffff  }
0x295: {  	v54 =	vadd.s32 v15, v22;
	v32 =	vld.idx.msk [tilespmem:v60+s12+$0x0], $0xffff  }
0x296: {  	v41 =	vadd.s32 v13, v24;
	v37 =	vld.idx.msk [tilespmem:v63+s12+$0x0], $0xffff  }
0x297: {  	v40 =	vadd.s32 v14, v27;
	v28 =	vld.idx.msk [tilespmem:v28+s12+$0x0], $0xffff  }
0x298: {  	v42 =	vadd.s32 v14, v23;
	v35 =	vld.idx.msk [tilespmem:v62+s12+$0x0], $0xffff  }
0x299: {  	v38 =	vadd.s32 v14, v24;
	v31 =	vld.idx.msk [tilespmem:v26+s12+$0x0], $0xffff  }
0x29a: {  	s7 =	simm.s32 $0x2;
	v39 =	vadd.s32 v0, v27;
	v26 =	vld.idx.msk [tilespmem:v54+s12+$0x0], $0xffff;
	v33 =	vadd.f32 v61, v33  }
.LBB2_16:
0x29b: {  	p1 =	sne.s32 s7, $0xF;
	v43 =	vadd.s32 v0, v24;
	v41 =	vld.idx.msk [tilespmem:v41+s12+$0x0], $0xffff  }
0x29c: {  	v44 =	vadd.s32 v0, v22;
	v40 =	vld.idx.msk [tilespmem:v40+s12+$0x0], $0xffff  }
0x29d: {  	v45 =	vadd.s32 v16, v27;
	v34 =	vadd.f32 v36, v34;
	v42 =	vld.idx.msk [tilespmem:v42+s12+$0x0], $0xffff  }
0x29e: {  	v36 =	vadd.s32 v10, v27;
	v38 =	vld.idx.msk [tilespmem:v38+s12+$0x0], $0xffff  }
0x29f: {  	v46 =	vadd.s32 v10, v23;
	v39 =	vld.idx.msk [tilespmem:v39+s12+$0x0], $0xffff  }
0x2a0: {  	v24 =	vadd.s32 v10, v24;
	v35 =	vadd.f32 v37, v35;
	v43 =	vld.idx.msk [tilespmem:v43+s12+$0x0], $0xffff  }
0x2a1: {  	v23 =	vadd.s32 v0, v23;
	v37 =	vld.idx.msk [tilespmem:v44+s12+$0x0], $0xffff  }
0x2a2: {  	v44 =	vadd.s32 v10, v22;
	v45 =	vld.idx.msk [tilespmem:v45+s12+$0x0], $0xffff  }
0x2a3: {  	v47 =	vadd.s32 v11, v22;
	v40 =	vadd.f32 v42, v40;
	v36 =	vld.idx.msk [tilespmem:v36+s12+$0x0], $0xffff  }
0x2a4: {  	v42 =	vld.idx.msk [tilespmem:v46+s12+$0x0], $0xffff;
	v46 =	vadd.s32 v12, v22  }
0x2a5: {  	v48 =	vadd.s32 v13, v22;
	v24 =	vld.idx.msk [tilespmem:v24+s12+$0x0], $0xffff  }
0x2a6: {  	v22 =	vadd.s32 v14, v22;
	v23 =	vld.idx.msk [tilespmem:v23+s12+$0x0], $0xffff  }
0x2a7: {  	v27 =	vadd.s32 v15, v27;
	v37 =	vadd.f32 v37, v43;
	v44 =	vld.idx.msk [tilespmem:v44+s12+$0x0], $0xffff  }
0x2a8: {  	v29 =	vadd.f32 v31, v29;
	v28 =	vadd.f32 v28, v45;
	v43 =	vld.idx.msk [tilespmem:v47+s12+$0x0], $0xffff  }
0x2a9: {  	v31 =	vld.idx.msk [tilespmem:v46+s12+$0x0], $0xffff  }
0x2aa: {  	v36 =	vadd.f32 v42, v36;
	v28 =	vadd.f32 v29, v28;
	v45 =	vld.idx.msk [tilespmem:v48+s12+$0x0], $0xffff  }
0x2ab: {  	s6 =	sadd.s32 $0x80, s6;
	v29 =	vld.idx.msk [tilespmem:v22+s12+$0x0], $0xffff  }
0x2ac: {  	v22 =	vadd.f32 v23, v39;
	v27 =	vld.idx.msk [tilespmem:v27+s12+$0x0], $0xffff;
	[tilespmem:s6+$0x0] =	vst v28  }
0x2ad: {  	v25 =	vadd.f32 v26, v25;
	v24 =	vadd.f32 v44, v24  }
0x2ae: {  	v26 =	vmov s7;
	v22 =	vadd.f32 v37, v22;
	v28 =	vadd.f32 v43, v30  }
0x2af: {  	v23 =	vperm.xlane v17, v26;
	v30 =	vadd.f32 v24, v36;
	v31 =	vadd.f32 v31, v32  }
0x2b0: {  	v24 =	vperm.xlane v18, v26;
	v28 =	vadd.f32 v28, v33;
	v32 =	vadd.f32 v45, v41;
	[tilespmem:s6+$0xFFFFFF90] =	vst v22  }
0x2b1: {  	v22 =	vperm.xlane v19, v26;
	v29 =	vadd.f32 v29, v38;
	[tilespmem:s6+$0xFFFFFFA0] =	vst v30;
	v30 =	vadd.f32 v31, v34  }
0x2b2: {  	v31 =	vadd.s32 v16, v23;
	v21 =	vadd.f32 v21, v27;
	[tilespmem:s6+$0xFFFFFFB0] =	vst v28;
	v28 =	vadd.f32 v32, v35  }
0x2b3: {  	v32 =	vadd.s32 v16, v24;
	v27 =	vadd.f32 v29, v40;
	[tilespmem:s6+$0xFFFFFFC0] =	vst v30  }
0x2b4: {  	v30 =	vadd.s32 v16, v22;
	v21 =	vadd.f32 v25, v21;
	[tilespmem:s6+$0xFFFFFFD0] =	vst v28  }
0x2b5: {  	v25 =	vadd.s32 v15, v23;
	[tilespmem:s6+$0xFFFFFFE0] =	vst v27  }
0x2b6: {  	v27 =	vperm.xlane v20, v26;
	v26 =	vadd.s32 v15, v24;
	[tilespmem:s6+$0xFFFFFFF0] =	vst v21  }
0x2b7: {  	v33 =	vadd.s32 v15, v22;
	v28 =	vld.idx.msk [tilespmem:v31+s12+$0x0], $0xffff  }
0x2b8: {  	v34 =	vadd.s32 v11, v27;
	v29 =	vld.idx.msk [tilespmem:v32+s12+$0x0], $0xffff  }
0x2b9: {  	v32 =	vadd.s32 v11, v23;
	v31 =	vld.idx.msk [tilespmem:v30+s12+$0x0], $0xffff  }
0x2ba: {  	v30 =	vadd.s32 v11, v24;
	v21 =	vld.idx.msk [tilespmem:v25+s12+$0x0], $0xffff  }
0x2bb: {  	v35 =	vadd.s32 v12, v27;
	v25 =	vld.idx.msk [tilespmem:v26+s12+$0x0], $0xffff  }
0x2bc: {  	v36 =	vadd.s32 v12, v23;
	v26 =	vld.idx.msk [tilespmem:v33+s12+$0x0], $0xffff  }
0x2bd: {  	v37 =	vadd.s32 v12, v24;
	v33 =	vld.idx.msk [tilespmem:v34+s12+$0x0], $0xffff  }
0x2be: {  	v38 =	vadd.s32 v13, v27;
	v43 =	vld.idx.msk [tilespmem:v32+s12+$0x0], $0xffff  }
0x2bf: {  	v44 =	vadd.s32 v13, v23;
	v30 =	vld.idx.msk [tilespmem:v30+s12+$0x0], $0xffff  }
.Ltmp11:
0x2c0: {  	v41 =	vadd.s32 v13, v24;
	v34 =	vld.idx.msk [tilespmem:v35+s12+$0x0], $0xffff;
	(pc) =	sbr.rel @p1 .LBB2_16-.Ltmp11, $4  }
0x2c1: {  	v40 =	vadd.s32 v14, v27;
	v36 =	vld.idx.msk [tilespmem:v36+s12+$0x0], $0xffff  }
0x2c2: {  	v42 =	vadd.s32 v14, v23;
	v32 =	vld.idx.msk [tilespmem:v37+s12+$0x0], $0xffff  }
0x2c3: {  	v35 =	vld.idx.msk [tilespmem:v38+s12+$0x0], $0xffff;
	v38 =	vadd.s32 v14, v24  }
0x2c4: {  	s7 =	sadd.s32 $0x1, s7;
	v39 =	vadd.s32 v0, v27;
	v33 =	vadd.f32 v43, v33;
	v37 =	vld.idx.msk [tilespmem:v44+s12+$0x0], $0xffff  }
0x2c5: {  	_ =	sdelay $0x3  }
0x2c6: {  	v17 =	vadd.s32 v0, v24;
	v18 =	vld.idx.msk [tilespmem:v41+s12+$0x0], $0xffff  }
0x2c7: {  	v19 =	vadd.s32 v0, v22;
	v20 =	vld.idx.msk [tilespmem:v40+s12+$0x0], $0xffff  }
0x2c8: {  	v58 =	vld.idx.msk [tilespmem:v42+s12+$0x0], $0xffff;
	v59 =	vadd.s32 v16, v27  }
0x2c9: {  	v60 =	vadd.s32 v10, v27;
	v38 =	vld.idx.msk [tilespmem:v38+s12+$0x0], $0xffff  }
0x2ca: {  	v39 =	vld.idx.msk [tilespmem:v39+s12+$0x0], $0xffff;
	v43 =	vadd.s32 v10, v23  }
0x2cb: {  	v24 =	vadd.s32 v10, v24;
	v17 =	vld.idx.msk [tilespmem:v17+s12+$0x0], $0xffff  }
0x2cc: {  	v23 =	vadd.s32 v0, v23;
	v19 =	vld.idx.msk [tilespmem:v19+s12+$0x0], $0xffff  }
0x2cd: {  	v44 =	vadd.s32 v10, v22;
	v41 =	vld.idx.msk [tilespmem:v59+s12+$0x0], $0xffff  }
0x2ce: {  	v45 =	vadd.s32 v11, v22;
	v42 =	vld.idx.msk [tilespmem:v60+s12+$0x0], $0xffff  }
0x2cf: {  	v46 =	vadd.s32 v12, v22;
	v43 =	vld.idx.msk [tilespmem:v43+s12+$0x0], $0xffff  }
0x2d0: {  	v47 =	vadd.s32 v13, v22;
	v24 =	vld.idx.msk [tilespmem:v24+s12+$0x0], $0xffff  }
0x2d1: {  	v22 =	vadd.s32 v14, v22;
	v23 =	vld.idx.msk [tilespmem:v23+s12+$0x0], $0xffff  }
0x2d2: {  	v27 =	vadd.s32 v15, v27;
	v29 =	vadd.f32 v31, v29;
	v61 =	vld.idx.msk [tilespmem:v44+s12+$0x0], $0xffff  }
0x2d3: {  	v25 =	vadd.f32 v26, v25;
	v34 =	vadd.f32 v36, v34;
	v62 =	vld.idx.msk [tilespmem:v45+s12+$0x0], $0xffff  }
0x2d4: {  	v35 =	vadd.f32 v37, v35;
	v20 =	vadd.f32 v58, v20;
	v31 =	vld.idx.msk [tilespmem:v46+s12+$0x0], $0xffff  }
0x2d5: {  	v28 =	vadd.f32 v28, v41;
	v17 =	vadd.f32 v19, v17;
	v19 =	vld.idx.msk [tilespmem:v47+s12+$0x0], $0xffff  }
0x2d6: {  	v22 =	vld.idx.msk [tilespmem:v22+s12+$0x0], $0xffff;
	v63 =	vadd.f32 v43, v42;
	v23 =	vadd.f32 v23, v39  }
0x2d7: {  	v27 =	vld.idx.msk [tilespmem:v27+s12+$0x0], $0xffff;
	v24 =	vadd.f32 v61, v24;
	v28 =	vadd.f32 v29, v28  }
0x2d8: {  	s6 =	sadd.s32 $0x80, s6;
	v17 =	vadd.f32 v17, v23;
	v23 =	vadd.f32 v62, v30  }
0x2d9: {  	v26 =	vadd.f32 v31, v32;
	v24 =	vadd.f32 v24, v63;
	[tilespmem:s6+$0x0] =	vst v28  }
0x2da: {  	[tilespmem:s6+$0xFFFFFF90] =	vst v17;
	v17 =	vadd.f32 v23, v33;
	v18 =	vadd.f32 v19, v18  }
0x2db: {  	s5 =	sadd.s32 s5, s17;
	v22 =	vadd.f32 v22, v38;
	[tilespmem:s6+$0xFFFFFFA0] =	vst v24;
	v19 =	vadd.f32 v26, v34  }
0x2dc: {  	s5 =	smin.u32 s5, s15;
	[tilespmem:s6+$0xFFFFFFB0] =	vst v17;
	v17 =	vadd.f32 v18, v35;
	v18 =	vadd.f32 v21, v27  }
0x2dd: {  	s4 =	sshll.u32 s4, $0x4;
	s7 =	ssub.s32 s5, s14;
	[tilespmem:s6+$0xFFFFFFC0] =	vst v19;
	v19 =	vadd.f32 v22, v20  }
0x2de: {  	s9 =	sand.u32 $0x1FFFFF80, s4;
	s4 =	smul.u32 $0x9, s7;
	[tilespmem:s6+$0xFFFFFFD0] =	vst v17;
	v17 =	vadd.f32 v25, v18  }
0x2df: {  	[tilespmem:s6+$0xFFFFFFE0] =	vst v19  }
0x2e0: {  	s10 =	sadd.s32 s11, s9;
	[tilespmem:s6+$0xFFFFFFF0] =	vst v17;
	v17 =	vadd.s32 s4, v2;
	s6 =	simm.s32 @!p0 $0x2  }
0x2e1: {  	v18 =	vadd.s32 s4, v3;
	[hbm4b:s10+s12] =	stream.linear.scatter [tilespmem:s30], [sflag:$0x1], $0x1000, $0x38;
	[tilespmem:$0x18E80] =	vst v63  }
0x2e2: {  	v20 =	vadd.s32 s4, v5;
	_ =	swait.ge @!p0 [sflag:s6], $0x1000  }
0x2e3: {  	v21 =	vadd.s32 s4, v6;
	[sflag:s6] =	ssyncset.done @!p0 $0x0  }
0x2e4: {  	v22 =	vadd.s32 s4, v7;
	[sflag:s6] =	ssyncadd.s32 @!p0 $0xFFFFF000  }
0x2e5: {  	v19 =	vadd.s32 s4, v4;
	v17 =	vld.idx.msk [tilespmem:v17+s19+$0x0], $0xffff  }
0x2e6: {  	v18 =	vld.idx.msk [tilespmem:v18+s19+$0x0], $0xffff  }
0x2e7: {  	v20 =	vld.idx.msk [tilespmem:v20+s19+$0x0], $0xffff  }
0x2e8: {  	v23 =	vadd.s32 s4, v8;
	v21 =	vld.idx.msk [tilespmem:v21+s19+$0x0], $0xffff  }
0x2e9: {  	v22 =	vld.idx.msk [tilespmem:v22+s19+$0x0], $0xffff  }
0x2ea: {  	v19 =	vld.idx.msk [tilespmem:v19+s19+$0x0], $0xffff;
	_ =	sdelay $0x1  }
0x2eb: {  	v17 =	vmul.u32 $0xA, v17  }
0x2ec: {  	v23 =	vld.idx.msk [tilespmem:v23+s19+$0x0], $0xffff;
	v18 =	vmul.u32 $0xC, v18;
	v21 =	vmul.u32 $0x18, v21  }
0x2ed: {  	v25 =	vadd.s32 s4, v1;
	v17 =	vadd.s32 v20, v17;
	v20 =	vshll.u32 v22, $0x2  }
0x2ee: {  	s21 =	simm.s32 $0x0;
	v18 =	vadd.s32 v19, v18;
	v19 =	vadd.s32 v20, v21;
	v17 =	vadd.s32 $0x77, v17  }
0x2ef: {  	v18 =	vadd.s32 $0xA9, v18;
	v21 =	vmov s21;
	v17 =	vshll.u32 v17, $0x7  }
0x2f0: {  	v24 =	vadd.s32 s4, v9;
	v18 =	vshll.u32 v18, $0x7;
	v22 =	vperm.xlane v17, v21  }
0x2f1: {  	v20 =	vshll.u32 v23, $0x1;
	v23 =	vperm.xlane v18, v21  }
0x2f2: {  	v19 =	vadd.s32 v20, v19;
	v20 =	vld.idx.msk [tilespmem:v25+s19+$0x0], $0xffff;
	v25 =	vadd.s32 v16, v22  }
0x2f3: {  	v26 =	vadd.s32 v16, v23  }
0x2f4: {  	v28 =	vadd.s32 v15, v22  }
0x2f5: {  	v24 =	vld.idx.msk [tilespmem:v24+s19+$0x0], $0xffff;
	v29 =	vadd.s32 v15, v23  }
0x2f6: {  	v42 =	vadd.s32 v11, v22  }
0x2f7: {  	v43 =	vadd.s32 v11, v23;
	v25 =	vld.idx.msk [tilespmem:v25+s12+$0x0], $0xffff  }
0x2f8: {  	v45 =	vadd.s32 v12, v22;
	v26 =	vld.idx.msk [tilespmem:v26+s12+$0x0], $0xffff  }
0x2f9: {  	v46 =	vadd.s32 v12, v23;
	v28 =	vld.idx.msk [tilespmem:v28+s12+$0x0], $0xffff  }
0x2fa: {  	v19 =	vadd.s32 v24, v19;
	v48 =	vadd.s32 v13, v22;
	v29 =	vld.idx.msk [tilespmem:v29+s12+$0x0], $0xffff  }
0x2fb: {  	v19 =	vadd.s32 $0x139, v19;
	v49 =	vadd.s32 v13, v23;
	v32 =	vld.idx.msk [tilespmem:v42+s12+$0x0], $0xffff  }
0x2fc: {  	v19 =	vshll.u32 v19, $0x7;
	v51 =	vadd.s32 v14, v22;
	v33 =	vld.idx.msk [tilespmem:v43+s12+$0x0], $0xffff  }
0x2fd: {  	v52 =	vadd.s32 v14, v23;
	v24 =	vperm.xlane v19, v21;
	v35 =	vld.idx.msk [tilespmem:v45+s12+$0x0], $0xffff  }
0x2fe: {  	v54 =	vadd.s32 v0, v23;
	v23 =	vadd.s32 v10, v23;
	v36 =	vld.idx.msk [tilespmem:v46+s12+$0x0], $0xffff  }
0x2ff: {  	v20 =	vshll.u32 v20, $0x7;
	v27 =	vadd.s32 v16, v24;
	v38 =	vld.idx.msk [tilespmem:v48+s12+$0x0], $0xffff  }
0x300: {  	v21 =	vperm.xlane v20, v21;
	v30 =	vadd.s32 v15, v24;
	v39 =	vld.idx.msk [tilespmem:v49+s12+$0x0], $0xffff  }
0x301: {  	v55 =	vadd.s32 v0, v24;
	v41 =	vld.idx.msk [tilespmem:v51+s12+$0x0], $0xffff  }
0x302: {  	v31 =	vadd.s32 v11, v21;
	v42 =	vld.idx.msk [tilespmem:v52+s12+$0x0], $0xffff  }
0x303: {  	v44 =	vadd.s32 v12, v21;
	v23 =	vld.idx.msk [tilespmem:v23+s12+$0x0], $0xffff  }
0x304: {  	v47 =	vadd.s32 v13, v21;
	v27 =	vld.idx.msk [tilespmem:v27+s12+$0x0], $0xffff  }
0x305: {  	v50 =	vadd.s32 v14, v21;
	v30 =	vld.idx.msk [tilespmem:v30+s12+$0x0], $0xffff  }
0x306: {  	v53 =	vadd.s32 v0, v21;
	v45 =	vld.idx.msk [tilespmem:v55+s12+$0x0], $0xffff  }
0x307: {  	v31 =	vld.idx.msk [tilespmem:v31+s12+$0x0], $0xffff  }
0x308: {  	v56 =	vadd.s32 v16, v21;
	v34 =	vld.idx.msk [tilespmem:v44+s12+$0x0], $0xffff  }
0x309: {  	v57 =	vadd.s32 v10, v21;
	v37 =	vld.idx.msk [tilespmem:v47+s12+$0x0], $0xffff  }
0x30a: {  	v48 =	vadd.s32 v10, v22;
	v40 =	vld.idx.msk [tilespmem:v50+s12+$0x0], $0xffff  }
0x30b: {  	v22 =	vadd.s32 v0, v22;
	v43 =	vld.idx.msk [tilespmem:v53+s12+$0x0], $0xffff  }
0x30c: {  	v49 =	vadd.s32 v10, v24;
	v44 =	vld.idx.msk [tilespmem:v54+s12+$0x0], $0xffff  }
0x30d: {  	v21 =	vadd.s32 v15, v21;
	v46 =	vld.idx.msk [tilespmem:v56+s12+$0x0], $0xffff  }
0x30e: {  	v51 =	vadd.s32 v12, v24;
	v47 =	vld.idx.msk [tilespmem:v57+s12+$0x0], $0xffff  }
0x30f: {  	v52 =	vadd.s32 v13, v24;
	v48 =	vld.idx.msk [tilespmem:v48+s12+$0x0], $0xffff  }
0x310: {  	v50 =	vadd.s32 v11, v24;
	v22 =	vld.idx.msk [tilespmem:v22+s12+$0x0], $0xffff  }
0x311: {  	v24 =	vadd.s32 v14, v24;
	v59 =	vld.idx.msk [tilespmem:v49+s12+$0x0], $0xffff;
	v26 =	vadd.f32 v27, v26;
	v29 =	vadd.f32 v30, v29  }
0x312: {  	v21 =	vld.idx.msk [tilespmem:v21+s12+$0x0], $0xffff;
	v31 =	vadd.f32 v32, v31;
	v58 =	vadd.f32 v35, v34  }
0x313: {  	v27 =	vld.idx.msk [tilespmem:v51+s12+$0x0], $0xffff;
	v60 =	vadd.f32 v38, v37;
	v61 =	vadd.f32 v41, v40  }
0x314: {  	v49 =	vld.idx.msk [tilespmem:v52+s12+$0x0], $0xffff;
	v25 =	vadd.f32 v25, v46;
	v63 =	vadd.f32 v45, v44  }
0x315: {  	v62 =	vld.idx.msk [tilespmem:v50+s12+$0x0], $0xffff;
	v50 =	vadd.f32 v48, v47;
	v22 =	vadd.f32 v22, v43  }
0x316: {  	v25 =	vadd.f32 v26, v25;
	v26 =	vld.idx.msk [tilespmem:v24+s12+$0x0], $0xffff;
	v24 =	vadd.f32 v59, v23  }
0x317: {  	s22 =	simm.s32 $0x1;
	s6 =	simm.s32 $0x17EC0;
	v21 =	vadd.f32 v28, v21;
	v22 =	vadd.f32 v63, v22  }
0x318: {  	v30 =	vmov s22;
	v27 =	vadd.f32 v27, v36;
	[tilespmem:s6+$0x30] =	vst v25;
	v25 =	vadd.f32 v24, v50  }
0x319: {  	v51 =	vadd.f32 v49, v39;
	v23 =	vperm.xlane v17, v30;
	v21 =	vadd.f32 v29, v21;
	[tilespmem:s6+$0xFFFFFFC0] =	vst v22  }
0x31a: {  	v33 =	vadd.f32 v62, v33;
	[tilespmem:s6+$0xFFFFFFD0] =	vst v25;
	v25 =	vadd.f32 v27, v58  }
0x31b: {  	v52 =	vadd.s32 v16, v23;
	[tilespmem:s6+$0x20] =	vst v21;
	v27 =	vadd.f32 v51, v60;
	v26 =	vadd.f32 v26, v42  }
0x31c: {  	v53 =	vadd.s32 v15, v23;
	v31 =	vadd.f32 v33, v31;
	[tilespmem:s6+$0xFFFFFFF0] =	vst v25  }
0x31d: {  	v24 =	vperm.xlane v18, v30;
	v55 =	vadd.s32 v11, v23;
	[tilespmem:s6+$0x0] =	vst v27;
	v25 =	vadd.f32 v26, v61  }
0x31e: {  	v58 =	vadd.s32 v12, v23;
	[tilespmem:s6+$0xFFFFFFE0] =	vst v31  }
0x31f: {  	v60 =	vadd.s32 v12, v24;
	[tilespmem:s6+$0x10] =	vst v25  }
0x320: {  	v22 =	vperm.xlane v19, v30;
	v63 =	vadd.s32 v13, v23;
	v28 =	vld.idx.msk [tilespmem:v52+s12+$0x0], $0xffff  }
0x321: {  	v27 =	vperm.xlane v20, v30;
	v31 =	vadd.s32 v16, v24;
	v21 =	vld.idx.msk [tilespmem:v53+s12+$0x0], $0xffff  }
0x322: {  	v26 =	vadd.s32 v16, v22;
	v61 =	vld.idx.msk [tilespmem:v55+s12+$0x0], $0xffff  }
0x323: {  	v54 =	vadd.s32 v11, v27;
	v36 =	vld.idx.msk [tilespmem:v58+s12+$0x0], $0xffff  }
0x324: {  	v30 =	vadd.s32 v15, v22;
	v32 =	vld.idx.msk [tilespmem:v60+s12+$0x0], $0xffff  }
0x325: {  	v56 =	vadd.s32 v11, v24;
	v37 =	vld.idx.msk [tilespmem:v63+s12+$0x0], $0xffff  }
0x326: {  	v57 =	vadd.s32 v12, v27;
	v29 =	vld.idx.msk [tilespmem:v31+s12+$0x0], $0xffff  }
0x327: {  	v62 =	vadd.s32 v13, v27;
	v31 =	vld.idx.msk [tilespmem:v26+s12+$0x0], $0xffff  }
0x328: {  	v25 =	vadd.s32 v15, v24;
	v59 =	vld.idx.msk [tilespmem:v54+s12+$0x0], $0xffff  }
0x329: {  	v41 =	vadd.s32 v13, v24;
	v26 =	vld.idx.msk [tilespmem:v30+s12+$0x0], $0xffff  }
0x32a: {  	v40 =	vadd.s32 v14, v27;
	v30 =	vld.idx.msk [tilespmem:v56+s12+$0x0], $0xffff  }
0x32b: {  	v42 =	vadd.s32 v14, v23;
	v34 =	vld.idx.msk [tilespmem:v57+s12+$0x0], $0xffff  }
0x32c: {  	v38 =	vadd.s32 v14, v24;
	v35 =	vld.idx.msk [tilespmem:v62+s12+$0x0], $0xffff  }
0x32d: {  	s7 =	simm.s32 $0x2;
	v39 =	vadd.s32 v0, v27;
	v25 =	vld.idx.msk [tilespmem:v25+s12+$0x0], $0xffff;
	v33 =	vadd.f32 v61, v59  }
.LBB2_18:
0x32e: {  	p0 =	sne.s32 s7, $0xF;
	v43 =	vadd.s32 v0, v24;
	v41 =	vld.idx.msk [tilespmem:v41+s12+$0x0], $0xffff  }
0x32f: {  	v44 =	vadd.s32 v0, v22;
	v40 =	vld.idx.msk [tilespmem:v40+s12+$0x0], $0xffff  }
0x330: {  	v45 =	vadd.s32 v16, v27;
	v34 =	vadd.f32 v36, v34;
	v42 =	vld.idx.msk [tilespmem:v42+s12+$0x0], $0xffff  }
0x331: {  	v36 =	vadd.s32 v10, v27;
	v38 =	vld.idx.msk [tilespmem:v38+s12+$0x0], $0xffff  }
0x332: {  	v46 =	vadd.s32 v10, v23;
	v39 =	vld.idx.msk [tilespmem:v39+s12+$0x0], $0xffff  }
0x333: {  	v24 =	vadd.s32 v10, v24;
	v35 =	vadd.f32 v37, v35;
	v43 =	vld.idx.msk [tilespmem:v43+s12+$0x0], $0xffff  }
0x334: {  	v23 =	vadd.s32 v0, v23;
	v37 =	vld.idx.msk [tilespmem:v44+s12+$0x0], $0xffff  }
0x335: {  	v44 =	vadd.s32 v10, v22;
	v45 =	vld.idx.msk [tilespmem:v45+s12+$0x0], $0xffff  }
0x336: {  	v47 =	vadd.s32 v11, v22;
	v40 =	vadd.f32 v42, v40;
	v36 =	vld.idx.msk [tilespmem:v36+s12+$0x0], $0xffff  }
0x337: {  	v42 =	vld.idx.msk [tilespmem:v46+s12+$0x0], $0xffff;
	v46 =	vadd.s32 v12, v22  }
0x338: {  	v48 =	vadd.s32 v13, v22;
	v24 =	vld.idx.msk [tilespmem:v24+s12+$0x0], $0xffff  }
0x339: {  	v22 =	vadd.s32 v14, v22;
	v23 =	vld.idx.msk [tilespmem:v23+s12+$0x0], $0xffff  }
0x33a: {  	v27 =	vadd.s32 v15, v27;
	v37 =	vadd.f32 v37, v43;
	v44 =	vld.idx.msk [tilespmem:v44+s12+$0x0], $0xffff  }
0x33b: {  	v29 =	vadd.f32 v31, v29;
	v28 =	vadd.f32 v28, v45;
	v43 =	vld.idx.msk [tilespmem:v47+s12+$0x0], $0xffff  }
0x33c: {  	v31 =	vld.idx.msk [tilespmem:v46+s12+$0x0], $0xffff  }
0x33d: {  	v36 =	vadd.f32 v42, v36;
	v28 =	vadd.f32 v29, v28;
	v45 =	vld.idx.msk [tilespmem:v48+s12+$0x0], $0xffff  }
0x33e: {  	s6 =	sadd.s32 $0x80, s6;
	v29 =	vld.idx.msk [tilespmem:v22+s12+$0x0], $0xffff  }
0x33f: {  	v22 =	vadd.f32 v23, v39;
	v27 =	vld.idx.msk [tilespmem:v27+s12+$0x0], $0xffff;
	[tilespmem:s6+$0x30] =	vst v28  }
0x340: {  	v25 =	vadd.f32 v26, v25;
	v24 =	vadd.f32 v44, v24  }
0x341: {  	v26 =	vmov s7;
	v22 =	vadd.f32 v37, v22;
	v28 =	vadd.f32 v43, v30  }
0x342: {  	v23 =	vperm.xlane v17, v26;
	v30 =	vadd.f32 v24, v36;
	v31 =	vadd.f32 v31, v32  }
0x343: {  	v24 =	vperm.xlane v18, v26;
	v28 =	vadd.f32 v28, v33;
	v32 =	vadd.f32 v45, v41;
	[tilespmem:s6+$0xFFFFFFC0] =	vst v22  }
0x344: {  	v22 =	vperm.xlane v19, v26;
	v29 =	vadd.f32 v29, v38;
	[tilespmem:s6+$0xFFFFFFD0] =	vst v30;
	v30 =	vadd.f32 v31, v34  }
0x345: {  	v31 =	vadd.s32 v16, v23;
	v21 =	vadd.f32 v21, v27;
	[tilespmem:s6+$0xFFFFFFE0] =	vst v28;
	v28 =	vadd.f32 v32, v35  }
0x346: {  	v32 =	vadd.s32 v16, v24;
	v27 =	vadd.f32 v29, v40;
	[tilespmem:s6+$0xFFFFFFF0] =	vst v30  }
0x347: {  	v30 =	vadd.s32 v16, v22;
	v21 =	vadd.f32 v25, v21;
	[tilespmem:s6+$0x0] =	vst v28  }
0x348: {  	v25 =	vadd.s32 v15, v23;
	[tilespmem:s6+$0x10] =	vst v27  }
0x349: {  	v27 =	vperm.xlane v20, v26;
	v26 =	vadd.s32 v15, v24;
	[tilespmem:s6+$0x20] =	vst v21  }
0x34a: {  	v33 =	vadd.s32 v15, v22;
	v28 =	vld.idx.msk [tilespmem:v31+s12+$0x0], $0xffff  }
0x34b: {  	v34 =	vadd.s32 v11, v27;
	v29 =	vld.idx.msk [tilespmem:v32+s12+$0x0], $0xffff  }
0x34c: {  	v32 =	vadd.s32 v11, v23;
	v31 =	vld.idx.msk [tilespmem:v30+s12+$0x0], $0xffff  }
0x34d: {  	v30 =	vadd.s32 v11, v24;
	v21 =	vld.idx.msk [tilespmem:v25+s12+$0x0], $0xffff  }
0x34e: {  	v35 =	vadd.s32 v12, v27;
	v25 =	vld.idx.msk [tilespmem:v26+s12+$0x0], $0xffff  }
0x34f: {  	v36 =	vadd.s32 v12, v23;
	v26 =	vld.idx.msk [tilespmem:v33+s12+$0x0], $0xffff  }
0x350: {  	v37 =	vadd.s32 v12, v24;
	v33 =	vld.idx.msk [tilespmem:v34+s12+$0x0], $0xffff  }
0x351: {  	v38 =	vadd.s32 v13, v27;
	v43 =	vld.idx.msk [tilespmem:v32+s12+$0x0], $0xffff  }
0x352: {  	v44 =	vadd.s32 v13, v23;
	v30 =	vld.idx.msk [tilespmem:v30+s12+$0x0], $0xffff  }
.Ltmp12:
0x353: {  	v41 =	vadd.s32 v13, v24;
	v34 =	vld.idx.msk [tilespmem:v35+s12+$0x0], $0xffff;
	(pc) =	sbr.rel @p0 .LBB2_18-.Ltmp12, $4  }
0x354: {  	v40 =	vadd.s32 v14, v27;
	v36 =	vld.idx.msk [tilespmem:v36+s12+$0x0], $0xffff  }
0x355: {  	v42 =	vadd.s32 v14, v23;
	v32 =	vld.idx.msk [tilespmem:v37+s12+$0x0], $0xffff  }
0x356: {  	v35 =	vld.idx.msk [tilespmem:v38+s12+$0x0], $0xffff;
	v38 =	vadd.s32 v14, v24  }
0x357: {  	s7 =	sadd.s32 $0x1, s7;
	v39 =	vadd.s32 v0, v27;
	v33 =	vadd.f32 v43, v33;
	v37 =	vld.idx.msk [tilespmem:v44+s12+$0x0], $0xffff  }
0x358: {  	_ =	sdelay $0x3  }
0x359: {  	v17 =	vadd.s32 v0, v24;
	v18 =	vld.idx.msk [tilespmem:v41+s12+$0x0], $0xffff  }
0x35a: {  	v19 =	vadd.s32 v0, v22;
	v20 =	vld.idx.msk [tilespmem:v40+s12+$0x0], $0xffff  }
0x35b: {  	v61 =	vld.idx.msk [tilespmem:v42+s12+$0x0], $0xffff;
	v62 =	vadd.s32 v16, v27  }
0x35c: {  	v63 =	vadd.s32 v10, v27;
	v38 =	vld.idx.msk [tilespmem:v38+s12+$0x0], $0xffff  }
0x35d: {  	v39 =	vld.idx.msk [tilespmem:v39+s12+$0x0], $0xffff;
	v43 =	vadd.s32 v10, v23  }
0x35e: {  	v24 =	vadd.s32 v10, v24;
	v17 =	vld.idx.msk [tilespmem:v17+s12+$0x0], $0xffff  }
0x35f: {  	v23 =	vadd.s32 v0, v23;
	v19 =	vld.idx.msk [tilespmem:v19+s12+$0x0], $0xffff  }
0x360: {  	v44 =	vadd.s32 v10, v22;
	v41 =	vld.idx.msk [tilespmem:v62+s12+$0x0], $0xffff  }
0x361: {  	v45 =	vadd.s32 v11, v22;
	v42 =	vld.idx.msk [tilespmem:v63+s12+$0x0], $0xffff  }
0x362: {  	v46 =	vadd.s32 v12, v22;
	v43 =	vld.idx.msk [tilespmem:v43+s12+$0x0], $0xffff  }
0x363: {  	v47 =	vadd.s32 v13, v22;
	v24 =	vld.idx.msk [tilespmem:v24+s12+$0x0], $0xffff  }
0x364: {  	v22 =	vadd.s32 v14, v22;
	v23 =	vld.idx.msk [tilespmem:v23+s12+$0x0], $0xffff  }
0x365: {  	v27 =	vadd.s32 v15, v27;
	v29 =	vadd.f32 v31, v29;
	v44 =	vld.idx.msk [tilespmem:v44+s12+$0x0], $0xffff  }
0x366: {  	v25 =	vadd.f32 v26, v25;
	v34 =	vadd.f32 v36, v34;
	v45 =	vld.idx.msk [tilespmem:v45+s12+$0x0], $0xffff  }
0x367: {  	v35 =	vadd.f32 v37, v35;
	v20 =	vadd.f32 v61, v20;
	v31 =	vld.idx.msk [tilespmem:v46+s12+$0x0], $0xffff  }
0x368: {  	v28 =	vadd.f32 v28, v41;
	v17 =	vadd.f32 v19, v17;
	v19 =	vld.idx.msk [tilespmem:v47+s12+$0x0], $0xffff  }
0x369: {  	v22 =	vld.idx.msk [tilespmem:v22+s12+$0x0], $0xffff;
	v46 =	vadd.f32 v43, v42;
	v23 =	vadd.f32 v23, v39  }
0x36a: {  	v27 =	vld.idx.msk [tilespmem:v27+s12+$0x0], $0xffff;
	v24 =	vadd.f32 v44, v24;
	v28 =	vadd.f32 v29, v28  }
0x36b: {  	s6 =	sadd.s32 $0x80, s6;
	v17 =	vadd.f32 v17, v23;
	v23 =	vadd.f32 v45, v30  }
0x36c: {  	v26 =	vadd.f32 v31, v32;
	v24 =	vadd.f32 v24, v46;
	[tilespmem:s6+$0x30] =	vst v28  }
0x36d: {  	[tilespmem:s6+$0xFFFFFFC0] =	vst v17;
	v17 =	vadd.f32 v23, v33;
	v18 =	vadd.f32 v19, v18  }
0x36e: {  	s4 =	sadd.s32 $0x90, s4;
	v22 =	vadd.f32 v22, v38;
	[tilespmem:s6+$0xFFFFFFD0] =	vst v24;
	v19 =	vadd.f32 v26, v34  }
0x36f: {  	[tilespmem:s6+$0xFFFFFFE0] =	vst v17;
	v17 =	vadd.f32 v18, v35;
	v18 =	vadd.f32 v21, v27;
	v21 =	vadd.s32 s4, v2  }
0x370: {  	[tilespmem:s6+$0xFFFFFFF0] =	vst v19;
	v19 =	vadd.f32 v22, v20;
	v20 =	vadd.s32 s4, v3  }
0x371: {  	v22 =	vadd.s32 s4, v7;
	[tilespmem:s6+$0x0] =	vst v17;
	v17 =	vadd.f32 v25, v18  }
0x372: {  	v18 =	vadd.s32 s4, v4;
	[tilespmem:s6+$0x10] =	vst v19  }
0x373: {  	[tilespmem:s6+$0x20] =	vst v17;
	v17 =	vadd.s32 s4, v6  }
0x374: {  	v19 =	vadd.s32 s4, v5;
	v21 =	vld.idx.msk [tilespmem:v21+s19+$0x0], $0xffff  }
0x375: {  	v23 =	vadd.s32 s4, v8;
	v20 =	vld.idx.msk [tilespmem:v20+s19+$0x0], $0xffff  }
0x376: {  	v22 =	vld.idx.msk [tilespmem:v22+s19+$0x0], $0xffff  }
0x377: {  	v24 =	vadd.s32 s4, v9;
	v18 =	vld.idx.msk [tilespmem:v18+s19+$0x0], $0xffff  }
0x378: {  	v17 =	vld.idx.msk [tilespmem:v17+s19+$0x0], $0xffff  }
0x379: {  	v19 =	vld.idx.msk [tilespmem:v19+s19+$0x0], $0xffff  }
0x37a: {  	v23 =	vld.idx.msk [tilespmem:v23+s19+$0x0], $0xffff;
	_ =	sdelay $0x1  }
0x37b: {  	v24 =	vld.idx.msk [tilespmem:v24+s19+$0x0], $0xffff;
	v21 =	vmul.u32 $0xA, v21;
	v20 =	vmul.u32 $0xC, v20  }
0x37c: {  	v17 =	vmul.u32 $0x18, v17  }
0x37d: {  	v19 =	vadd.s32 v19, v21;
	v21 =	vshll.u32 v22, $0x2;
	v18 =	vadd.s32 v18, v20  }
0x37e: {  	s21 =	simm.s32 $0x0;
	v20 =	vshll.u32 v23, $0x1;
	v18 =	vadd.s32 $0xA9, v18;
	v17 =	vadd.s32 v21, v17  }
0x37f: {  	v18 =	vshll.u32 v18, $0x7;
	v21 =	vmov s21;
	v17 =	vadd.s32 v20, v17  }
0x380: {  	v20 =	vadd.s32 v24, v17;
	v24 =	vperm.xlane v18, v21  }
0x381: {  	v25 =	vadd.s32 s4, v1  }
0x382: {  	v27 =	vadd.s32 v16, v24  }
0x383: {  	v29 =	vadd.s32 v15, v24  }
0x384: {  	v48 =	vadd.s32 v11, v24  }
0x385: {  	v50 =	vadd.s32 v12, v24  }
0x386: {  	v22 =	vld.idx.msk [tilespmem:v25+s19+$0x0], $0xffff;
	v19 =	vadd.s32 $0x77, v19;
	v53 =	vadd.s32 v13, v24  }
0x387: {  	v17 =	vshll.u32 v19, $0x7;
	v56 =	vadd.s32 v14, v24;
	v27 =	vld.idx.msk [tilespmem:v27+s12+$0x0], $0xffff  }
0x388: {  	v23 =	vperm.xlane v17, v21;
	v58 =	vadd.s32 v0, v24;
	v29 =	vld.idx.msk [tilespmem:v29+s12+$0x0], $0xffff  }
0x389: {  	v24 =	vadd.s32 v10, v24;
	v33 =	vld.idx.msk [tilespmem:v48+s12+$0x0], $0xffff  }
0x38a: {  	v26 =	vadd.s32 v16, v23;
	v36 =	vld.idx.msk [tilespmem:v50+s12+$0x0], $0xffff  }
0x38b: {  	v19 =	vadd.s32 $0x139, v20;
	v20 =	vshll.u32 v22, $0x7;
	v22 =	vadd.s32 v15, v23;
	v39 =	vld.idx.msk [tilespmem:v53+s12+$0x0], $0xffff  }
0x38c: {  	v47 =	vadd.s32 v11, v23;
	v42 =	vld.idx.msk [tilespmem:v56+s12+$0x0], $0xffff  }
0x38d: {  	v19 =	vshll.u32 v19, $0x7;
	v49 =	vadd.s32 v12, v23;
	v44 =	vld.idx.msk [tilespmem:v58+s12+$0x0], $0xffff  }
0x38e: {  	v25 =	vperm.xlane v19, v21;
	v52 =	vadd.s32 v13, v23;
	v24 =	vld.idx.msk [tilespmem:v24+s12+$0x0], $0xffff  }
0x38f: {  	v55 =	vadd.s32 v14, v23;
	v26 =	vld.idx.msk [tilespmem:v26+s12+$0x0], $0xffff  }
0x390: {  	v21 =	vperm.xlane v20, v21;
	v28 =	vadd.s32 v16, v25;
	v34 =	vld.idx.msk [tilespmem:v22+s12+$0x0], $0xffff  }
0x391: {  	v30 =	vadd.s32 v15, v25;
	v32 =	vld.idx.msk [tilespmem:v47+s12+$0x0], $0xffff  }
0x392: {  	v31 =	vadd.s32 v11, v21;
	v35 =	vld.idx.msk [tilespmem:v49+s12+$0x0], $0xffff  }
0x393: {  	v51 =	vadd.s32 v13, v21;
	v38 =	vld.idx.msk [tilespmem:v52+s12+$0x0], $0xffff  }
0x394: {  	v54 =	vadd.s32 v14, v21;
	v41 =	vld.idx.msk [tilespmem:v55+s12+$0x0], $0xffff  }
0x395: {  	v57 =	vadd.s32 v0, v21;
	v28 =	vld.idx.msk [tilespmem:v28+s12+$0x0], $0xffff  }
0x396: {  	v59 =	vadd.s32 v0, v25;
	v30 =	vld.idx.msk [tilespmem:v30+s12+$0x0], $0xffff  }
0x397: {  	v60 =	vadd.s32 v16, v21;
	v31 =	vld.idx.msk [tilespmem:v31+s12+$0x0], $0xffff  }
0x398: {  	v61 =	vadd.s32 v10, v21;
	v37 =	vld.idx.msk [tilespmem:v51+s12+$0x0], $0xffff  }
0x399: {  	v48 =	vadd.s32 v10, v23;
	v40 =	vld.idx.msk [tilespmem:v54+s12+$0x0], $0xffff  }
0x39a: {  	v23 =	vadd.s32 v0, v23;
	v43 =	vld.idx.msk [tilespmem:v57+s12+$0x0], $0xffff  }
0x39b: {  	v22 =	vadd.s32 v12, v21;
	v45 =	vld.idx.msk [tilespmem:v59+s12+$0x0], $0xffff  }
0x39c: {  	v50 =	vadd.s32 v11, v25;
	v46 =	vld.idx.msk [tilespmem:v60+s12+$0x0], $0xffff  }
0x39d: {  	v52 =	vadd.s32 v13, v25;
	v47 =	vld.idx.msk [tilespmem:v61+s12+$0x0], $0xffff  }
0x39e: {  	v49 =	vadd.s32 v10, v25;
	v51 =	vadd.s32 v12, v25;
	v25 =	vadd.s32 v14, v25;
	v48 =	vld.idx.msk [tilespmem:v48+s12+$0x0], $0xffff  }
0x39f: {  	v23 =	vld.idx.msk [tilespmem:v23+s12+$0x0], $0xffff  }
0x3a0: {  	v22 =	vld.idx.msk [tilespmem:v22+s12+$0x0], $0xffff  }
0x3a1: {  	v21 =	vadd.s32 v15, v21;
	v50 =	vld.idx.msk [tilespmem:v50+s12+$0x0], $0xffff  }
0x3a2: {  	v52 =	vld.idx.msk [tilespmem:v52+s12+$0x0], $0xffff;
	v31 =	vadd.f32 v32, v31;
	v63 =	vadd.f32 v38, v37  }
0x3a3: {  	v26 =	vadd.f32 v26, v46;
	v27 =	vadd.f32 v28, v27;
	v25 =	vld.idx.msk [tilespmem:v25+s12+$0x0], $0xffff  }
0x3a4: {  	v28 =	vld.idx.msk [tilespmem:v51+s12+$0x0], $0xffff;
	v51 =	vadd.f32 v45, v44;
	v53 =	vadd.f32 v48, v47  }
0x3a5: {  	v23 =	vadd.f32 v23, v43;
	v62 =	vadd.f32 v35, v22;
	v22 =	vld.idx.msk [tilespmem:v49+s12+$0x0], $0xffff  }
0x3a6: {  	v21 =	vld.idx.msk [tilespmem:v21+s12+$0x0], $0xffff;
	v26 =	vadd.f32 v27, v26;
	v27 =	vadd.f32 v30, v29  }
0x3a7: {  	v33 =	vadd.f32 v50, v33;
	v30 =	vadd.f32 v51, v23  }
0x3a8: {  	s22 =	simm.s32 $0x1;
	s4 =	simm.s32 $0x186F0;
	v49 =	vadd.f32 v41, v40;
	v25 =	vadd.f32 v25, v42  }
0x3a9: {  	v29 =	vmov s22;
	[tilespmem:s4+$0xFFFFFF90] =	vst v30;
	v30 =	vadd.f32 v33, v31;
	v31 =	vadd.f32 v52, v39  }
0x3aa: {  	[tilespmem:s4+$0x0] =	vst v26;
	v25 =	vadd.f32 v25, v49;
	v22 =	vadd.f32 v22, v24;
	v24 =	vperm.xlane v18, v29  }
0x3ab: {  	v21 =	vadd.f32 v34, v21;
	v23 =	vperm.xlane v17, v29;
	[tilespmem:s4+$0xFFFFFFB0] =	vst v30;
	v30 =	vadd.f32 v31, v63  }
0x3ac: {  	v28 =	vadd.f32 v28, v36;
	[tilespmem:s4+$0xFFFFFFE0] =	vst v25;
	v26 =	vadd.f32 v22, v53;
	v31 =	vadd.s32 v16, v24  }
0x3ad: {  	v21 =	vadd.f32 v27, v21;
	v27 =	vperm.xlane v20, v29;
	[tilespmem:s4+$0xFFFFFFD0] =	vst v30;
	v30 =	vadd.s32 v15, v23  }
0x3ae: {  	v25 =	vadd.s32 v15, v24;
	[tilespmem:s4+$0xFFFFFFA0] =	vst v26;
	v26 =	vadd.f32 v28, v62  }
0x3af: {  	[tilespmem:s4+$0xFFFFFFF0] =	vst v21;
	v55 =	vadd.s32 v11, v27  }
0x3b0: {  	v56 =	vadd.s32 v11, v23;
	[tilespmem:s4+$0xFFFFFFC0] =	vst v26  }
0x3b1: {  	v22 =	vperm.xlane v19, v29;
	v57 =	vadd.s32 v11, v24;
	v29 =	vld.idx.msk [tilespmem:v31+s12+$0x0], $0xffff  }
0x3b2: {  	v58 =	vadd.s32 v12, v27;
	v21 =	vld.idx.msk [tilespmem:v30+s12+$0x0], $0xffff  }
0x3b3: {  	v59 =	vadd.s32 v12, v23;
	v25 =	vld.idx.msk [tilespmem:v25+s12+$0x0], $0xffff  }
0x3b4: {  	v60 =	vadd.s32 v12, v24;
	v33 =	vld.idx.msk [tilespmem:v55+s12+$0x0], $0xffff  }
0x3b5: {  	v63 =	vadd.s32 v13, v23;
	v61 =	vld.idx.msk [tilespmem:v56+s12+$0x0], $0xffff  }
0x3b6: {  	v28 =	vadd.s32 v16, v23;
	v30 =	vld.idx.msk [tilespmem:v57+s12+$0x0], $0xffff  }
0x3b7: {  	v62 =	vadd.s32 v13, v27;
	v34 =	vld.idx.msk [tilespmem:v58+s12+$0x0], $0xffff  }
0x3b8: {  	v26 =	vadd.s32 v16, v22;
	v36 =	vld.idx.msk [tilespmem:v59+s12+$0x0], $0xffff  }
0x3b9: {  	v54 =	vadd.s32 v15, v22;
	v32 =	vld.idx.msk [tilespmem:v60+s12+$0x0], $0xffff  }
0x3ba: {  	v41 =	vadd.s32 v13, v24;
	v37 =	vld.idx.msk [tilespmem:v63+s12+$0x0], $0xffff  }
0x3bb: {  	v40 =	vadd.s32 v14, v27;
	v28 =	vld.idx.msk [tilespmem:v28+s12+$0x0], $0xffff  }
0x3bc: {  	v42 =	vadd.s32 v14, v23;
	v35 =	vld.idx.msk [tilespmem:v62+s12+$0x0], $0xffff  }
0x3bd: {  	v38 =	vadd.s32 v14, v24;
	v31 =	vld.idx.msk [tilespmem:v26+s12+$0x0], $0xffff  }
0x3be: {  	s6 =	simm.s32 $0x2;
	v39 =	vadd.s32 v0, v27;
	v26 =	vld.idx.msk [tilespmem:v54+s12+$0x0], $0xffff;
	v33 =	vadd.f32 v61, v33  }
.LBB2_20:
0x3bf: {  	p0 =	sne.s32 s6, $0xF;
	v43 =	vadd.s32 v0, v24;
	v41 =	vld.idx.msk [tilespmem:v41+s12+$0x0], $0xffff  }
0x3c0: {  	v44 =	vadd.s32 v0, v22;
	v40 =	vld.idx.msk [tilespmem:v40+s12+$0x0], $0xffff  }
0x3c1: {  	v45 =	vadd.s32 v16, v27;
	v34 =	vadd.f32 v36, v34;
	v42 =	vld.idx.msk [tilespmem:v42+s12+$0x0], $0xffff  }
0x3c2: {  	v36 =	vadd.s32 v10, v27;
	v38 =	vld.idx.msk [tilespmem:v38+s12+$0x0], $0xffff  }
0x3c3: {  	v46 =	vadd.s32 v10, v23;
	v39 =	vld.idx.msk [tilespmem:v39+s12+$0x0], $0xffff  }
0x3c4: {  	v24 =	vadd.s32 v10, v24;
	v35 =	vadd.f32 v37, v35;
	v43 =	vld.idx.msk [tilespmem:v43+s12+$0x0], $0xffff  }
0x3c5: {  	v23 =	vadd.s32 v0, v23;
	v37 =	vld.idx.msk [tilespmem:v44+s12+$0x0], $0xffff  }
0x3c6: {  	v44 =	vadd.s32 v10, v22;
	v45 =	vld.idx.msk [tilespmem:v45+s12+$0x0], $0xffff  }
0x3c7: {  	v47 =	vadd.s32 v11, v22;
	v40 =	vadd.f32 v42, v40;
	v36 =	vld.idx.msk [tilespmem:v36+s12+$0x0], $0xffff  }
0x3c8: {  	v42 =	vld.idx.msk [tilespmem:v46+s12+$0x0], $0xffff;
	v46 =	vadd.s32 v12, v22  }
0x3c9: {  	v48 =	vadd.s32 v13, v22;
	v24 =	vld.idx.msk [tilespmem:v24+s12+$0x0], $0xffff  }
0x3ca: {  	v22 =	vadd.s32 v14, v22;
	v23 =	vld.idx.msk [tilespmem:v23+s12+$0x0], $0xffff  }
0x3cb: {  	v27 =	vadd.s32 v15, v27;
	v37 =	vadd.f32 v37, v43;
	v44 =	vld.idx.msk [tilespmem:v44+s12+$0x0], $0xffff  }
0x3cc: {  	v29 =	vadd.f32 v31, v29;
	v28 =	vadd.f32 v28, v45;
	v43 =	vld.idx.msk [tilespmem:v47+s12+$0x0], $0xffff  }
0x3cd: {  	v31 =	vld.idx.msk [tilespmem:v46+s12+$0x0], $0xffff  }
0x3ce: {  	v36 =	vadd.f32 v42, v36;
	v28 =	vadd.f32 v29, v28;
	v45 =	vld.idx.msk [tilespmem:v48+s12+$0x0], $0xffff  }
0x3cf: {  	s4 =	sadd.s32 $0x80, s4;
	v29 =	vld.idx.msk [tilespmem:v22+s12+$0x0], $0xffff  }
0x3d0: {  	v22 =	vadd.f32 v23, v39;
	v27 =	vld.idx.msk [tilespmem:v27+s12+$0x0], $0xffff;
	[tilespmem:s4+$0x0] =	vst v28  }
0x3d1: {  	v25 =	vadd.f32 v26, v25;
	v24 =	vadd.f32 v44, v24  }
0x3d2: {  	v26 =	vmov s6;
	v22 =	vadd.f32 v37, v22;
	v28 =	vadd.f32 v43, v30  }
0x3d3: {  	v23 =	vperm.xlane v17, v26;
	v30 =	vadd.f32 v24, v36;
	v31 =	vadd.f32 v31, v32  }
0x3d4: {  	v24 =	vperm.xlane v18, v26;
	v28 =	vadd.f32 v28, v33;
	v32 =	vadd.f32 v45, v41;
	[tilespmem:s4+$0xFFFFFF90] =	vst v22  }
0x3d5: {  	v22 =	vperm.xlane v19, v26;
	v29 =	vadd.f32 v29, v38;
	[tilespmem:s4+$0xFFFFFFA0] =	vst v30;
	v30 =	vadd.f32 v31, v34  }
0x3d6: {  	v31 =	vadd.s32 v16, v23;
	v21 =	vadd.f32 v21, v27;
	[tilespmem:s4+$0xFFFFFFB0] =	vst v28;
	v28 =	vadd.f32 v32, v35  }
0x3d7: {  	v32 =	vadd.s32 v16, v24;
	v27 =	vadd.f32 v29, v40;
	[tilespmem:s4+$0xFFFFFFC0] =	vst v30  }
0x3d8: {  	v30 =	vadd.s32 v16, v22;
	v21 =	vadd.f32 v25, v21;
	[tilespmem:s4+$0xFFFFFFD0] =	vst v28  }
0x3d9: {  	v25 =	vadd.s32 v15, v23;
	[tilespmem:s4+$0xFFFFFFE0] =	vst v27  }
0x3da: {  	v27 =	vperm.xlane v20, v26;
	v26 =	vadd.s32 v15, v24;
	[tilespmem:s4+$0xFFFFFFF0] =	vst v21  }
0x3db: {  	v33 =	vadd.s32 v15, v22;
	v28 =	vld.idx.msk [tilespmem:v31+s12+$0x0], $0xffff  }
0x3dc: {  	v34 =	vadd.s32 v11, v27;
	v29 =	vld.idx.msk [tilespmem:v32+s12+$0x0], $0xffff  }
0x3dd: {  	v32 =	vadd.s32 v11, v23;
	v31 =	vld.idx.msk [tilespmem:v30+s12+$0x0], $0xffff  }
0x3de: {  	v30 =	vadd.s32 v11, v24;
	v21 =	vld.idx.msk [tilespmem:v25+s12+$0x0], $0xffff  }
0x3df: {  	v35 =	vadd.s32 v12, v27;
	v25 =	vld.idx.msk [tilespmem:v26+s12+$0x0], $0xffff  }
0x3e0: {  	v36 =	vadd.s32 v12, v23;
	v26 =	vld.idx.msk [tilespmem:v33+s12+$0x0], $0xffff  }
0x3e1: {  	v37 =	vadd.s32 v12, v24;
	v33 =	vld.idx.msk [tilespmem:v34+s12+$0x0], $0xffff  }
0x3e2: {  	v38 =	vadd.s32 v13, v27;
	v43 =	vld.idx.msk [tilespmem:v32+s12+$0x0], $0xffff  }
0x3e3: {  	v44 =	vadd.s32 v13, v23;
	v30 =	vld.idx.msk [tilespmem:v30+s12+$0x0], $0xffff  }
.Ltmp13:
0x3e4: {  	v41 =	vadd.s32 v13, v24;
	v34 =	vld.idx.msk [tilespmem:v35+s12+$0x0], $0xffff;
	(pc) =	sbr.rel @p0 .LBB2_20-.Ltmp13, $4  }
0x3e5: {  	v40 =	vadd.s32 v14, v27;
	v36 =	vld.idx.msk [tilespmem:v36+s12+$0x0], $0xffff  }
0x3e6: {  	v42 =	vadd.s32 v14, v23;
	v32 =	vld.idx.msk [tilespmem:v37+s12+$0x0], $0xffff  }
0x3e7: {  	v35 =	vld.idx.msk [tilespmem:v38+s12+$0x0], $0xffff;
	v38 =	vadd.s32 v14, v24  }
0x3e8: {  	s6 =	sadd.s32 $0x1, s6;
	v39 =	vadd.s32 v0, v27;
	v33 =	vadd.f32 v43, v33;
	v37 =	vld.idx.msk [tilespmem:v44+s12+$0x0], $0xffff  }
0x3e9: {  	_ =	sdelay $0x3  }
0x3ea: {  	v17 =	vadd.s32 v0, v24;
	v18 =	vld.idx.msk [tilespmem:v41+s12+$0x0], $0xffff  }
0x3eb: {  	v19 =	vadd.s32 v0, v22;
	v20 =	vld.idx.msk [tilespmem:v40+s12+$0x0], $0xffff  }
0x3ec: {  	v51 =	vld.idx.msk [tilespmem:v42+s12+$0x0], $0xffff;
	v52 =	vadd.s32 v16, v27  }
0x3ed: {  	v53 =	vadd.s32 v10, v27;
	v38 =	vld.idx.msk [tilespmem:v38+s12+$0x0], $0xffff  }
0x3ee: {  	v39 =	vld.idx.msk [tilespmem:v39+s12+$0x0], $0xffff;
	v43 =	vadd.s32 v10, v23  }
0x3ef: {  	v54 =	vadd.s32 v10, v24;
	v17 =	vld.idx.msk [tilespmem:v17+s12+$0x0], $0xffff  }
0x3f0: {  	v55 =	vadd.s32 v0, v23;
	v19 =	vld.idx.msk [tilespmem:v19+s12+$0x0], $0xffff  }
0x3f1: {  	v44 =	vadd.s32 v10, v22;
	v41 =	vld.idx.msk [tilespmem:v52+s12+$0x0], $0xffff  }
0x3f2: {  	v45 =	vadd.s32 v11, v22;
	v42 =	vld.idx.msk [tilespmem:v53+s12+$0x0], $0xffff  }
0x3f3: {  	v46 =	vadd.s32 v12, v22;
	v43 =	vld.idx.msk [tilespmem:v43+s12+$0x0], $0xffff  }
0x3f4: {  	v47 =	vadd.s32 v13, v22;
	v24 =	vld.idx.msk [tilespmem:v54+s12+$0x0], $0xffff  }
0x3f5: {  	v56 =	vadd.s32 v14, v22;
	v23 =	vld.idx.msk [tilespmem:v55+s12+$0x0], $0xffff  }
0x3f6: {  	v58 =	vadd.s32 v15, v27;
	v29 =	vadd.f32 v31, v29;
	v57 =	vld.idx.msk [tilespmem:v44+s12+$0x0], $0xffff  }
0x3f7: {  	v25 =	vadd.f32 v26, v25;
	v34 =	vadd.f32 v36, v34;
	v59 =	vld.idx.msk [tilespmem:v45+s12+$0x0], $0xffff  }
0x3f8: {  	v35 =	vadd.f32 v37, v35;
	v20 =	vadd.f32 v51, v20;
	v60 =	vld.idx.msk [tilespmem:v46+s12+$0x0], $0xffff  }
0x3f9: {  	v28 =	vadd.f32 v28, v41;
	v17 =	vadd.f32 v19, v17;
	v19 =	vld.idx.msk [tilespmem:v47+s12+$0x0], $0xffff  }
0x3fa: {  	v22 =	vld.idx.msk [tilespmem:v56+s12+$0x0], $0xffff;
	v61 =	vadd.f32 v43, v42;
	v23 =	vadd.f32 v23, v39  }
0x3fb: {  	v27 =	vld.idx.msk [tilespmem:v58+s12+$0x0], $0xffff;
	v24 =	vadd.f32 v57, v24;
	v28 =	vadd.f32 v29, v28  }
0x3fc: {  	s4 =	sadd.s32 $0x80, s4;
	v62 =	vadd.f32 v59, v30;
	v17 =	vadd.f32 v17, v23  }
0x3fd: {  	v63 =	vadd.f32 v60, v32;
	v24 =	vadd.f32 v24, v61;
	[tilespmem:s4+$0x0] =	vst v28  }
0x3fe: {  	[tilespmem:s4+$0xFFFFFF90] =	vst v17;
	v17 =	vadd.f32 v62, v33;
	v18 =	vadd.f32 v19, v18  }
0x3ff: {  	s1 =	sadd.s32 $0x1, s1;
	v22 =	vadd.f32 v22, v38;
	[tilespmem:s4+$0xFFFFFFA0] =	vst v24;
	v19 =	vadd.f32 v63, v34  }
0x400: {  	p0 =	sne.s32 s1, $0x31;
	[tilespmem:s4+$0xFFFFFFB0] =	vst v17;
	v17 =	vadd.f32 v18, v35;
	v18 =	vadd.f32 v21, v27  }
.Ltmp14:
0x401: {  	[tilespmem:s4+$0xFFFFFFC0] =	vst v19;
	v19 =	vadd.f32 v22, v20;
	(pc) =	sbr.rel @p0 .LBB2_10-.Ltmp14, $4  }
.Ltmp15:
0x402: {  	s5 =	sshll.u32 s5, $0x4;
	[tilespmem:s4+$0xFFFFFFD0] =	vst v17;
	v17 =	vadd.f32 v25, v18;
	(pc) =	sbr.rel @!p0 .LBB2_22-.Ltmp15, $4  }
0x403: {  	s5 =	sand.u32 $0x1FFFFF80, s5;
	[tilespmem:s4+$0xFFFFFFE0] =	vst v19  }
0x404: {  	s22 =	sadd.s32 s11, s5;
	[tilespmem:s4+$0xFFFFFFF0] =	vst v17  }
0x405: {  	[hbm4b:s22+s12] =	stream.linear.scatter [tilespmem:s31], [sflag:$0x2], $0x1000, $0x38;
	[tilespmem:$0x18E80] =	vst v63  }
0x406: {  	_ = 	snop  }
.LBB2_11:
.Ltmp16:
0x407: {  	(pc) =	sbr.rel .LBB2_15-.Ltmp16, $2  }
0x408: {  	_ =	sdelay $0x2  }
0x409: {  	s9 =	simm.s32 $0x16EC0  }
.LBB2_13:
.Ltmp17:
0x40a: {  	(pc) =	sbr.rel .LBB2_15-.Ltmp17, $2  }
0x40b: {  	_ =	sdelay $0x2  }
0x40c: {  	s9 =	simm.s32 $0x16EC0  }
.LBB2_5:
.Ltmp18:
0x40d: {  	(pc) =	sbr.rel .LBB2_7-.Ltmp18, $2  }
0x40e: {  	_ =	sdelay $0x2  }
0x40f: {  	s9 =	simm.s32 $0x200  }
.LBB2_23:
0x410: {  	_ =	sfence.sel $0x180000  }
0x411: {  	[bflag:$0x0] =	sbarrier.arrive $0xFFFF  }
0x412: {  	_ =	strace $0x90000047  }
0x413: {  	s0 =	stileid.u32;
	[bflag:$0x2] =	sbarrier.arrive $0xFFFF  }
0x414: {  	p0 =	sne.s32 s0, $0x0;
	s0 =	rddreg [dreg:$0xb]  }
0x415: {  	s0 =	sadd.s32 @!p0 $0x100000, s0  }
0x416: {  	[sflag:s0] =	ssyncadd.tile.s32 @!p0 $0x1;
	_ =	shalt  }
.Lfunc_end2:
_tile_overlayer_lowered:
.L_overlay_start_2:
0x417: {  	(tag) =	ssettag $0x2  }
0x418: {  	s0 =	rddreg [dreg:$0x0];
	s2 =	stileid.u32  }
0x419: {  	s1 =	rddreg [dreg:$0x1];
	p0 =	sne.s32 s2, $0x0  }
0x41a: {  	s3 =	rddreg [dreg:$0x2];
	[bflag:$0x3] =	sbarrier.arrive $0xFFFF;
	s2 =	simm.s32 @!p0 $0x1C03  }
0x41b: {  	[timem:s3], [sflag:s2] =	dma.local @!p0 [hbm:s0], s1  }
0x41c: {  	s0 =	simm.s32 @!p0 $0x3  }
0x41d: {  	_ =	swait.ge @!p0 [sflag:s0], s1  }
0x41e: {  	s1 =	ssub.s32 @!p0 $0x0, s1;
	[sflag:s0] =	ssyncset.done @!p0 $0x0  }
0x41f: {  	[sflag:s0] =	ssyncadd.s32 @!p0 s1  }
0x420: {  	[bflag:$0x3] =	sbarrier.arrive $0xFFFF  }
0x421: {  	_ =	shalt  }

</sc_bundles>
